<compile_context>
chip_gen: v7x
topology: tpu7x:2x2x1
jax: 0.10.2.dev20260603
libtpu: 0.0.44.dev20260713+nightly
codegen_flags: <defaults>
</compile_context>

<pallas_src>
import functools

import jax
import jax.numpy as jnp
from jax import lax
from jax.experimental import pallas as pl
from jax.experimental.pallas import tpu as pltpu
from jax.experimental.pallas import tpu_sc as plsc

N_NODES = 100000
MEM_DIM = 512
MSG_DIM = 1024
B = 16384

NC, NS = 2, 16
NW = NC * NS
B_PER_W = B // NW
B_PER_CS = B // NS
HALF = N_NODES // NC
ROWS_PER_SUB = 3128
ROWS_LAST = HALF - (NS - 1) * ROWS_PER_SUB
GCHUNK = 64
ROWS_PER_SUBW = 3128
ROWS_LASTW = N_NODES - (NW - 1) * ROWS_PER_SUBW
SRCBUF_PAD = 3136

@functools.cache
def _mesh():
    return plsc.VectorSubcoreMesh(
        core_axis_name="c", subcore_axis_name="s",
        num_cores=NC, num_subcores=NS,
    )


def _flat_wid():
    c = lax.axis_index("c")
    s = lax.axis_index("s")
    return c * NS + s, c, s


def _gather_body(mem_hbm, ids_hbm, out_hbm, idx_v, rowsA, rowsB,
                 semA, semB):
    w, _, _ = _flat_wid()
    base = w * B_PER_W
    pltpu.sync_copy(ids_hbm.at[pl.ds(base, B_PER_W)], idx_v)

    slots = ((rowsA, semA), (rowsB, semB))
    nch = B_PER_W // GCHUNK
    for slot, (rows_v, sem) in enumerate(slots):
        pltpu.async_copy(
            mem_hbm.at[idx_v.at[pl.ds(slot * GCHUNK, GCHUNK)]], rows_v, sem)

    @pl.loop(0, nch - 2)
    def _(j):
        for slot, (rows_v, sem) in enumerate(slots):
            @pl.when(lax.rem(j, 2) == slot)
            def _():
                pltpu.make_async_copy(
                    mem_hbm.at[idx_v.at[pl.ds(0, GCHUNK)]], rows_v, sem
                ).wait()
                pltpu.sync_copy(
                    rows_v, out_hbm.at[pl.ds(base + j * GCHUNK, GCHUNK)])
                pltpu.async_copy(
                    mem_hbm.at[idx_v.at[pl.ds((j + 2) * GCHUNK, GCHUNK)]],
                    rows_v, sem)

    for slot, (rows_v, sem) in enumerate(slots):
        pltpu.make_async_copy(
            mem_hbm.at[idx_v.at[pl.ds(0, GCHUNK)]], rows_v, sem).wait()
        pltpu.sync_copy(
            rows_v,
            out_hbm.at[pl.ds(base + (nch - 2 + slot) * GCHUNK, GCHUNK)])


def _sc_gather(memory, node_ids):
    kern = pl.kernel(
        _gather_body,
        out_type=jax.ShapeDtypeStruct((B, MEM_DIM), jnp.float32),
        mesh=_mesh(),
        scratch_types=[
            pltpu.VMEM((B_PER_W,), jnp.int32),
            pltpu.VMEM((GCHUNK, MEM_DIM), jnp.float32),
            pltpu.VMEM((GCHUNK, MEM_DIM), jnp.float32),
            pltpu.SemaphoreType.DMA,
            pltpu.SemaphoreType.DMA,
        ],
    )
    return kern(memory, node_ids)


def _winner_body(ids_hbm, map_hbm, ids_full, srcbuf):
    w, _, _ = _flat_wid()
    pltpu.sync_copy(ids_hbm, ids_full)
    r0 = w * ROWS_PER_SUBW
    rl = jnp.where(w < NW - 1, ROWS_PER_SUBW, ROWS_LASTW)

    @pl.loop(0, SRCBUF_PAD // 16)
    def _(k):
        srcbuf[pl.ds(k * 16, 16)] = jnp.full((16,), -1, jnp.int32)

    lane = lax.broadcasted_iota(jnp.int32, (16,), 0)

    @pl.loop(0, B // 16)
    def _(cidx):
        ids16 = ids_full[pl.ds(cidx * 16, 16)]
        m = (ids16 >= r0) & (ids16 < r0 + rl)
        pop0 = plsc.all_reduce_population_count(m)

        @pl.when(lax.reduce_max(pop0, axes=(0,)) > 0)
        def _():
            i16 = lane + cidx * 16
            idx16 = jnp.clip(ids16 - r0, 0, SRCBUF_PAD - 1)

            def body(_):
                back = plsc.load_gather(srcbuf, [idx16])
                m2 = m & (i16 > back)
                plsc.store_scatter(srcbuf, [idx16], i16, mask=m2)
                pop = plsc.all_reduce_population_count(m2)
                return lax.reduce_max(pop, axes=(0,)) > 0

            lax.while_loop(lambda c: c, body, True)

    @pl.when(w < NW - 1)
    def _():
        pltpu.sync_copy(srcbuf.at[pl.ds(0, ROWS_PER_SUBW)],
                        map_hbm.at[pl.ds(r0, ROWS_PER_SUBW)])

    @pl.when(w == NW - 1)
    def _():
        pltpu.sync_copy(srcbuf.at[pl.ds(0, ROWS_LASTW)],
                        map_hbm.at[pl.ds(r0, ROWS_LASTW)])


def _sc_winner(node_ids):
    kern = pl.kernel(
        _winner_body,
        out_type=jax.ShapeDtypeStruct((N_NODES,), jnp.int32),
        mesh=_mesh(),
        compiler_params=pltpu.CompilerParams(needs_layout_passes=False),
        scratch_types=[
            pltpu.VMEM((B,), jnp.int32),
            pltpu.VMEM((SRCBUF_PAD,), jnp.int32),
        ],
    )
    return kern(node_ids)


def _srcb_body(map_hbm, ids_hbm, ts_hbm, src_out, tsw_out,
               map_v, ts_v, ids_sl, src_sl, tsw_sl):
    w, _, _ = _flat_wid()
    base = w * B_PER_W
    pltpu.sync_copy(map_hbm, map_v)
    pltpu.sync_copy(ts_hbm, ts_v)
    pltpu.sync_copy(ids_hbm.at[pl.ds(base, B_PER_W)], ids_sl)

    @pl.loop(0, B_PER_W // 16)
    def _(k):
        ids16 = ids_sl[pl.ds(k * 16, 16)]
        src16 = plsc.load_gather(map_v, [ids16])
        ts16 = plsc.load_gather(ts_v, [src16])
        src_sl[pl.ds(k * 16, 16)] = src16
        tsw_sl[pl.ds(k * 16, 16)] = ts16

    pltpu.sync_copy(src_sl, src_out.at[pl.ds(base, B_PER_W)])
    pltpu.sync_copy(tsw_sl, tsw_out.at[pl.ds(base, B_PER_W)])


def _sc_srcb(srcmap, node_ids, timestamps):
    kern = pl.kernel(
        _srcb_body,
        out_type=(jax.ShapeDtypeStruct((B,), jnp.int32),
                  jax.ShapeDtypeStruct((B,), jnp.float32)),
        mesh=_mesh(),
        compiler_params=pltpu.CompilerParams(needs_layout_passes=False),
        scratch_types=[
            pltpu.VMEM((N_NODES,), jnp.int32),
            pltpu.VMEM((B,), jnp.float32),
            pltpu.VMEM((B_PER_W,), jnp.int32),
            pltpu.VMEM((B_PER_W,), jnp.int32),
            pltpu.VMEM((B_PER_W,), jnp.float32),
        ],
    )
    return kern(srcmap, node_ids, timestamps)


def _gi_body(x_ref, wi_ref, bi_ref, o_ref):
    x = x_ref[...].astype(jnp.bfloat16)
    gi = lax.dot_general(
        x, wi_ref[...], (((1,), (1,)), ((), ())),
        preferred_element_type=jnp.float32,
    ) + bi_ref[...]
    o_ref[...] = gi.astype(jnp.bfloat16)


def _tc_gi(unique_msg, W_ih, b_ih):
    BM = 1024
    return pl.pallas_call(
        _gi_body,
        grid=(B // BM,),
        in_specs=[
            pl.BlockSpec((BM, MSG_DIM), lambda i: (i, 0)),
            pl.BlockSpec((3 * MEM_DIM, MSG_DIM), lambda i: (0, 0)),
            pl.BlockSpec((1, 3 * MEM_DIM), lambda i: (0, 0)),
        ],
        out_specs=pl.BlockSpec((BM, 3 * MEM_DIM), lambda i: (i, 0)),
        out_shape=jax.ShapeDtypeStruct((B, 3 * MEM_DIM), jnp.bfloat16),
    )(unique_msg, W_ih.astype(jnp.bfloat16), b_ih.reshape(1, -1))


def _gh_body(gi_ref, h_ref, wh_ref, bh_ref, o_ref):
    h = h_ref[...]
    gh = lax.dot_general(
        h.astype(jnp.bfloat16), wh_ref[...], (((1,), (1,)), ((), ())),
        preferred_element_type=jnp.float32,
    ) + bh_ref[...]
    gi = gi_ref[...].astype(jnp.float32)
    M = MEM_DIM
    r = jax.nn.sigmoid(gi[:, :M] + gh[:, :M])
    z = jax.nn.sigmoid(gi[:, M:2 * M] + gh[:, M:2 * M])
    n = jnp.tanh(gi[:, 2 * M:] + r * gh[:, 2 * M:])
    o_ref[...] = (1.0 - z) * n + z * h


def _tc_gh(gi, h, W_hh, b_hh):
    BM = 1024
    return pl.pallas_call(
        _gh_body,
        grid=(B // BM,),
        in_specs=[
            pl.BlockSpec((BM, 3 * MEM_DIM), lambda i: (i, 0)),
            pl.BlockSpec((BM, MEM_DIM), lambda i: (i, 0)),
            pl.BlockSpec((3 * MEM_DIM, MEM_DIM), lambda i: (0, 0)),
            pl.BlockSpec((1, 3 * MEM_DIM), lambda i: (0, 0)),
        ],
        out_specs=pl.BlockSpec((BM, MEM_DIM), lambda i: (i, 0)),
        out_shape=jax.ShapeDtypeStruct((B, MEM_DIM), jnp.float32),
    )(gi, h, W_hh.astype(jnp.bfloat16), b_hh.reshape(1, -1))


def _scatter_body(hnew_hbm, ids_hbm, src_hbm, mem_ref,
                  srcA, srcB, destA, destB, rowsA, rowsB, sem_g, sem_s):
    w, _, _ = _flat_wid()
    base = w * B_PER_W

    @pl.loop(0, B_PER_W // GCHUNK, step=2)
    def _(j):
        for slot, (src_v, dest_v, rows_v) in enumerate(
                ((srcA, destA, rowsA), (srcB, destB, rowsB))):
            off = base + (j + slot) * GCHUNK
            pltpu.sync_copy(src_hbm.at[pl.ds(off, GCHUNK)], src_v)
            pltpu.sync_copy(ids_hbm.at[pl.ds(off, GCHUNK)], dest_v)
            pltpu.async_copy(hnew_hbm.at[src_v], rows_v, sem_g).wait()
            pltpu.async_copy(rows_v, mem_ref.at[dest_v], sem_s).wait()


def _sc_scatter(mem_ref, h_new, node_ids, src_b):
    kern = pl.kernel(
        _scatter_body,
        out_type=(),
        mesh=_mesh(),
        scratch_types=[
            pltpu.VMEM((GCHUNK,), jnp.int32),
            pltpu.VMEM((GCHUNK,), jnp.int32),
            pltpu.VMEM((GCHUNK,), jnp.int32),
            pltpu.VMEM((GCHUNK,), jnp.int32),
            pltpu.VMEM((GCHUNK, MEM_DIM), jnp.float32),
            pltpu.VMEM((GCHUNK, MEM_DIM), jnp.float32),
            pltpu.SemaphoreType.DMA,
            pltpu.SemaphoreType.DMA,
        ],
    )
    kern(h_new, node_ids, src_b, mem_ref)


def _lu_body(lu_hbm, ids_hbm, tsw_hbm, out_hbm, ids_v, tsw_v, lu_buf):
    w, c, s = _flat_wid()
    base = c * HALF + s * ROWS_PER_SUB

    pltpu.sync_copy(ids_hbm, ids_v)
    pltpu.sync_copy(tsw_hbm, tsw_v)

    @pl.when(s < NS - 1)
    def _():
        pltpu.sync_copy(lu_hbm.at[pl.ds(base, ROWS_PER_SUB)],
                        lu_buf.at[pl.ds(0, ROWS_PER_SUB)])

    @pl.when(s == NS - 1)
    def _():
        pltpu.sync_copy(lu_hbm.at[pl.ds(base, ROWS_LAST)],
                        lu_buf.at[pl.ds(0, ROWS_LAST)])

    limit = base + jnp.where(s < NS - 1, ROWS_PER_SUB, ROWS_LAST)

    @pl.loop(0, B // 16)
    def _(cidx):
        ids16 = ids_v[pl.ds(cidx * 16, 16)]
        ts16 = tsw_v[pl.ds(cidx * 16, 16)]
        m = (ids16 >= base) & (ids16 < limit)
        idx16 = jnp.clip(ids16 - base, 0, ROWS_PER_SUB - 1)
        plsc.store_scatter(lu_buf, [idx16], ts16, mask=m)

    @pl.when(s < NS - 1)
    def _():
        pltpu.sync_copy(lu_buf.at[pl.ds(0, ROWS_PER_SUB)],
                        out_hbm.at[pl.ds(base, ROWS_PER_SUB)])

    @pl.when(s == NS - 1)
    def _():
        pltpu.sync_copy(lu_buf.at[pl.ds(0, ROWS_LAST)],
                        out_hbm.at[pl.ds(base, ROWS_LAST)])


def _sc_last_update(last_update, node_ids, ts_w):
    kern = pl.kernel(
        _lu_body,
        out_type=jax.ShapeDtypeStruct((N_NODES,), jnp.float32),
        mesh=_mesh(),
        compiler_params=pltpu.CompilerParams(needs_layout_passes=False),
        scratch_types=[
            pltpu.VMEM((B,), jnp.int32),
            pltpu.VMEM((B,), jnp.float32),
            pltpu.VMEM((ROWS_PER_SUB,), jnp.float32),
        ],
    )
    return kern(last_update, node_ids, ts_w)


def kernel(memory, last_update, node_ids, unique_msg, timestamps,
           W_ih, W_hh, b_ih, b_hh):
    h = _sc_gather(memory, node_ids)
    srcmap = _sc_winner(node_ids)
    src_b, ts_w = _sc_srcb(srcmap, node_ids, timestamps)
    out_lu = _sc_last_update(last_update, node_ids, ts_w)
    gi = _tc_gi(unique_msg, W_ih, b_ih)
    h_new = _tc_gh(gi, h, W_hh, b_hh)

    mem_ref = jax.new_ref(memory)
    _sc_scatter(mem_ref, h_new, node_ids, src_b)
    out_mem = mem_ref[...]
    return (out_mem, out_lu)

# --- scband reference (transcript-rebuilt; emitter-appended) ---
"""Pipeline reference for scband-tgn-44616120271324 (READ-ONLY COPY).

The authoritative reference and input builder live on the scoring server;
editing this copy changes nothing except your own understanding.
"""

import jax, jax.numpy as jnp
import numpy as np

N_NODES = 100000
MEM_DIM = 512
MSG_DIM = 1024
B = 16384


def setup_inputs(seed: int = 0) -> dict:
    key = jax.random.key(seed)
    ks = jax.random.split(key, 9)
    memory = jax.random.normal(ks[0], (N_NODES, MEM_DIM), dtype=jnp.float32)
    last_update = jnp.zeros((N_NODES,), dtype=jnp.float32)
    node_ids = jax.random.randint(ks[1], (B,), 0, N_NODES, dtype=jnp.int32)
    unique_msg = jax.random.normal(ks[2], (B, MSG_DIM), dtype=jnp.float32)
    timestamps = jax.random.uniform(ks[3], (B,), dtype=jnp.float32)  # >= last_update (zeros)
    s_ih = 1.0 / np.sqrt(MEM_DIM)
    W_ih = jax.random.normal(ks[4], (3 * MEM_DIM, MSG_DIM), dtype=jnp.float32) * s_ih
    W_hh = jax.random.normal(ks[5], (3 * MEM_DIM, MEM_DIM), dtype=jnp.float32) * s_ih
    b_ih = jax.random.normal(ks[6], (3 * MEM_DIM,), dtype=jnp.float32) * s_ih
    b_hh = jax.random.normal(ks[7], (3 * MEM_DIM,), dtype=jnp.float32) * s_ih
    return {
        "memory": memory,
        "last_update": last_update,
        "node_ids": node_ids,
        "unique_msg": unique_msg,
        "timestamps": timestamps,
        "W_ih": W_ih,
        "W_hh": W_hh,
        "b_ih": b_ih,
        "b_hh": b_hh,
    }


def _gru_cell(x, h, W_ih, W_hh, b_ih, b_hh):
    # Faithful to torch.nn.GRUCell
    gi = x @ W_ih.T + b_ih
    gh = h @ W_hh.T + b_hh
    i_r, i_z, i_n = jnp.split(gi, 3, axis=1)
    h_r, h_z, h_n = jnp.split(gh, 3, axis=1)
    r = jax.nn.sigmoid(i_r + h_r)
    z = jax.nn.sigmoid(i_z + h_z)
    n = jnp.tanh(i_n + r * h_n)
    return (1.0 - z) * n + z * h


def reference(memory, last_update, node_ids, unique_msg, timestamps, W_ih, W_hh, b_ih, b_hh):
    # TGN GRUMemoryUpdater.get_updated_memory:
    # gather memory rows for updated nodes, run GRUCell, scatter-overwrite back
    h = jnp.take(memory, node_ids, axis=0)
    h_new = _gru_cell(unique_msg, h, W_ih, W_hh, b_ih, b_hh)
    updated_memory = memory.at[node_ids].set(h_new)
    updated_last_update = last_update.at[node_ids].set(timestamps)
    return (updated_memory, updated_last_update)

if __name__ == "__main__":
    import jax
    _d = setup_inputs()
    print(jax.jit(kernel)(*tuple(_d.values())))

</pallas_src>

<mosaic_0001>
#map = affine_map<(d0, d1) -> (0)>
module attributes {stable_mosaic.version = 14 : i64} {
  func.func @_winner_body(%arg0: i32, %arg1: i32, %arg2: memref<16384xi32, #tpu.memory_space<hbm>>, %arg3: memref<100000xi32, #tpu.memory_space<hbm>>, %arg4: memref<16384xi32, #tpu.memory_space<vmem>>, %arg5: memref<3136xi32, #tpu.memory_space<vmem>>) attributes {dimension_semantics = [#tpu.dimension_semantics<core_parallel>, #tpu.dimension_semantics<subcore_parallel>], iteration_bounds = array<i64: 2, 16>, scalar_prefetch = 0 : i64, scratch_operands = 2 : i64, tpu.core_type = #tpu.core_type<sc_vector_subcore>, window_params = [{transform_indices = #map}, {transform_indices = #map}]} {
    %mul3A = arith.constant 16 : i32
    %mul3A_0 = arith.muli %arg0, %mul3A : i32
    %add3A = arith.addi %mul3A_0, %arg1 : i32
    "tpu.region"() ({
      %run_scoped3A = tpu.sem_alloc : memref<!tpu.dma_semaphore, #tpu.memory_space<semaphore_mem>>
      tpu.enqueue_dma source(%arg2 : memref<16384xi32, #tpu.memory_space<hbm>>) target(%arg4 : memref<16384xi32, #tpu.memory_space<vmem>>) target_semaphore(%run_scoped3A : memref<!tpu.dma_semaphore, #tpu.memory_space<semaphore_mem>>)
      tpu.wait_dma2 semaphore(%run_scoped3A : memref<!tpu.dma_semaphore, #tpu.memory_space<semaphore_mem>>) src(%arg2 : memref<16384xi32, #tpu.memory_space<hbm>>) dst(%arg4 : memref<16384xi32, #tpu.memory_space<vmem>>)
      tpu.yield
    }) : () -> ()
    %mul3A_1 = arith.constant 3128 : i32
    %mul3A_2 = arith.muli %add3A, %mul3A_1 : i32
    %lt3A = arith.constant 31 : i32
    %lt3A_3 = arith.cmpi slt, %add3A, %lt3A : i32
    %jit3A = arith.constant 3128 : i32
    %jit3A_4 = arith.constant 3032 : i32
    %select_n3A = arith.select %lt3A_3, %jit3A, %jit3A_4 : i32
    %scan3A = arith.constant 0 : i32
    %scan3A_5 = arith.constant 196 : i32
    %scan3A_6 = arith.addi %scan3A, %scan3A_5 : i32
    %scan3A_7 = arith.constant 1 : i32
    scf.for %scan3A_21 = %scan3A to %scan3A_6 step %scan3A_7  : i32 {
      %mul3A_22 = arith.constant 1 : i32
      %mul3A_23 = arith.muli %scan3A_21, %mul3A_22 : i32
      %add3A_24 = arith.constant 0 : i32
      %add3A_25 = arith.addi %add3A_24, %mul3A_23 : i32
      %broadcast_in_dim3A = arith.constant -1 : i32
      %broadcast_in_dim3A_26 = vector.broadcast %broadcast_in_dim3A : i32 to vector<16xi32>
      %mul3A_27 = arith.constant 16 : i32
      %mul3A_28 = arith.muli %add3A_25, %mul3A_27 : i32
      %swap3A = arith.index_cast %mul3A_28 : i32 to index
      %swap3A_29 = tpu.vector_load %arg5[%swap3A] {strides = array<i32>} : memref<3136xi32, #tpu.memory_space<vmem>>, vector<16xi32>,
      tpu.vector_store %arg5[%swap3A], %broadcast_in_dim3A_26 {strides = array<i32>} : memref<3136xi32, #tpu.memory_space<vmem>>, vector<16xi32>,
    }
    %scan3A_8 = arith.constant 196 : i32
    %iota3A = tpu.iota {dimensions = array<i32: 0>} : vector<16xi32>
    %scan3A_9 = arith.constant 0 : i32
    %scan3A_10 = arith.constant 1024 : i32
    %scan3A_11 = arith.addi %scan3A_9, %scan3A_10 : i32
    %scan3A_12 = arith.constant 1 : i32
    scf.for %scan3A_21 = %scan3A_9 to %scan3A_11 step %scan3A_12  : i32 {
      %mul3A_22 = arith.constant 1 : i32
      %mul3A_23 = arith.muli %scan3A_21, %mul3A_22 : i32
      %add3A_24 = arith.constant 0 : i32
      %add3A_25 = arith.addi %add3A_24, %mul3A_23 : i32
      %mul3A_26 = arith.constant 16 : i32
      %mul3A_27 = arith.muli %add3A_25, %mul3A_26 : i32
      %get3A = arith.index_cast %mul3A_27 : i32 to index
      %get3A_28 = tpu.vector_load %arg4[%get3A] {strides = array<i32>} : memref<16384xi32, #tpu.memory_space<vmem>>, vector<16xi32>,
      %ge3A = vector.broadcast %mul3A_2 : i32 to vector<16xi32>
      %ge3A_29 = arith.cmpi sge, %get3A_28, %ge3A : vector<16xi32>
      %add3A_30 = arith.addi %mul3A_2, %select_n3A : i32
      %lt3A_31 = vector.broadcast %add3A_30 : i32 to vector<16xi32>
      %lt3A_32 = arith.cmpi slt, %get3A_28, %lt3A_31 : vector<16xi32>
      %and3A = arith.andi %ge3A_29, %lt3A_32 : vector<16xi1>
      %all_reduce_population_count3A = tpu.all_reduce %and3A {dim = 0 : i64, kind = #tpu.reduction_kind<sum>} : vector<16xi1> -> vector<16xi32>
      %reduce_max3A = arith.constant true
      %reduce_max3A_33 = vector.broadcast %reduce_max3A : i1 to vector<16xi1>
      %reduce_max3A_34 = arith.constant -2147483648 : i32
      %reduce_max3A_35 = vector.broadcast %reduce_max3A_34 : i32 to vector<16xi32>
      %reduce_max3A_36 = arith.xori %all_reduce_population_count3A, %reduce_max3A_35 : vector<16xi32>
      %reduce_max3A_37 = tpu.scan <max>, %reduce_max3A_36 masked %reduce_max3A_33 : vector<16xi32>, vector<16xi1> -> vector<16xi32>
      %reduce_max3A_38 = arith.xori %reduce_max3A_37, %reduce_max3A_35 : vector<16xi32>
      %reduce_max3A_39 = vector.extract %reduce_max3A_38[15] : i32 from vector<16xi32>
      %gt3A = arith.constant 0 : i32
      %gt3A_40 = arith.cmpi sgt, %reduce_max3A_39, %gt3A : i32
      %convert_element_type3A_41 = arith.extui %gt3A_40 : i1 to i32
      %cond3A_42 = arith.constant 0 : i32
      %cond3A_43 = arith.cmpi ne, %convert_element_type3A_41, %cond3A_42 : i32
      scf.if %cond3A_43 {
        %mul3A_44 = arith.constant 16 : i32
        %mul3A_45 = arith.muli %add3A_25, %mul3A_44 : i32
        %add3A_46 = vector.broadcast %mul3A_45 : i32 to vector<16xi32>
        %add3A_47 = arith.addi %iota3A, %add3A_46 : vector<16xi32>
        %sub3A = vector.broadcast %mul3A_2 : i32 to vector<16xi32>
        %sub3A_48 = arith.subi %get3A_28, %sub3A : vector<16xi32>
        %jit3A_49 = arith.constant 0 : i32
        %jit3A_50 = arith.constant 3135 : i32
        %max3A = vector.broadcast %jit3A_49 : i32 to vector<16xi32>
        %max3A_51 = arith.maxsi %max3A, %sub3A_48 : vector<16xi32>
        %min3A = vector.broadcast %jit3A_50 : i32 to vector<16xi32>
        %min3A_52 = arith.minsi %min3A, %max3A_51 : vector<16xi32>
        %while3A = arith.constant true
        %while3A_53 = scf.while (%while3A_54 = %while3A) : (i1) -> i1 {
          scf.condition(%while3A_54) %while3A_54 : i1
        } do {
        ^bb0(%while3A_54: i1):
          %gather3A = tpu.vector_load_idx %arg5[%min3A_52] : memref<3136xi32, #tpu.memory_space<vmem>>[vector<16xi32>], vector<16xi32>,
          %gt3A_55 = arith.cmpi sgt, %add3A_47, %gather3A : vector<16xi32>
          %and3A_56 = arith.andi %and3A, %gt3A_55 : vector<16xi1>
          tpu.vector_store_idx %arg5[%min3A_52], %add3A_47 masked %and3A_56 : memref<3136xi32, #tpu.memory_space<vmem>>[vector<16xi32>], vector<16xi32>, vector<16xi1>
          %all_reduce_population_count3A_57 = tpu.all_reduce %and3A_56 {dim = 0 : i64, kind = #tpu.reduction_kind<sum>} : vector<16xi1> -> vector<16xi32>
          %reduce_max3A_58 = arith.constant true
          %reduce_max3A_59 = vector.broadcast %reduce_max3A_58 : i1 to vector<16xi1>
          %reduce_max3A_60 = arith.constant -2147483648 : i32
          %reduce_max3A_61 = vector.broadcast %reduce_max3A_60 : i32 to vector<16xi32>
          %reduce_max3A_62 = arith.xori %all_reduce_population_count3A_57, %reduce_max3A_61 : vector<16xi32>
          %reduce_max3A_63 = tpu.scan <max>, %reduce_max3A_62 masked %reduce_max3A_59 : vector<16xi32>, vector<16xi1> -> vector<16xi32>
          %reduce_max3A_64 = arith.xori %reduce_max3A_63, %reduce_max3A_61 : vector<16xi32>
          %reduce_max3A_65 = vector.extract %reduce_max3A_64[15] : i32 from vector<16xi32>
          %gt3A_66 = arith.constant 0 : i32
          %gt3A_67 = arith.cmpi sgt, %reduce_max3A_65, %gt3A_66 : i32
          scf.yield %gt3A_67 : i1
        }
      } else {
      }
    }
    %scan3A_13 = arith.constant 1024 : i32
    %lt3A_14 = arith.constant 31 : i32
    %lt3A_15 = arith.cmpi slt, %add3A, %lt3A_14 : i32
    %convert_element_type3A = arith.extui %lt3A_15 : i1 to i32
    %cond3A = arith.constant 0 : i32
    %cond3A_16 = arith.cmpi ne, %convert_element_type3A, %cond3A : i32
    scf.if %cond3A_16 {
      "tpu.region"() ({
        %run_scoped3A = tpu.sem_alloc : memref<!tpu.dma_semaphore, #tpu.memory_space<semaphore_mem>>
        %dma_start3A = arith.constant 0 : i32
        %dma_start3A_21 = tpu.memref_slice %arg5[%dma_start3A] : memref<3136xi32, #tpu.memory_space<vmem>> -> memref<3128xi32, #tpu.memory_space<vmem>>
        %dma_start3A_22 = tpu.memref_slice %arg3[%mul3A_2] : memref<100000xi32, #tpu.memory_space<hbm>> -> memref<3128xi32, #tpu.memory_space<hbm>>
        %dma_start3A_23 = tpu.memref_slice %arg3[%mul3A_2] : memref<100000xi32, #tpu.memory_space<hbm>> -> memref<3128xi32, #tpu.memory_space<hbm>>
        %dma_start3A_24 = arith.constant 0 : i32
        %dma_start3A_25 = tpu.memref_slice %arg5[%dma_start3A_24] : memref<3136xi32, #tpu.memory_space<vmem>> -> memref<3128xi32, #tpu.memory_space<vmem>>
        tpu.enqueue_dma source(%dma_start3A_25 : memref<3128xi32, #tpu.memory_space<vmem>>) target(%dma_start3A_23 : memref<3128xi32, #tpu.memory_space<hbm>>) target_semaphore(%run_scoped3A : memref<!tpu.dma_semaphore, #tpu.memory_space<semaphore_mem>>)
        %dma_wait3A = arith.constant 0 : i32
        %dma_wait3A_26 = tpu.memref_slice %arg5[%dma_wait3A] : memref<3136xi32, #tpu.memory_space<vmem>> -> memref<3128xi32, #tpu.memory_space<vmem>>
        %dma_wait3A_27 = tpu.memref_slice %arg3[%mul3A_2] : memref<100000xi32, #tpu.memory_space<hbm>> -> memref<3128xi32, #tpu.memory_space<hbm>>
        %dma_wait3A_28 = tpu.memref_slice %arg3[%mul3A_2] : memref<100000xi32, #tpu.memory_space<hbm>> -> memref<3128xi32, #tpu.memory_space<hbm>>
        %dma_wait3A_29 = arith.constant 0 : i32
        %dma_wait3A_30 = tpu.memref_slice %arg5[%dma_wait3A_29] : memref<3136xi32, #tpu.memory_space<vmem>> -> memref<3128xi32, #tpu.memory_space<vmem>>
        tpu.wait_dma2 semaphore(%run_scoped3A : memref<!tpu.dma_semaphore, #tpu.memory_space<semaphore_mem>>) src(%dma_wait3A_30 : memref<3128xi32, #tpu.memory_space<vmem>>) dst(%dma_wait3A_28 : memref<3128xi32, #tpu.memory_space<hbm>>)
        tpu.yield
      }) : () -> ()
    } else {
    }
    %eq3A = arith.constant 31 : i32
    %eq3A_17 = arith.cmpi eq, %add3A, %eq3A : i32
    %convert_element_type3A_18 = arith.extui %eq3A_17 : i1 to i32
    %cond3A_19 = arith.constant 0 : i32
    %cond3A_20 = arith.cmpi ne, %convert_element_type3A_18, %cond3A_19 : i32
    scf.if %cond3A_20 {
      "tpu.region"() ({
        %run_scoped3A = tpu.sem_alloc : memref<!tpu.dma_semaphore, #tpu.memory_space<semaphore_mem>>
        %dma_start3A = arith.constant 0 : i32
        %dma_start3A_21 = tpu.memref_slice %arg5[%dma_start3A] : memref<3136xi32, #tpu.memory_space<vmem>> -> memref<3032xi32, #tpu.memory_space<vmem>>
        %dma_start3A_22 = tpu.memref_slice %arg3[%mul3A_2] : memref<100000xi32, #tpu.memory_space<hbm>> -> memref<3032xi32, #tpu.memory_space<hbm>>
        %dma_start3A_23 = tpu.memref_slice %arg3[%mul3A_2] : memref<100000xi32, #tpu.memory_space<hbm>> -> memref<3032xi32, #tpu.memory_space<hbm>>
        %dma_start3A_24 = arith.constant 0 : i32
        %dma_start3A_25 = tpu.memref_slice %arg5[%dma_start3A_24] : memref<3136xi32, #tpu.memory_space<vmem>> -> memref<3032xi32, #tpu.memory_space<vmem>>
        tpu.enqueue_dma source(%dma_start3A_25 : memref<3032xi32, #tpu.memory_space<vmem>>) target(%dma_start3A_23 : memref<3032xi32, #tpu.memory_space<hbm>>) target_semaphore(%run_scoped3A : memref<!tpu.dma_semaphore, #tpu.memory_space<semaphore_mem>>)
        %dma_wait3A = arith.constant 0 : i32
        %dma_wait3A_26 = tpu.memref_slice %arg5[%dma_wait3A] : memref<3136xi32, #tpu.memory_space<vmem>> -> memref<3032xi32, #tpu.memory_space<vmem>>
        %dma_wait3A_27 = tpu.memref_slice %arg3[%mul3A_2] : memref<100000xi32, #tpu.memory_space<hbm>> -> memref<3032xi32, #tpu.memory_space<hbm>>
        %dma_wait3A_28 = tpu.memref_slice %arg3[%mul3A_2] : memref<100000xi32, #tpu.memory_space<hbm>> -> memref<3032xi32, #tpu.memory_space<hbm>>
        %dma_wait3A_29 = arith.constant 0 : i32
        %dma_wait3A_30 = tpu.memref_slice %arg5[%dma_wait3A_29] : memref<3136xi32, #tpu.memory_space<vmem>> -> memref<3032xi32, #tpu.memory_space<vmem>>
        tpu.wait_dma2 semaphore(%run_scoped3A : memref<!tpu.dma_semaphore, #tpu.memory_space<semaphore_mem>>) src(%dma_wait3A_30 : memref<3032xi32, #tpu.memory_space<vmem>>) dst(%dma_wait3A_28 : memref<3032xi32, #tpu.memory_space<hbm>>)
        tpu.yield
      }) : () -> ()
    } else {
    }
    return
  }
}

#map = affine_map<(d0, d1) -> (0, 0)>
#map1 = affine_map<(d0, d1) -> (0)>
module attributes {stable_mosaic.version = 14 : i64} {
  func.func @_gather_body(%arg0: i32, %arg1: i32, %arg2: memref<100000x512xf32, #tpu.memory_space<hbm>>, %arg3: memref<16384xi32, #tpu.memory_space<hbm>>, %arg4: memref<16384x512xf32, #tpu.memory_space<hbm>>, %arg5: memref<512xi32, #tpu.memory_space<vmem>>, %arg6: memref<64x512xf32, #tpu.memory_space<vmem>>, %arg7: memref<64x512xf32, #tpu.memory_space<vmem>>, %arg8: memref<!tpu.dma_semaphore, #tpu.memory_space<semaphore_mem>>, %arg9: memref<!tpu.dma_semaphore, #tpu.memory_space<semaphore_mem>>) attributes {dimension_semantics = [#tpu.dimension_semantics<core_parallel>, #tpu.dimension_semantics<subcore_parallel>], iteration_bounds = array<i64: 2, 16>, scalar_prefetch = 0 : i64, scratch_operands = 5 : i64, tpu.core_type = #tpu.core_type<sc_vector_subcore>, window_params = [{transform_indices = #map}, {transform_indices = #map1}, {transform_indices = #map}]} {
    %mul3A = arith.constant 16 : i32
    %mul3A_0 = arith.muli %arg0, %mul3A : i32
    %add3A = arith.addi %mul3A_0, %arg1 : i32
    %mul3A_1 = arith.constant 512 : i32
    %mul3A_2 = arith.muli %add3A, %mul3A_1 : i32
    "tpu.region"() ({
      %run_scoped3A = tpu.sem_alloc : memref<!tpu.dma_semaphore, #tpu.memory_space<semaphore_mem>>
      %dma_start3A_29 = tpu.memref_slice %arg3[%mul3A_2] : memref<16384xi32, #tpu.memory_space<hbm>> -> memref<512xi32, #tpu.memory_space<hbm>>
      %dma_start3A_30 = tpu.memref_slice %arg3[%mul3A_2] : memref<16384xi32, #tpu.memory_space<hbm>> -> memref<512xi32, #tpu.memory_space<hbm>>
      tpu.enqueue_dma source(%dma_start3A_30 : memref<512xi32, #tpu.memory_space<hbm>>) target(%arg5 : memref<512xi32, #tpu.memory_space<vmem>>) target_semaphore(%run_scoped3A : memref<!tpu.dma_semaphore, #tpu.memory_space<semaphore_mem>>)
      %dma_wait3A_31 = tpu.memref_slice %arg3[%mul3A_2] : memref<16384xi32, #tpu.memory_space<hbm>> -> memref<512xi32, #tpu.memory_space<hbm>>
      %dma_wait3A_32 = tpu.memref_slice %arg3[%mul3A_2] : memref<16384xi32, #tpu.memory_space<hbm>> -> memref<512xi32, #tpu.memory_space<hbm>>
      tpu.wait_dma2 semaphore(%run_scoped3A : memref<!tpu.dma_semaphore, #tpu.memory_space<semaphore_mem>>) src(%dma_wait3A_32 : memref<512xi32, #tpu.memory_space<hbm>>) dst(%arg5 : memref<512xi32, #tpu.memory_space<vmem>>)
      tpu.yield
    }) : () -> ()
    %dma_start3A = arith.constant 0 : i32
    %dma_start3A_3 = tpu.memref_slice %arg5[%dma_start3A] : memref<512xi32, #tpu.memory_space<vmem>> -> memref<64xi32, #tpu.memory_space<vmem>>
    %dma_start3A_4 = arith.constant 0 : i32
    %dma_start3A_5 = arith.constant 0 : i32
    %dma_start3A_6 = tpu.memref_slice %arg2[%dma_start3A_4, %dma_start3A_5] : memref<100000x512xf32, #tpu.memory_space<hbm>> -> memref<100000x512xf32, #tpu.memory_space<hbm>>
    tpu.enqueue_indirect_dma source(%dma_start3A_6 : memref<100000x512xf32, #tpu.memory_space<hbm>>) target(%arg6 : memref<64x512xf32, #tpu.memory_space<vmem>>) offsets(%dma_start3A_3 : memref<64xi32, #tpu.memory_space<vmem>>) semaphore(%arg8 : memref<!tpu.dma_semaphore, #tpu.memory_space<semaphore_mem>>)
    %dma_start3A_7 = arith.constant 64 : i32
    %dma_start3A_8 = tpu.memref_slice %arg5[%dma_start3A_7] : memref<512xi32, #tpu.memory_space<vmem>> -> memref<64xi32, #tpu.memory_space<vmem>>
    %dma_start3A_9 = arith.constant 0 : i32
    %dma_start3A_10 = arith.constant 0 : i32
    %dma_start3A_11 = tpu.memref_slice %arg2[%dma_start3A_9, %dma_start3A_10] : memref<100000x512xf32, #tpu.memory_space<hbm>> -> memref<100000x512xf32, #tpu.memory_space<hbm>>
    tpu.enqueue_indirect_dma source(%dma_start3A_11 : memref<100000x512xf32, #tpu.memory_space<hbm>>) target(%arg7 : memref<64x512xf32, #tpu.memory_space<vmem>>) offsets(%dma_start3A_8 : memref<64xi32, #tpu.memory_space<vmem>>) semaphore(%arg9 : memref<!tpu.dma_semaphore, #tpu.memory_space<semaphore_mem>>)
    %scan3A = arith.constant 0 : i32
    %scan3A_12 = arith.constant 6 : i32
    %scan3A_13 = arith.addi %scan3A, %scan3A_12 : i32
    %scan3A_14 = arith.constant 1 : i32
    scf.for %scan3A_29 = %scan3A to %scan3A_13 step %scan3A_14  : i32 {
      %mul3A_30 = arith.constant 1 : i32
      %mul3A_31 = arith.muli %scan3A_29, %mul3A_30 : i32
      %add3A_32 = arith.constant 0 : i32
      %add3A_33 = arith.addi %add3A_32, %mul3A_31 : i32
      %rem3A = arith.constant 2 : i32
      %rem3A_34 = arith.remsi %add3A_33, %rem3A : i32
      %eq3A = arith.constant 0 : i32
      %eq3A_35 = arith.cmpi eq, %rem3A_34, %eq3A : i32
      %convert_element_type3A = arith.extui %eq3A_35 : i1 to i32
      %cond3A = arith.constant 0 : i32
      %cond3A_36 = arith.cmpi ne, %convert_element_type3A, %cond3A : i32
      scf.if %cond3A_36 {
        %dma_wait3A_44 = arith.constant 0 : i32
        %dma_wait3A_45 = tpu.memref_slice %arg5[%dma_wait3A_44] : memref<512xi32, #tpu.memory_space<vmem>> -> memref<64xi32, #tpu.memory_space<vmem>>
        %dma_wait3A_46 = arith.constant 0 : i32
        %dma_wait3A_47 = arith.constant 0 : i32
        %dma_wait3A_48 = tpu.memref_slice %arg2[%dma_wait3A_46, %dma_wait3A_47] : memref<100000x512xf32, #tpu.memory_space<hbm>> -> memref<100000x512xf32, #tpu.memory_space<hbm>>
        tpu.wait_indirect_dma semaphore(%arg8 : memref<!tpu.dma_semaphore, #tpu.memory_space<semaphore_mem>>) src(%dma_wait3A_48 : memref<100000x512xf32, #tpu.memory_space<hbm>>) dst(%arg6 : memref<64x512xf32, #tpu.memory_space<vmem>>)
        %mul3A_49 = arith.constant 64 : i32
        %mul3A_50 = arith.muli %add3A_33, %mul3A_49 : i32
        %add3A_51 = arith.addi %mul3A_2, %mul3A_50 : i32
        "tpu.region"() ({
          %run_scoped3A = tpu.sem_alloc : memref<!tpu.dma_semaphore, #tpu.memory_space<semaphore_mem>>
          %dma_start3A_60 = arith.constant 0 : i32
          %dma_start3A_61 = tpu.memref_slice %arg4[%add3A_51, %dma_start3A_60] : memref<16384x512xf32, #tpu.memory_space<hbm>> -> memref<64x512xf32, #tpu.memory_space<hbm>>
          %dma_start3A_62 = arith.constant 0 : i32
          %dma_start3A_63 = tpu.memref_slice %arg4[%add3A_51, %dma_start3A_62] : memref<16384x512xf32, #tpu.memory_space<hbm>> -> memref<64x512xf32, #tpu.memory_space<hbm>>
          tpu.enqueue_dma source(%arg6 : memref<64x512xf32, #tpu.memory_space<vmem>>) target(%dma_start3A_63 : memref<64x512xf32, #tpu.memory_space<hbm>>) target_semaphore(%run_scoped3A : memref<!tpu.dma_semaphore, #tpu.memory_space<semaphore_mem>>)
          %dma_wait3A_64 = arith.constant 0 : i32
          %dma_wait3A_65 = tpu.memref_slice %arg4[%add3A_51, %dma_wait3A_64] : memref<16384x512xf32, #tpu.memory_space<hbm>> -> memref<64x512xf32, #tpu.memory_space<hbm>>
          %dma_wait3A_66 = arith.constant 0 : i32
          %dma_wait3A_67 = tpu.memref_slice %arg4[%add3A_51, %dma_wait3A_66] : memref<16384x512xf32, #tpu.memory_space<hbm>> -> memref<64x512xf32, #tpu.memory_space<hbm>>
          tpu.wait_dma2 semaphore(%run_scoped3A : memref<!tpu.dma_semaphore, #tpu.memory_space<semaphore_mem>>) src(%arg6 : memref<64x512xf32, #tpu.memory_space<vmem>>) dst(%dma_wait3A_67 : memref<64x512xf32, #tpu.memory_space<hbm>>)
          tpu.yield
        }) : () -> ()
        %add3A_52 = arith.constant 2 : i32
        %add3A_53 = arith.addi %add3A_33, %add3A_52 : i32
        %mul3A_54 = arith.constant 64 : i32
        %mul3A_55 = arith.muli %add3A_53, %mul3A_54 : i32
        %dma_start3A_56 = tpu.memref_slice %arg5[%mul3A_55] : memref<512xi32, #tpu.memory_space<vmem>> -> memref<64xi32, #tpu.memory_space<vmem>>
        %dma_start3A_57 = arith.constant 0 : i32
        %dma_start3A_58 = arith.constant 0 : i32
        %dma_start3A_59 = tpu.memref_slice %arg2[%dma_start3A_57, %dma_start3A_58] : memref<100000x512xf32, #tpu.memory_space<hbm>> -> memref<100000x512xf32, #tpu.memory_space<hbm>>
        tpu.enqueue_indirect_dma source(%dma_start3A_59 : memref<100000x512xf32, #tpu.memory_space<hbm>>) target(%arg6 : memref<64x512xf32, #tpu.memory_space<vmem>>) offsets(%dma_start3A_56 : memref<64xi32, #tpu.memory_space<vmem>>) semaphore(%arg8 : memref<!tpu.dma_semaphore, #tpu.memory_space<semaphore_mem>>)
      } else {
      }
      %rem3A_37 = arith.constant 2 : i32
      %rem3A_38 = arith.remsi %add3A_33, %rem3A_37 : i32
      %eq3A_39 = arith.constant 1 : i32
      %eq3A_40 = arith.cmpi eq, %rem3A_38, %eq3A_39 : i32
      %convert_element_type3A_41 = arith.extui %eq3A_40 : i1 to i32
      %cond3A_42 = arith.constant 0 : i32
      %cond3A_43 = arith.cmpi ne, %convert_element_type3A_41, %cond3A_42 : i32
      scf.if %cond3A_43 {
        %dma_wait3A_44 = arith.constant 0 : i32
        %dma_wait3A_45 = tpu.memref_slice %arg5[%dma_wait3A_44] : memref<512xi32, #tpu.memory_space<vmem>> -> memref<64xi32, #tpu.memory_space<vmem>>
        %dma_wait3A_46 = arith.constant 0 : i32
        %dma_wait3A_47 = arith.constant 0 : i32
        %dma_wait3A_48 = tpu.memref_slice %arg2[%dma_wait3A_46, %dma_wait3A_47] : memref<100000x512xf32, #tpu.memory_space<hbm>> -> memref<100000x512xf32, #tpu.memory_space<hbm>>
        tpu.wait_indirect_dma semaphore(%arg9 : memref<!tpu.dma_semaphore, #tpu.memory_space<semaphore_mem>>) src(%dma_wait3A_48 : memref<100000x512xf32, #tpu.memory_space<hbm>>) dst(%arg7 : memref<64x512xf32, #tpu.memory_space<vmem>>)
        %mul3A_49 = arith.constant 64 : i32
        %mul3A_50 = arith.muli %add3A_33, %mul3A_49 : i32
        %add3A_51 = arith.addi %mul3A_2, %mul3A_50 : i32
        "tpu.region"() ({
          %run_scoped3A = tpu.sem_alloc : memref<!tpu.dma_semaphore, #tpu.memory_space<semaphore_mem>>
          %dma_start3A_60 = arith.constant 0 : i32
          %dma_start3A_61 = tpu.memref_slice %arg4[%add3A_51, %dma_start3A_60] : memref<16384x512xf32, #tpu.memory_space<hbm>> -> memref<64x512xf32, #tpu.memory_space<hbm>>
          %dma_start3A_62 = arith.constant 0 : i32
          %dma_start3A_63 = tpu.memref_slice %arg4[%add3A_51, %dma_start3A_62] : memref<16384x512xf32, #tpu.memory_space<hbm>> -> memref<64x512xf32, #tpu.memory_space<hbm>>
          tpu.enqueue_dma source(%arg7 : memref<64x512xf32, #tpu.memory_space<vmem>>) target(%dma_start3A_63 : memref<64x512xf32, #tpu.memory_space<hbm>>) target_semaphore(%run_scoped3A : memref<!tpu.dma_semaphore, #tpu.memory_space<semaphore_mem>>)
          %dma_wait3A_64 = arith.constant 0 : i32
          %dma_wait3A_65 = tpu.memref_slice %arg4[%add3A_51, %dma_wait3A_64] : memref<16384x512xf32, #tpu.memory_space<hbm>> -> memref<64x512xf32, #tpu.memory_space<hbm>>
          %dma_wait3A_66 = arith.constant 0 : i32
          %dma_wait3A_67 = tpu.memref_slice %arg4[%add3A_51, %dma_wait3A_66] : memref<16384x512xf32, #tpu.memory_space<hbm>> -> memref<64x512xf32, #tpu.memory_space<hbm>>
          tpu.wait_dma2 semaphore(%run_scoped3A : memref<!tpu.dma_semaphore, #tpu.memory_space<semaphore_mem>>) src(%arg7 : memref<64x512xf32, #tpu.memory_space<vmem>>) dst(%dma_wait3A_67 : memref<64x512xf32, #tpu.memory_space<hbm>>)
          tpu.yield
        }) : () -> ()
        %add3A_52 = arith.constant 2 : i32
        %add3A_53 = arith.addi %add3A_33, %add3A_52 : i32
        %mul3A_54 = arith.constant 64 : i32
        %mul3A_55 = arith.muli %add3A_53, %mul3A_54 : i32
        %dma_start3A_56 = tpu.memref_slice %arg5[%mul3A_55] : memref<512xi32, #tpu.memory_space<vmem>> -> memref<64xi32, #tpu.memory_space<vmem>>
        %dma_start3A_57 = arith.constant 0 : i32
        %dma_start3A_58 = arith.constant 0 : i32
        %dma_start3A_59 = tpu.memref_slice %arg2[%dma_start3A_57, %dma_start3A_58] : memref<100000x512xf32, #tpu.memory_space<hbm>> -> memref<100000x512xf32, #tpu.memory_space<hbm>>
        tpu.enqueue_indirect_dma source(%dma_start3A_59 : memref<100000x512xf32, #tpu.memory_space<hbm>>) target(%arg7 : memref<64x512xf32, #tpu.memory_space<vmem>>) offsets(%dma_start3A_56 : memref<64xi32, #tpu.memory_space<vmem>>) semaphore(%arg9 : memref<!tpu.dma_semaphore, #tpu.memory_space<semaphore_mem>>)
      } else {
      }
    }
    %scan3A_15 = arith.constant 6 : i32
    %dma_wait3A = arith.constant 0 : i32
    %dma_wait3A_16 = tpu.memref_slice %arg5[%dma_wait3A] : memref<512xi32, #tpu.memory_space<vmem>> -> memref<64xi32, #tpu.memory_space<vmem>>
    %dma_wait3A_17 = arith.constant 0 : i32
    %dma_wait3A_18 = arith.constant 0 : i32
    %dma_wait3A_19 = tpu.memref_slice %arg2[%dma_wait3A_17, %dma_wait3A_18] : memref<100000x512xf32, #tpu.memory_space<hbm>> -> memref<100000x512xf32, #tpu.memory_space<hbm>>
    tpu.wait_indirect_dma semaphore(%arg8 : memref<!tpu.dma_semaphore, #tpu.memory_space<semaphore_mem>>) src(%dma_wait3A_19 : memref<100000x512xf32, #tpu.memory_space<hbm>>) dst(%arg6 : memref<64x512xf32, #tpu.memory_space<vmem>>)
    %add3A_20 = arith.constant 384 : i32
    %add3A_21 = arith.addi %mul3A_2, %add3A_20 : i32
    "tpu.region"() ({
      %run_scoped3A = tpu.sem_alloc : memref<!tpu.dma_semaphore, #tpu.memory_space<semaphore_mem>>
      %dma_start3A_29 = arith.constant 0 : i32
      %dma_start3A_30 = tpu.memref_slice %arg4[%add3A_21, %dma_start3A_29] : memref<16384x512xf32, #tpu.memory_space<hbm>> -> memref<64x512xf32, #tpu.memory_space<hbm>>
      %dma_start3A_31 = arith.constant 0 : i32
      %dma_start3A_32 = tpu.memref_slice %arg4[%add3A_21, %dma_start3A_31] : memref<16384x512xf32, #tpu.memory_space<hbm>> -> memref<64x512xf32, #tpu.memory_space<hbm>>
      tpu.enqueue_dma source(%arg6 : memref<64x512xf32, #tpu.memory_space<vmem>>) target(%dma_start3A_32 : memref<64x512xf32, #tpu.memory_space<hbm>>) target_semaphore(%run_scoped3A : memref<!tpu.dma_semaphore, #tpu.memory_space<semaphore_mem>>)
      %dma_wait3A_33 = arith.constant 0 : i32
      %dma_wait3A_34 = tpu.memref_slice %arg4[%add3A_21, %dma_wait3A_33] : memref<16384x512xf32, #tpu.memory_space<hbm>> -> memref<64x512xf32, #tpu.memory_space<hbm>>
      %dma_wait3A_35 = arith.constant 0 : i32
      %dma_wait3A_36 = tpu.memref_slice %arg4[%add3A_21, %dma_wait3A_35] : memref<16384x512xf32, #tpu.memory_space<hbm>> -> memref<64x512xf32, #tpu.memory_space<hbm>>
      tpu.wait_dma2 semaphore(%run_scoped3A : memref<!tpu.dma_semaphore, #tpu.memory_space<semaphore_mem>>) src(%arg6 : memref<64x512xf32, #tpu.memory_space<vmem>>) dst(%dma_wait3A_36 : memref<64x512xf32, #tpu.memory_space<hbm>>)
      tpu.yield
    }) : () -> ()
    %dma_wait3A_22 = arith.constant 0 : i32
    %dma_wait3A_23 = tpu.memref_slice %arg5[%dma_wait3A_22] : memref<512xi32, #tpu.memory_space<vmem>> -> memref<64xi32, #tpu.memory_space<vmem>>
    %dma_wait3A_24 = arith.constant 0 : i32
    %dma_wait3A_25 = arith.constant 0 : i32
    %dma_wait3A_26 = tpu.memref_slice %arg2[%dma_wait3A_24, %dma_wait3A_25] : memref<100000x512xf32, #tpu.memory_space<hbm>> -> memref<100000x512xf32, #tpu.memory_space<hbm>>
    tpu.wait_indirect_dma semaphore(%arg9 : memref<!tpu.dma_semaphore, #tpu.memory_space<semaphore_mem>>) src(%dma_wait3A_26 : memref<100000x512xf32, #tpu.memory_space<hbm>>) dst(%arg7 : memref<64x512xf32, #tpu.memory_space<vmem>>)
    %add3A_27 = arith.constant 448 : i32
    %add3A_28 = arith.addi %mul3A_2, %add3A_27 : i32
    "tpu.region"() ({
      %run_scoped3A = tpu.sem_alloc : memref<!tpu.dma_semaphore, #tpu.memory_space<semaphore_mem>>
      %dma_start3A_29 = arith.constant 0 : i32
      %dma_start3A_30 = tpu.memref_slice %arg4[%add3A_28, %dma_start3A_29] : memref<16384x512xf32, #tpu.memory_space<hbm>> -> memref<64x512xf32, #tpu.memory_space<hbm>>
      %dma_start3A_31 = arith.constant 0 : i32
      %dma_start3A_32 = tpu.memref_slice %arg4[%add3A_28, %dma_start3A_31] : memref<16384x512xf32, #tpu.memory_space<hbm>> -> memref<64x512xf32, #tpu.memory_space<hbm>>
      tpu.enqueue_dma source(%arg7 : memref<64x512xf32, #tpu.memory_space<vmem>>) target(%dma_start3A_32 : memref<64x512xf32, #tpu.memory_space<hbm>>) target_semaphore(%run_scoped3A : memref<!tpu.dma_semaphore, #tpu.memory_space<semaphore_mem>>)
      %dma_wait3A_33 = arith.constant 0 : i32
      %dma_wait3A_34 = tpu.memref_slice %arg4[%add3A_28, %dma_wait3A_33] : memref<16384x512xf32, #tpu.memory_space<hbm>> -> memref<64x512xf32, #tpu.memory_space<hbm>>
      %dma_wait3A_35 = arith.constant 0 : i32
      %dma_wait3A_36 = tpu.memref_slice %arg4[%add3A_28, %dma_wait3A_35] : memref<16384x512xf32, #tpu.memory_space<hbm>> -> memref<64x512xf32, #tpu.memory_space<hbm>>
      tpu.wait_dma2 semaphore(%run_scoped3A : memref<!tpu.dma_semaphore, #tpu.memory_space<semaphore_mem>>) src(%arg7 : memref<64x512xf32, #tpu.memory_space<vmem>>) dst(%dma_wait3A_36 : memref<64x512xf32, #tpu.memory_space<hbm>>)
      tpu.yield
    }) : () -> ()
    return
  }
}

#map = affine_map<(d0, d1) -> (0)>
module attributes {stable_mosaic.version = 14 : i64} {
  func.func @_srcb_body(%arg0: i32, %arg1: i32, %arg2: memref<100000xi32, #tpu.memory_space<hbm>>, %arg3: memref<16384xi32, #tpu.memory_space<hbm>>, %arg4: memref<16384xf32, #tpu.memory_space<hbm>>, %arg5: memref<16384xi32, #tpu.memory_space<hbm>>, %arg6: memref<16384xf32, #tpu.memory_space<hbm>>, %arg7: memref<100000xi32, #tpu.memory_space<vmem>>, %arg8: memref<16384xf32, #tpu.memory_space<vmem>>, %arg9: memref<512xi32, #tpu.memory_space<vmem>>, %arg10: memref<512xi32, #tpu.memory_space<vmem>>, %arg11: memref<512xf32, #tpu.memory_space<vmem>>) attributes {dimension_semantics = [#tpu.dimension_semantics<core_parallel>, #tpu.dimension_semantics<subcore_parallel>], iteration_bounds = array<i64: 2, 16>, scalar_prefetch = 0 : i64, scratch_operands = 5 : i64, tpu.core_type = #tpu.core_type<sc_vector_subcore>, window_params = [{transform_indices = #map}, {transform_indices = #map}, {transform_indices = #map}, {transform_indices = #map}, {transform_indices = #map}]} {
    %mul3A = arith.constant 16 : i32
    %mul3A_0 = arith.muli %arg0, %mul3A : i32
    %add3A = arith.addi %mul3A_0, %arg1 : i32
    %mul3A_1 = arith.constant 512 : i32
    %mul3A_2 = arith.muli %add3A, %mul3A_1 : i32
    "tpu.region"() ({
      %run_scoped3A = tpu.sem_alloc : memref<!tpu.dma_semaphore, #tpu.memory_space<semaphore_mem>>
      tpu.enqueue_dma source(%arg2 : memref<100000xi32, #tpu.memory_space<hbm>>) target(%arg7 : memref<100000xi32, #tpu.memory_space<vmem>>) target_semaphore(%run_scoped3A : memref<!tpu.dma_semaphore, #tpu.memory_space<semaphore_mem>>)
      tpu.wait_dma2 semaphore(%run_scoped3A : memref<!tpu.dma_semaphore, #tpu.memory_space<semaphore_mem>>) src(%arg2 : memref<100000xi32, #tpu.memory_space<hbm>>) dst(%arg7 : memref<100000xi32, #tpu.memory_space<vmem>>)
      tpu.yield
    }) : () -> ()
    "tpu.region"() ({
      %run_scoped3A = tpu.sem_alloc : memref<!tpu.dma_semaphore, #tpu.memory_space<semaphore_mem>>
      tpu.enqueue_dma source(%arg4 : memref<16384xf32, #tpu.memory_space<hbm>>) target(%arg8 : memref<16384xf32, #tpu.memory_space<vmem>>) target_semaphore(%run_scoped3A : memref<!tpu.dma_semaphore, #tpu.memory_space<semaphore_mem>>)
      tpu.wait_dma2 semaphore(%run_scoped3A : memref<!tpu.dma_semaphore, #tpu.memory_space<semaphore_mem>>) src(%arg4 : memref<16384xf32, #tpu.memory_space<hbm>>) dst(%arg8 : memref<16384xf32, #tpu.memory_space<vmem>>)
      tpu.yield
    }) : () -> ()
    "tpu.region"() ({
      %run_scoped3A = tpu.sem_alloc : memref<!tpu.dma_semaphore, #tpu.memory_space<semaphore_mem>>
      %dma_start3A = tpu.memref_slice %arg3[%mul3A_2] : memref<16384xi32, #tpu.memory_space<hbm>> -> memref<512xi32, #tpu.memory_space<hbm>>
      %dma_start3A_7 = tpu.memref_slice %arg3[%mul3A_2] : memref<16384xi32, #tpu.memory_space<hbm>> -> memref<512xi32, #tpu.memory_space<hbm>>
      tpu.enqueue_dma source(%dma_start3A_7 : memref<512xi32, #tpu.memory_space<hbm>>) target(%arg9 : memref<512xi32, #tpu.memory_space<vmem>>) target_semaphore(%run_scoped3A : memref<!tpu.dma_semaphore, #tpu.memory_space<semaphore_mem>>)
      %dma_wait3A = tpu.memref_slice %arg3[%mul3A_2] : memref<16384xi32, #tpu.memory_space<hbm>> -> memref<512xi32, #tpu.memory_space<hbm>>
      %dma_wait3A_8 = tpu.memref_slice %arg3[%mul3A_2] : memref<16384xi32, #tpu.memory_space<hbm>> -> memref<512xi32, #tpu.memory_space<hbm>>
      tpu.wait_dma2 semaphore(%run_scoped3A : memref<!tpu.dma_semaphore, #tpu.memory_space<semaphore_mem>>) src(%dma_wait3A_8 : memref<512xi32, #tpu.memory_space<hbm>>) dst(%arg9 : memref<512xi32, #tpu.memory_space<vmem>>)
      tpu.yield
    }) : () -> ()
    %scan3A = arith.constant 0 : i32
    %scan3A_3 = arith.constant 32 : i32
    %scan3A_4 = arith.addi %scan3A, %scan3A_3 : i32
    %scan3A_5 = arith.constant 1 : i32
    scf.for %scan3A_7 = %scan3A to %scan3A_4 step %scan3A_5  : i32 {
      %mul3A_8 = arith.constant 1 : i32
      %mul3A_9 = arith.muli %scan3A_7, %mul3A_8 : i32
      %add3A_10 = arith.constant 0 : i32
      %add3A_11 = arith.addi %add3A_10, %mul3A_9 : i32
      %mul3A_12 = arith.constant 16 : i32
      %mul3A_13 = arith.muli %add3A_11, %mul3A_12 : i32
      %get3A = arith.index_cast %mul3A_13 : i32 to index
      %get3A_14 = tpu.vector_load %arg9[%get3A] {strides = array<i32>} : memref<512xi32, #tpu.memory_space<vmem>>, vector<16xi32>,
      %gather3A = tpu.vector_load_idx %arg7[%get3A_14] : memref<100000xi32, #tpu.memory_space<vmem>>[vector<16xi32>], vector<16xi32>,
      %gather3A_15 = tpu.vector_load_idx %arg8[%gather3A] : memref<16384xf32, #tpu.memory_space<vmem>>[vector<16xi32>], vector<16xf32>,
      %mul3A_16 = arith.constant 16 : i32
      %mul3A_17 = arith.muli %add3A_11, %mul3A_16 : i32
      %swap3A = arith.index_cast %mul3A_17 : i32 to index
      %swap3A_18 = tpu.vector_load %arg10[%swap3A] {strides = array<i32>} : memref<512xi32, #tpu.memory_space<vmem>>, vector<16xi32>,
      tpu.vector_store %arg10[%swap3A], %gather3A {strides = array<i32>} : memref<512xi32, #tpu.memory_space<vmem>>, vector<16xi32>,
      %mul3A_19 = arith.constant 16 : i32
      %mul3A_20 = arith.muli %add3A_11, %mul3A_19 : i32
      %swap3A_21 = arith.index_cast %mul3A_20 : i32 to index
      %swap3A_22 = tpu.vector_load %arg11[%swap3A_21] {strides = array<i32>} : memref<512xf32, #tpu.memory_space<vmem>>, vector<16xf32>,
      tpu.vector_store %arg11[%swap3A_21], %gather3A_15 {strides = array<i32>} : memref<512xf32, #tpu.memory_space<vmem>>, vector<16xf32>,
    }
    %scan3A_6 = arith.constant 32 : i32
    "tpu.region"() ({
      %run_scoped3A = tpu.sem_alloc : memref<!tpu.dma_semaphore, #tpu.memory_space<semaphore_mem>>
      %dma_start3A = tpu.memref_slice %arg5[%mul3A_2] : memref<16384xi32, #tpu.memory_space<hbm>> -> memref<512xi32, #tpu.memory_space<hbm>>
      %dma_start3A_7 = tpu.memref_slice %arg5[%mul3A_2] : memref<16384xi32, #tpu.memory_space<hbm>> -> memref<512xi32, #tpu.memory_space<hbm>>
      tpu.enqueue_dma source(%arg10 : memref<512xi32, #tpu.memory_space<vmem>>) target(%dma_start3A_7 : memref<512xi32, #tpu.memory_space<hbm>>) target_semaphore(%run_scoped3A : memref<!tpu.dma_semaphore, #tpu.memory_space<semaphore_mem>>)
      %dma_wait3A = tpu.memref_slice %arg5[%mul3A_2] : memref<16384xi32, #tpu.memory_space<hbm>> -> memref<512xi32, #tpu.memory_space<hbm>>
      %dma_wait3A_8 = tpu.memref_slice %arg5[%mul3A_2] : memref<16384xi32, #tpu.memory_space<hbm>> -> memref<512xi32, #tpu.memory_space<hbm>>
      tpu.wait_dma2 semaphore(%run_scoped3A : memref<!tpu.dma_semaphore, #tpu.memory_space<semaphore_mem>>) src(%arg10 : memref<512xi32, #tpu.memory_space<vmem>>) dst(%dma_wait3A_8 : memref<512xi32, #tpu.memory_space<hbm>>)
      tpu.yield
    }) : () -> ()
    "tpu.region"() ({
      %run_scoped3A = tpu.sem_alloc : memref<!tpu.dma_semaphore, #tpu.memory_space<semaphore_mem>>
      %dma_start3A = tpu.memref_slice %arg6[%mul3A_2] : memref<16384xf32, #tpu.memory_space<hbm>> -> memref<512xf32, #tpu.memory_space<hbm>>
      %dma_start3A_7 = tpu.memref_slice %arg6[%mul3A_2] : memref<16384xf32, #tpu.memory_space<hbm>> -> memref<512xf32, #tpu.memory_space<hbm>>
      tpu.enqueue_dma source(%arg11 : memref<512xf32, #tpu.memory_space<vmem>>) target(%dma_start3A_7 : memref<512xf32, #tpu.memory_space<hbm>>) target_semaphore(%run_scoped3A : memref<!tpu.dma_semaphore, #tpu.memory_space<semaphore_mem>>)
      %dma_wait3A = tpu.memref_slice %arg6[%mul3A_2] : memref<16384xf32, #tpu.memory_space<hbm>> -> memref<512xf32, #tpu.memory_space<hbm>>
      %dma_wait3A_8 = tpu.memref_slice %arg6[%mul3A_2] : memref<16384xf32, #tpu.memory_space<hbm>> -> memref<512xf32, #tpu.memory_space<hbm>>
      tpu.wait_dma2 semaphore(%run_scoped3A : memref<!tpu.dma_semaphore, #tpu.memory_space<semaphore_mem>>) src(%arg11 : memref<512xf32, #tpu.memory_space<vmem>>) dst(%dma_wait3A_8 : memref<512xf32, #tpu.memory_space<hbm>>)
      tpu.yield
    }) : () -> ()
    return
  }
}

#map = affine_map<(d0, d1) -> (0, 0)>
#map1 = affine_map<(d0, d1) -> (0)>
module attributes {stable_mosaic.version = 14 : i64} {
  func.func @new_body(%arg0: i32, %arg1: i32, %arg2: memref<16384x512xf32, #tpu.memory_space<hbm>>, %arg3: memref<16384xi32, #tpu.memory_space<hbm>>, %arg4: memref<16384xi32, #tpu.memory_space<hbm>>, %arg5: memref<100000x512xf32, #tpu.memory_space<hbm>>, %arg6: memref<100000x512xf32, #tpu.memory_space<hbm>>, %arg7: memref<64xi32, #tpu.memory_space<vmem>>, %arg8: memref<64xi32, #tpu.memory_space<vmem>>, %arg9: memref<64xi32, #tpu.memory_space<vmem>>, %arg10: memref<64xi32, #tpu.memory_space<vmem>>, %arg11: memref<64x512xf32, #tpu.memory_space<vmem>>, %arg12: memref<64x512xf32, #tpu.memory_space<vmem>>, %arg13: memref<!tpu.dma_semaphore, #tpu.memory_space<semaphore_mem>>, %arg14: memref<!tpu.dma_semaphore, #tpu.memory_space<semaphore_mem>>) attributes {dimension_semantics = [#tpu.dimension_semantics<core_parallel>, #tpu.dimension_semantics<subcore_parallel>], iteration_bounds = array<i64: 2, 16>, scalar_prefetch = 0 : i64, scratch_operands = 8 : i64, tpu.core_type = #tpu.core_type<sc_vector_subcore>, window_params = [{transform_indices = #map}, {transform_indices = #map1}, {transform_indices = #map1}, {transform_indices = #map}, {transform_indices = #map}]} {
    %mul3A = arith.constant 16 : i32
    %mul3A_0 = arith.muli %arg0, %mul3A : i32
    %add3A = arith.addi %mul3A_0, %arg1 : i32
    %mul3A_1 = arith.constant 512 : i32
    %mul3A_2 = arith.muli %add3A, %mul3A_1 : i32
    %scan3A = arith.constant 0 : i32
    %scan3A_3 = arith.constant 4 : i32
    %scan3A_4 = arith.addi %scan3A, %scan3A_3 : i32
    %scan3A_5 = arith.constant 1 : i32
    scf.for %scan3A_7 = %scan3A to %scan3A_4 step %scan3A_5  : i32 {
      %mul3A_8 = arith.constant 2 : i32
      %mul3A_9 = arith.muli %scan3A_7, %mul3A_8 : i32
      %add3A_10 = arith.constant 0 : i32
      %add3A_11 = arith.addi %add3A_10, %mul3A_9 : i32
      %add3A_12 = arith.constant 0 : i32
      %add3A_13 = arith.addi %add3A_11, %add3A_12 : i32
      %mul3A_14 = arith.constant 64 : i32
      %mul3A_15 = arith.muli %add3A_13, %mul3A_14 : i32
      %add3A_16 = arith.addi %mul3A_2, %mul3A_15 : i32
      "tpu.region"() ({
        %run_scoped3A = tpu.sem_alloc : memref<!tpu.dma_semaphore, #tpu.memory_space<semaphore_mem>>
        %dma_start3A_44 = tpu.memref_slice %arg4[%add3A_16] : memref<16384xi32, #tpu.memory_space<hbm>> -> memref<64xi32, #tpu.memory_space<hbm>>
        %dma_start3A_45 = tpu.memref_slice %arg4[%add3A_16] : memref<16384xi32, #tpu.memory_space<hbm>> -> memref<64xi32, #tpu.memory_space<hbm>>
        tpu.enqueue_dma source(%dma_start3A_45 : memref<64xi32, #tpu.memory_space<hbm>>) target(%arg7 : memref<64xi32, #tpu.memory_space<vmem>>) target_semaphore(%run_scoped3A : memref<!tpu.dma_semaphore, #tpu.memory_space<semaphore_mem>>)
        %dma_wait3A_46 = tpu.memref_slice %arg4[%add3A_16] : memref<16384xi32, #tpu.memory_space<hbm>> -> memref<64xi32, #tpu.memory_space<hbm>>
        %dma_wait3A_47 = tpu.memref_slice %arg4[%add3A_16] : memref<16384xi32, #tpu.memory_space<hbm>> -> memref<64xi32, #tpu.memory_space<hbm>>
        tpu.wait_dma2 semaphore(%run_scoped3A : memref<!tpu.dma_semaphore, #tpu.memory_space<semaphore_mem>>) src(%dma_wait3A_47 : memref<64xi32, #tpu.memory_space<hbm>>) dst(%arg7 : memref<64xi32, #tpu.memory_space<vmem>>)
        tpu.yield
      }) : () -> ()
      "tpu.region"() ({
        %run_scoped3A = tpu.sem_alloc : memref<!tpu.dma_semaphore, #tpu.memory_space<semaphore_mem>>
        %dma_start3A_44 = tpu.memref_slice %arg3[%add3A_16] : memref<16384xi32, #tpu.memory_space<hbm>> -> memref<64xi32, #tpu.memory_space<hbm>>
        %dma_start3A_45 = tpu.memref_slice %arg3[%add3A_16] : memref<16384xi32, #tpu.memory_space<hbm>> -> memref<64xi32, #tpu.memory_space<hbm>>
        tpu.enqueue_dma source(%dma_start3A_45 : memref<64xi32, #tpu.memory_space<hbm>>) target(%arg9 : memref<64xi32, #tpu.memory_space<vmem>>) target_semaphore(%run_scoped3A : memref<!tpu.dma_semaphore, #tpu.memory_space<semaphore_mem>>)
        %dma_wait3A_46 = tpu.memref_slice %arg3[%add3A_16] : memref<16384xi32, #tpu.memory_space<hbm>> -> memref<64xi32, #tpu.memory_space<hbm>>
        %dma_wait3A_47 = tpu.memref_slice %arg3[%add3A_16] : memref<16384xi32, #tpu.memory_space<hbm>> -> memref<64xi32, #tpu.memory_space<hbm>>
        tpu.wait_dma2 semaphore(%run_scoped3A : memref<!tpu.dma_semaphore, #tpu.memory_space<semaphore_mem>>) src(%dma_wait3A_47 : memref<64xi32, #tpu.memory_space<hbm>>) dst(%arg9 : memref<64xi32, #tpu.memory_space<vmem>>)
        tpu.yield
      }) : () -> ()
      %dma_start3A = arith.constant 0 : i32
      %dma_start3A_17 = arith.constant 0 : i32
      %dma_start3A_18 = tpu.memref_slice %arg2[%dma_start3A, %dma_start3A_17] : memref<16384x512xf32, #tpu.memory_space<hbm>> -> memref<16384x512xf32, #tpu.memory_space<hbm>>
      tpu.enqueue_indirect_dma source(%dma_start3A_18 : memref<16384x512xf32, #tpu.memory_space<hbm>>) target(%arg11 : memref<64x512xf32, #tpu.memory_space<vmem>>) offsets(%arg7 : memref<64xi32, #tpu.memory_space<vmem>>) semaphore(%arg13 : memref<!tpu.dma_semaphore, #tpu.memory_space<semaphore_mem>>)
      %dma_wait3A = arith.constant 0 : i32
      %dma_wait3A_19 = arith.constant 0 : i32
      %dma_wait3A_20 = tpu.memref_slice %arg2[%dma_wait3A, %dma_wait3A_19] : memref<16384x512xf32, #tpu.memory_space<hbm>> -> memref<16384x512xf32, #tpu.memory_space<hbm>>
      tpu.wait_indirect_dma semaphore(%arg13 : memref<!tpu.dma_semaphore, #tpu.memory_space<semaphore_mem>>) src(%dma_wait3A_20 : memref<16384x512xf32, #tpu.memory_space<hbm>>) dst(%arg11 : memref<64x512xf32, #tpu.memory_space<vmem>>)
      %dma_start3A_21 = arith.constant 0 : i32
      %dma_start3A_22 = arith.constant 0 : i32
      %dma_start3A_23 = tpu.memref_slice %arg5[%dma_start3A_21, %dma_start3A_22] : memref<100000x512xf32, #tpu.memory_space<hbm>> -> memref<100000x512xf32, #tpu.memory_space<hbm>>
      tpu.enqueue_indirect_dma source(%arg11 : memref<64x512xf32, #tpu.memory_space<vmem>>) target(%dma_start3A_23 : memref<100000x512xf32, #tpu.memory_space<hbm>>) offsets(%arg9 : memref<64xi32, #tpu.memory_space<vmem>>) semaphore(%arg14 : memref<!tpu.dma_semaphore, #tpu.memory_space<semaphore_mem>>)
      %dma_wait3A_24 = arith.constant 0 : i32
      %dma_wait3A_25 = arith.constant 0 : i32
      %dma_wait3A_26 = tpu.memref_slice %arg5[%dma_wait3A_24, %dma_wait3A_25] : memref<100000x512xf32, #tpu.memory_space<hbm>> -> memref<100000x512xf32, #tpu.memory_space<hbm>>
      tpu.wait_indirect_dma semaphore(%arg14 : memref<!tpu.dma_semaphore, #tpu.memory_space<semaphore_mem>>) src(%arg11 : memref<64x512xf32, #tpu.memory_space<vmem>>) dst(%dma_wait3A_26 : memref<100000x512xf32, #tpu.memory_space<hbm>>)
      %add3A_27 = arith.constant 1 : i32
      %add3A_28 = arith.addi %add3A_11, %add3A_27 : i32
      %mul3A_29 = arith.constant 64 : i32
      %mul3A_30 = arith.muli %add3A_28, %mul3A_29 : i32
      %add3A_31 = arith.addi %mul3A_2, %mul3A_30 : i32
      "tpu.region"() ({
        %run_scoped3A = tpu.sem_alloc : memref<!tpu.dma_semaphore, #tpu.memory_space<semaphore_mem>>
        %dma_start3A_44 = tpu.memref_slice %arg4[%add3A_31] : memref<16384xi32, #tpu.memory_space<hbm>> -> memref<64xi32, #tpu.memory_space<hbm>>
        %dma_start3A_45 = tpu.memref_slice %arg4[%add3A_31] : memref<16384xi32, #tpu.memory_space<hbm>> -> memref<64xi32, #tpu.memory_space<hbm>>
        tpu.enqueue_dma source(%dma_start3A_45 : memref<64xi32, #tpu.memory_space<hbm>>) target(%arg8 : memref<64xi32, #tpu.memory_space<vmem>>) target_semaphore(%run_scoped3A : memref<!tpu.dma_semaphore, #tpu.memory_space<semaphore_mem>>)
        %dma_wait3A_46 = tpu.memref_slice %arg4[%add3A_31] : memref<16384xi32, #tpu.memory_space<hbm>> -> memref<64xi32, #tpu.memory_space<hbm>>
        %dma_wait3A_47 = tpu.memref_slice %arg4[%add3A_31] : memref<16384xi32, #tpu.memory_space<hbm>> -> memref<64xi32, #tpu.memory_space<hbm>>
        tpu.wait_dma2 semaphore(%run_scoped3A : memref<!tpu.dma_semaphore, #tpu.memory_space<semaphore_mem>>) src(%dma_wait3A_47 : memref<64xi32, #tpu.memory_space<hbm>>) dst(%arg8 : memref<64xi32, #tpu.memory_space<vmem>>)
        tpu.yield
      }) : () -> ()
      "tpu.region"() ({
        %run_scoped3A = tpu.sem_alloc : memref<!tpu.dma_semaphore, #tpu.memory_space<semaphore_mem>>
        %dma_start3A_44 = tpu.memref_slice %arg3[%add3A_31] : memref<16384xi32, #tpu.memory_space<hbm>> -> memref<64xi32, #tpu.memory_space<hbm>>
        %dma_start3A_45 = tpu.memref_slice %arg3[%add3A_31] : memref<16384xi32, #tpu.memory_space<hbm>> -> memref<64xi32, #tpu.memory_space<hbm>>
        tpu.enqueue_dma source(%dma_start3A_45 : memref<64xi32, #tpu.memory_space<hbm>>) target(%arg10 : memref<64xi32, #tpu.memory_space<vmem>>) target_semaphore(%run_scoped3A : memref<!tpu.dma_semaphore, #tpu.memory_space<semaphore_mem>>)
        %dma_wait3A_46 = tpu.memref_slice %arg3[%add3A_31] : memref<16384xi32, #tpu.memory_space<hbm>> -> memref<64xi32, #tpu.memory_space<hbm>>
        %dma_wait3A_47 = tpu.memref_slice %arg3[%add3A_31] : memref<16384xi32, #tpu.memory_space<hbm>> -> memref<64xi32, #tpu.memory_space<hbm>>
        tpu.wait_dma2 semaphore(%run_scoped3A : memref<!tpu.dma_semaphore, #tpu.memory_space<semaphore_mem>>) src(%dma_wait3A_47 : memref<64xi32, #tpu.memory_space<hbm>>) dst(%arg10 : memref<64xi32, #tpu.memory_space<vmem>>)
        tpu.yield
      }) : () -> ()
      %dma_start3A_32 = arith.constant 0 : i32
      %dma_start3A_33 = arith.constant 0 : i32
      %dma_start3A_34 = tpu.memref_slice %arg2[%dma_start3A_32, %dma_start3A_33] : memref<16384x512xf32, #tpu.memory_space<hbm>> -> memref<16384x512xf32, #tpu.memory_space<hbm>>
      tpu.enqueue_indirect_dma source(%dma_start3A_34 : memref<16384x512xf32, #tpu.memory_space<hbm>>) target(%arg12 : memref<64x512xf32, #tpu.memory_space<vmem>>) offsets(%arg8 : memref<64xi32, #tpu.memory_space<vmem>>) semaphore(%arg13 : memref<!tpu.dma_semaphore, #tpu.memory_space<semaphore_mem>>)
      %dma_wait3A_35 = arith.constant 0 : i32
      %dma_wait3A_36 = arith.constant 0 : i32
      %dma_wait3A_37 = tpu.memref_slice %arg2[%dma_wait3A_35, %dma_wait3A_36] : memref<16384x512xf32, #tpu.memory_space<hbm>> -> memref<16384x512xf32, #tpu.memory_space<hbm>>
      tpu.wait_indirect_dma semaphore(%arg13 : memref<!tpu.dma_semaphore, #tpu.memory_space<semaphore_mem>>) src(%dma_wait3A_37 : memref<16384x512xf32, #tpu.memory_space<hbm>>) dst(%arg12 : memref<64x512xf32, #tpu.memory_space<vmem>>)
      %dma_start3A_38 = arith.constant 0 : i32
      %dma_start3A_39 = arith.constant 0 : i32
      %dma_start3A_40 = tpu.memref_slice %arg5[%dma_start3A_38, %dma_start3A_39] : memref<100000x512xf32, #tpu.memory_space<hbm>> -> memref<100000x512xf32, #tpu.memory_space<hbm>>
      tpu.enqueue_indirect_dma source(%arg12 : memref<64x512xf32, #tpu.memory_space<vmem>>) target(%dma_start3A_40 : memref<100000x512xf32, #tpu.memory_space<hbm>>) offsets(%arg10 : memref<64xi32, #tpu.memory_space<vmem>>) semaphore(%arg14 : memref<!tpu.dma_semaphore, #tpu.memory_space<semaphore_mem>>)
      %dma_wait3A_41 = arith.constant 0 : i32
      %dma_wait3A_42 = arith.constant 0 : i32
      %dma_wait3A_43 = tpu.memref_slice %arg5[%dma_wait3A_41, %dma_wait3A_42] : memref<100000x512xf32, #tpu.memory_space<hbm>> -> memref<100000x512xf32, #tpu.memory_space<hbm>>
      tpu.wait_indirect_dma semaphore(%arg14 : memref<!tpu.dma_semaphore, #tpu.memory_space<semaphore_mem>>) src(%arg12 : memref<64x512xf32, #tpu.memory_space<vmem>>) dst(%dma_wait3A_43 : memref<100000x512xf32, #tpu.memory_space<hbm>>)
    }
    %scan3A_6 = arith.constant 4 : i32
    return
  }
}

#map = affine_map<(d0, d1) -> (0)>
module attributes {stable_mosaic.version = 14 : i64} {
  func.func @_lu_body(%arg0: i32, %arg1: i32, %arg2: memref<100000xf32, #tpu.memory_space<hbm>>, %arg3: memref<16384xi32, #tpu.memory_space<hbm>>, %arg4: memref<16384xf32, #tpu.memory_space<hbm>>, %arg5: memref<100000xf32, #tpu.memory_space<hbm>>, %arg6: memref<16384xi32, #tpu.memory_space<vmem>>, %arg7: memref<16384xf32, #tpu.memory_space<vmem>>, %arg8: memref<3128xf32, #tpu.memory_space<vmem>>) attributes {dimension_semantics = [#tpu.dimension_semantics<core_parallel>, #tpu.dimension_semantics<subcore_parallel>], iteration_bounds = array<i64: 2, 16>, scalar_prefetch = 0 : i64, scratch_operands = 3 : i64, tpu.core_type = #tpu.core_type<sc_vector_subcore>, window_params = [{transform_indices = #map}, {transform_indices = #map}, {transform_indices = #map}, {transform_indices = #map}]} {
    %mul3A = arith.constant 16 : i32
    %mul3A_0 = arith.muli %arg0, %mul3A : i32
    %add3A = arith.addi %mul3A_0, %arg1 : i32
    %mul3A_1 = arith.constant 50000 : i32
    %mul3A_2 = arith.muli %arg0, %mul3A_1 : i32
    %mul3A_3 = arith.constant 3128 : i32
    %mul3A_4 = arith.muli %arg1, %mul3A_3 : i32
    %add3A_5 = arith.addi %mul3A_2, %mul3A_4 : i32
    "tpu.region"() ({
      %run_scoped3A = tpu.sem_alloc : memref<!tpu.dma_semaphore, #tpu.memory_space<semaphore_mem>>
      tpu.enqueue_dma source(%arg3 : memref<16384xi32, #tpu.memory_space<hbm>>) target(%arg6 : memref<16384xi32, #tpu.memory_space<vmem>>) target_semaphore(%run_scoped3A : memref<!tpu.dma_semaphore, #tpu.memory_space<semaphore_mem>>)
      tpu.wait_dma2 semaphore(%run_scoped3A : memref<!tpu.dma_semaphore, #tpu.memory_space<semaphore_mem>>) src(%arg3 : memref<16384xi32, #tpu.memory_space<hbm>>) dst(%arg6 : memref<16384xi32, #tpu.memory_space<vmem>>)
      tpu.yield
    }) : () -> ()
    "tpu.region"() ({
      %run_scoped3A = tpu.sem_alloc : memref<!tpu.dma_semaphore, #tpu.memory_space<semaphore_mem>>
      tpu.enqueue_dma source(%arg4 : memref<16384xf32, #tpu.memory_space<hbm>>) target(%arg7 : memref<16384xf32, #tpu.memory_space<vmem>>) target_semaphore(%run_scoped3A : memref<!tpu.dma_semaphore, #tpu.memory_space<semaphore_mem>>)
      tpu.wait_dma2 semaphore(%run_scoped3A : memref<!tpu.dma_semaphore, #tpu.memory_space<semaphore_mem>>) src(%arg4 : memref<16384xf32, #tpu.memory_space<hbm>>) dst(%arg7 : memref<16384xf32, #tpu.memory_space<vmem>>)
      tpu.yield
    }) : () -> ()
    %lt3A = arith.constant 15 : i32
    %lt3A_6 = arith.cmpi slt, %arg1, %lt3A : i32
    %convert_element_type3A = arith.extui %lt3A_6 : i1 to i32
    %cond3A = arith.constant 0 : i32
    %cond3A_7 = arith.cmpi ne, %convert_element_type3A, %cond3A : i32
    scf.if %cond3A_7 {
      "tpu.region"() ({
        %run_scoped3A = tpu.sem_alloc : memref<!tpu.dma_semaphore, #tpu.memory_space<semaphore_mem>>
        %dma_start3A = arith.constant 0 : i32
        %dma_start3A_30 = tpu.memref_slice %arg8[%dma_start3A] : memref<3128xf32, #tpu.memory_space<vmem>> -> memref<3128xf32, #tpu.memory_space<vmem>>
        %dma_start3A_31 = tpu.memref_slice %arg2[%add3A_5] : memref<100000xf32, #tpu.memory_space<hbm>> -> memref<3128xf32, #tpu.memory_space<hbm>>
        %dma_start3A_32 = arith.constant 0 : i32
        %dma_start3A_33 = tpu.memref_slice %arg8[%dma_start3A_32] : memref<3128xf32, #tpu.memory_space<vmem>> -> memref<3128xf32, #tpu.memory_space<vmem>>
        %dma_start3A_34 = tpu.memref_slice %arg2[%add3A_5] : memref<100000xf32, #tpu.memory_space<hbm>> -> memref<3128xf32, #tpu.memory_space<hbm>>
        tpu.enqueue_dma source(%dma_start3A_34 : memref<3128xf32, #tpu.memory_space<hbm>>) target(%dma_start3A_33 : memref<3128xf32, #tpu.memory_space<vmem>>) target_semaphore(%run_scoped3A : memref<!tpu.dma_semaphore, #tpu.memory_space<semaphore_mem>>)
        %dma_wait3A = arith.constant 0 : i32
        %dma_wait3A_35 = tpu.memref_slice %arg8[%dma_wait3A] : memref<3128xf32, #tpu.memory_space<vmem>> -> memref<3128xf32, #tpu.memory_space<vmem>>
        %dma_wait3A_36 = tpu.memref_slice %arg2[%add3A_5] : memref<100000xf32, #tpu.memory_space<hbm>> -> memref<3128xf32, #tpu.memory_space<hbm>>
        %dma_wait3A_37 = arith.constant 0 : i32
        %dma_wait3A_38 = tpu.memref_slice %arg8[%dma_wait3A_37] : memref<3128xf32, #tpu.memory_space<vmem>> -> memref<3128xf32, #tpu.memory_space<vmem>>
        %dma_wait3A_39 = tpu.memref_slice %arg2[%add3A_5] : memref<100000xf32, #tpu.memory_space<hbm>> -> memref<3128xf32, #tpu.memory_space<hbm>>
        tpu.wait_dma2 semaphore(%run_scoped3A : memref<!tpu.dma_semaphore, #tpu.memory_space<semaphore_mem>>) src(%dma_wait3A_39 : memref<3128xf32, #tpu.memory_space<hbm>>) dst(%dma_wait3A_38 : memref<3128xf32, #tpu.memory_space<vmem>>)
        tpu.yield
      }) : () -> ()
    } else {
    }
    %eq3A = arith.constant 15 : i32
    %eq3A_8 = arith.cmpi eq, %arg1, %eq3A : i32
    %convert_element_type3A_9 = arith.extui %eq3A_8 : i1 to i32
    %cond3A_10 = arith.constant 0 : i32
    %cond3A_11 = arith.cmpi ne, %convert_element_type3A_9, %cond3A_10 : i32
    scf.if %cond3A_11 {
      "tpu.region"() ({
        %run_scoped3A = tpu.sem_alloc : memref<!tpu.dma_semaphore, #tpu.memory_space<semaphore_mem>>
        %dma_start3A = arith.constant 0 : i32
        %dma_start3A_30 = tpu.memref_slice %arg8[%dma_start3A] : memref<3128xf32, #tpu.memory_space<vmem>> -> memref<3080xf32, #tpu.memory_space<vmem>>
        %dma_start3A_31 = tpu.memref_slice %arg2[%add3A_5] : memref<100000xf32, #tpu.memory_space<hbm>> -> memref<3080xf32, #tpu.memory_space<hbm>>
        %dma_start3A_32 = arith.constant 0 : i32
        %dma_start3A_33 = tpu.memref_slice %arg8[%dma_start3A_32] : memref<3128xf32, #tpu.memory_space<vmem>> -> memref<3080xf32, #tpu.memory_space<vmem>>
        %dma_start3A_34 = tpu.memref_slice %arg2[%add3A_5] : memref<100000xf32, #tpu.memory_space<hbm>> -> memref<3080xf32, #tpu.memory_space<hbm>>
        tpu.enqueue_dma source(%dma_start3A_34 : memref<3080xf32, #tpu.memory_space<hbm>>) target(%dma_start3A_33 : memref<3080xf32, #tpu.memory_space<vmem>>) target_semaphore(%run_scoped3A : memref<!tpu.dma_semaphore, #tpu.memory_space<semaphore_mem>>)
        %dma_wait3A = arith.constant 0 : i32
        %dma_wait3A_35 = tpu.memref_slice %arg8[%dma_wait3A] : memref<3128xf32, #tpu.memory_space<vmem>> -> memref<3080xf32, #tpu.memory_space<vmem>>
        %dma_wait3A_36 = tpu.memref_slice %arg2[%add3A_5] : memref<100000xf32, #tpu.memory_space<hbm>> -> memref<3080xf32, #tpu.memory_space<hbm>>
        %dma_wait3A_37 = arith.constant 0 : i32
        %dma_wait3A_38 = tpu.memref_slice %arg8[%dma_wait3A_37] : memref<3128xf32, #tpu.memory_space<vmem>> -> memref<3080xf32, #tpu.memory_space<vmem>>
        %dma_wait3A_39 = tpu.memref_slice %arg2[%add3A_5] : memref<100000xf32, #tpu.memory_space<hbm>> -> memref<3080xf32, #tpu.memory_space<hbm>>
        tpu.wait_dma2 semaphore(%run_scoped3A : memref<!tpu.dma_semaphore, #tpu.memory_space<semaphore_mem>>) src(%dma_wait3A_39 : memref<3080xf32, #tpu.memory_space<hbm>>) dst(%dma_wait3A_38 : memref<3080xf32, #tpu.memory_space<vmem>>)
        tpu.yield
      }) : () -> ()
    } else {
    }
    %lt3A_12 = arith.constant 15 : i32
    %lt3A_13 = arith.cmpi slt, %arg1, %lt3A_12 : i32
    %jit3A = arith.constant 3128 : i32
    %jit3A_14 = arith.constant 3080 : i32
    %select_n3A = arith.select %lt3A_13, %jit3A, %jit3A_14 : i32
    %add3A_15 = arith.addi %add3A_5, %select_n3A : i32
    %scan3A = arith.constant 0 : i32
    %scan3A_16 = arith.constant 1024 : i32
    %scan3A_17 = arith.addi %scan3A, %scan3A_16 : i32
    %scan3A_18 = arith.constant 1 : i32
    scf.for %scan3A_30 = %scan3A to %scan3A_17 step %scan3A_18  : i32 {
      %mul3A_31 = arith.constant 1 : i32
      %mul3A_32 = arith.muli %scan3A_30, %mul3A_31 : i32
      %add3A_33 = arith.constant 0 : i32
      %add3A_34 = arith.addi %add3A_33, %mul3A_32 : i32
      %mul3A_35 = arith.constant 16 : i32
      %mul3A_36 = arith.muli %add3A_34, %mul3A_35 : i32
      %get3A = arith.index_cast %mul3A_36 : i32 to index
      %get3A_37 = tpu.vector_load %arg6[%get3A] {strides = array<i32>} : memref<16384xi32, #tpu.memory_space<vmem>>, vector<16xi32>,
      %mul3A_38 = arith.constant 16 : i32
      %mul3A_39 = arith.muli %add3A_34, %mul3A_38 : i32
      %get3A_40 = arith.index_cast %mul3A_39 : i32 to index
      %get3A_41 = tpu.vector_load %arg7[%get3A_40] {strides = array<i32>} : memref<16384xf32, #tpu.memory_space<vmem>>, vector<16xf32>,
      %ge3A = vector.broadcast %add3A_5 : i32 to vector<16xi32>
      %ge3A_42 = arith.cmpi sge, %get3A_37, %ge3A : vector<16xi32>
      %lt3A_43 = vector.broadcast %add3A_15 : i32 to vector<16xi32>
      %lt3A_44 = arith.cmpi slt, %get3A_37, %lt3A_43 : vector<16xi32>
      %and3A = arith.andi %ge3A_42, %lt3A_44 : vector<16xi1>
      %sub3A = vector.broadcast %add3A_5 : i32 to vector<16xi32>
      %sub3A_45 = arith.subi %get3A_37, %sub3A : vector<16xi32>
      %jit3A_46 = arith.constant 0 : i32
      %jit3A_47 = arith.constant 3127 : i32
      %max3A = vector.broadcast %jit3A_46 : i32 to vector<16xi32>
      %max3A_48 = arith.maxsi %max3A, %sub3A_45 : vector<16xi32>
      %min3A = vector.broadcast %jit3A_47 : i32 to vector<16xi32>
      %min3A_49 = arith.minsi %min3A, %max3A_48 : vector<16xi32>
      tpu.vector_store_idx %arg8[%min3A_49], %get3A_41 masked %and3A : memref<3128xf32, #tpu.memory_space<vmem>>[vector<16xi32>], vector<16xf32>, vector<16xi1>
    }
    %scan3A_19 = arith.constant 1024 : i32
    %lt3A_20 = arith.constant 15 : i32
    %lt3A_21 = arith.cmpi slt, %arg1, %lt3A_20 : i32
    %convert_element_type3A_22 = arith.extui %lt3A_21 : i1 to i32
    %cond3A_23 = arith.constant 0 : i32
    %cond3A_24 = arith.cmpi ne, %convert_element_type3A_22, %cond3A_23 : i32
    scf.if %cond3A_24 {
      "tpu.region"() ({
        %run_scoped3A = tpu.sem_alloc : memref<!tpu.dma_semaphore, #tpu.memory_space<semaphore_mem>>
        %dma_start3A = arith.constant 0 : i32
        %dma_start3A_30 = tpu.memref_slice %arg8[%dma_start3A] : memref<3128xf32, #tpu.memory_space<vmem>> -> memref<3128xf32, #tpu.memory_space<vmem>>
        %dma_start3A_31 = tpu.memref_slice %arg5[%add3A_5] : memref<100000xf32, #tpu.memory_space<hbm>> -> memref<3128xf32, #tpu.memory_space<hbm>>
        %dma_start3A_32 = tpu.memref_slice %arg5[%add3A_5] : memref<100000xf32, #tpu.memory_space<hbm>> -> memref<3128xf32, #tpu.memory_space<hbm>>
        %dma_start3A_33 = arith.constant 0 : i32
        %dma_start3A_34 = tpu.memref_slice %arg8[%dma_start3A_33] : memref<3128xf32, #tpu.memory_space<vmem>> -> memref<3128xf32, #tpu.memory_space<vmem>>
        tpu.enqueue_dma source(%dma_start3A_34 : memref<3128xf32, #tpu.memory_space<vmem>>) target(%dma_start3A_32 : memref<3128xf32, #tpu.memory_space<hbm>>) target_semaphore(%run_scoped3A : memref<!tpu.dma_semaphore, #tpu.memory_space<semaphore_mem>>)
        %dma_wait3A = arith.constant 0 : i32
        %dma_wait3A_35 = tpu.memref_slice %arg8[%dma_wait3A] : memref<3128xf32, #tpu.memory_space<vmem>> -> memref<3128xf32, #tpu.memory_space<vmem>>
        %dma_wait3A_36 = tpu.memref_slice %arg5[%add3A_5] : memref<100000xf32, #tpu.memory_space<hbm>> -> memref<3128xf32, #tpu.memory_space<hbm>>
        %dma_wait3A_37 = tpu.memref_slice %arg5[%add3A_5] : memref<100000xf32, #tpu.memory_space<hbm>> -> memref<3128xf32, #tpu.memory_space<hbm>>
        %dma_wait3A_38 = arith.constant 0 : i32
        %dma_wait3A_39 = tpu.memref_slice %arg8[%dma_wait3A_38] : memref<3128xf32, #tpu.memory_space<vmem>> -> memref<3128xf32, #tpu.memory_space<vmem>>
        tpu.wait_dma2 semaphore(%run_scoped3A : memref<!tpu.dma_semaphore, #tpu.memory_space<semaphore_mem>>) src(%dma_wait3A_39 : memref<3128xf32, #tpu.memory_space<vmem>>) dst(%dma_wait3A_37 : memref<3128xf32, #tpu.memory_space<hbm>>)
        tpu.yield
      }) : () -> ()
    } else {
    }
    %eq3A_25 = arith.constant 15 : i32
    %eq3A_26 = arith.cmpi eq, %arg1, %eq3A_25 : i32
    %convert_element_type3A_27 = arith.extui %eq3A_26 : i1 to i32
    %cond3A_28 = arith.constant 0 : i32
    %cond3A_29 = arith.cmpi ne, %convert_element_type3A_27, %cond3A_28 : i32
    scf.if %cond3A_29 {
      "tpu.region"() ({
        %run_scoped3A = tpu.sem_alloc : memref<!tpu.dma_semaphore, #tpu.memory_space<semaphore_mem>>
        %dma_start3A = arith.constant 0 : i32
        %dma_start3A_30 = tpu.memref_slice %arg8[%dma_start3A] : memref<3128xf32, #tpu.memory_space<vmem>> -> memref<3080xf32, #tpu.memory_space<vmem>>
        %dma_start3A_31 = tpu.memref_slice %arg5[%add3A_5] : memref<100000xf32, #tpu.memory_space<hbm>> -> memref<3080xf32, #tpu.memory_space<hbm>>
        %dma_start3A_32 = tpu.memref_slice %arg5[%add3A_5] : memref<100000xf32, #tpu.memory_space<hbm>> -> memref<3080xf32, #tpu.memory_space<hbm>>
        %dma_start3A_33 = arith.constant 0 : i32
        %dma_start3A_34 = tpu.memref_slice %arg8[%dma_start3A_33] : memref<3128xf32, #tpu.memory_space<vmem>> -> memref<3080xf32, #tpu.memory_space<vmem>>
        tpu.enqueue_dma source(%dma_start3A_34 : memref<3080xf32, #tpu.memory_space<vmem>>) target(%dma_start3A_32 : memref<3080xf32, #tpu.memory_space<hbm>>) target_semaphore(%run_scoped3A : memref<!tpu.dma_semaphore, #tpu.memory_space<semaphore_mem>>)
        %dma_wait3A = arith.constant 0 : i32
        %dma_wait3A_35 = tpu.memref_slice %arg8[%dma_wait3A] : memref<3128xf32, #tpu.memory_space<vmem>> -> memref<3080xf32, #tpu.memory_space<vmem>>
        %dma_wait3A_36 = tpu.memref_slice %arg5[%add3A_5] : memref<100000xf32, #tpu.memory_space<hbm>> -> memref<3080xf32, #tpu.memory_space<hbm>>
        %dma_wait3A_37 = tpu.memref_slice %arg5[%add3A_5] : memref<100000xf32, #tpu.memory_space<hbm>> -> memref<3080xf32, #tpu.memory_space<hbm>>
        %dma_wait3A_38 = arith.constant 0 : i32
        %dma_wait3A_39 = tpu.memref_slice %arg8[%dma_wait3A_38] : memref<3128xf32, #tpu.memory_space<vmem>> -> memref<3080xf32, #tpu.memory_space<vmem>>
        tpu.wait_dma2 semaphore(%run_scoped3A : memref<!tpu.dma_semaphore, #tpu.memory_space<semaphore_mem>>) src(%dma_wait3A_39 : memref<3080xf32, #tpu.memory_space<vmem>>) dst(%dma_wait3A_37 : memref<3080xf32, #tpu.memory_space<hbm>>)
        tpu.yield
      }) : () -> ()
    } else {
    }
    return
  }
}

module attributes {stable_mosaic.version = 14 : i64} {
  func.func @_gi_body(%arg0: i32, %arg1: memref<1024x1024xf32, #tpu.memory_space<vmem>>, %arg2: memref<1536x1024xbf16, #tpu.memory_space<vmem>>, %arg3: memref<1x1536xf32, #tpu.memory_space<vmem>>, %arg4: memref<1024x1536xbf16, #tpu.memory_space<vmem>>) attributes {dimension_semantics = [#tpu.dimension_semantics<arbitrary>], iteration_bounds = array<i64: 16>, scalar_prefetch = 0 : i64, scratch_operands = 0 : i64, tpu.core_type = #tpu.core_type<tc>, window_params = [{transform_indices = @transform_0, window_bounds = array<i64: 1024, 1024>}, {pipeline_mode = #tpu.pipeline_mode<synchronous>, transform_indices = @transform_1, window_bounds = array<i64: 1536, 1024>}, {pipeline_mode = #tpu.pipeline_mode<synchronous>, transform_indices = @transform_2, window_bounds = array<i64: 1, 1536>}, {transform_indices = @transform_3, window_bounds = array<i64: 1024, 1536>}]} {
    %get3A = arith.constant 0 : index
    %get3A_0 = arith.constant 0 : index
    %get3A_1 = vector.load %arg1[%get3A, %get3A_0] : memref<1024x1024xf32, #tpu.memory_space<vmem>>, vector<1024x1024xf32>
    %convert_element_type3A = arith.truncf %get3A_1 : vector<1024x1024xf32> to vector<1024x1024xbf16>
    %get3A_2 = arith.constant 0 : index
    %get3A_3 = arith.constant 0 : index
    %get3A_4 = vector.load %arg2[%get3A_2, %get3A_3] : memref<1536x1024xbf16, #tpu.memory_space<vmem>>, vector<1536x1024xbf16>
    %dot_general3A = arith.constant dense<0.000000e+00> : vector<1024x1536xf32>
    %dot_general3A_5 = tpu.matmul %convert_element_type3A, %get3A_4, %dot_general3A {dimension_numbers = #tpu.dot_dimension_numbers<[1], [1], [0], [0], [0, 0, 1, 0], [], []>, transpose_lhs_hint = false} : vector<1024x1024xbf16>, vector<1536x1024xbf16>, vector<1024x1536xf32> -> vector<1024x1536xf32>
    %get3A_6 = arith.constant 0 : index
    %get3A_7 = arith.constant 0 : index
    %get3A_8 = vector.load %arg3[%get3A_6, %get3A_7] : memref<1x1536xf32, #tpu.memory_space<vmem>>, vector<1x1536xf32>
    %add3A = vector.broadcast %get3A_8 : vector<1x1536xf32> to vector<1024x1536xf32>
    %add3A_9 = arith.addf %dot_general3A_5, %add3A : vector<1024x1536xf32>
    %convert_element_type3A_10 = arith.truncf %add3A_9 : vector<1024x1536xf32> to vector<1024x1536xbf16>
    %swap3A = arith.constant 0 : index
    %swap3A_11 = arith.constant 0 : index
    %swap3A_12 = vector.load %arg4[%swap3A, %swap3A_11] : memref<1024x1536xbf16, #tpu.memory_space<vmem>>, vector<1024x1536xbf16>
    tpu.vector_store %arg4[%swap3A, %swap3A_11], %convert_element_type3A_10 {strides = array<i32>} : memref<1024x1536xbf16, #tpu.memory_space<vmem>>, vector<1024x1536xbf16>,
    return
  }
  func.func @transform_0(%arg0: i32) -> (i32, i32) {
    %c0_i32 = arith.constant 0 : i32
    %c0_i32_0 = arith.constant 0 : i32
    return %arg0, %c0_i32 : i32, i32
  }
  func.func @transform_1(%arg0: i32) -> (i32, i32) {
    %c0_i32 = arith.constant 0 : i32
    %c0_i32_0 = arith.constant 0 : i32
    %c0_i32_1 = arith.constant 0 : i32
    return %c0_i32, %c0_i32_0 : i32, i32
  }
  func.func @transform_2(%arg0: i32) -> (i32, i32) {
    %c0_i32 = arith.constant 0 : i32
    %c0_i32_0 = arith.constant 0 : i32
    %c0_i32_1 = arith.constant 0 : i32
    return %c0_i32, %c0_i32_0 : i32, i32
  }
  func.func @transform_3(%arg0: i32) -> (i32, i32) {
    %c0_i32 = arith.constant 0 : i32
    %c0_i32_0 = arith.constant 0 : i32
    return %arg0, %c0_i32 : i32, i32
  }
}

module attributes {stable_mosaic.version = 14 : i64} {
  func.func @_gh_body(%arg0: i32, %arg1: memref<1024x1536xbf16, #tpu.memory_space<vmem>>, %arg2: memref<1024x512xf32, #tpu.memory_space<vmem>>, %arg3: memref<1536x512xbf16, #tpu.memory_space<vmem>>, %arg4: memref<1x1536xf32, #tpu.memory_space<vmem>>, %arg5: memref<1024x512xf32, #tpu.memory_space<vmem>>) attributes {dimension_semantics = [#tpu.dimension_semantics<arbitrary>], iteration_bounds = array<i64: 16>, scalar_prefetch = 0 : i64, scratch_operands = 0 : i64, tpu.core_type = #tpu.core_type<tc>, window_params = [{transform_indices = @transform_0, window_bounds = array<i64: 1024, 1536>}, {transform_indices = @transform_1, window_bounds = array<i64: 1024, 512>}, {pipeline_mode = #tpu.pipeline_mode<synchronous>, transform_indices = @transform_2, window_bounds = array<i64: 1536, 512>}, {pipeline_mode = #tpu.pipeline_mode<synchronous>, transform_indices = @transform_3, window_bounds = array<i64: 1, 1536>}, {transform_indices = @transform_4, window_bounds = array<i64: 1024, 512>}]} {
    %get3A = arith.constant 0 : index
    %get3A_0 = arith.constant 0 : index
    %get3A_1 = vector.load %arg2[%get3A, %get3A_0] : memref<1024x512xf32, #tpu.memory_space<vmem>>, vector<1024x512xf32>
    %convert_element_type3A = arith.truncf %get3A_1 : vector<1024x512xf32> to vector<1024x512xbf16>
    %get3A_2 = arith.constant 0 : index
    %get3A_3 = arith.constant 0 : index
    %get3A_4 = vector.load %arg3[%get3A_2, %get3A_3] : memref<1536x512xbf16, #tpu.memory_space<vmem>>, vector<1536x512xbf16>
    %dot_general3A = arith.constant dense<0.000000e+00> : vector<1024x1536xf32>
    %dot_general3A_5 = tpu.matmul %convert_element_type3A, %get3A_4, %dot_general3A {dimension_numbers = #tpu.dot_dimension_numbers<[1], [1], [0], [0], [0, 0, 1, 0], [], []>, transpose_lhs_hint = false} : vector<1024x512xbf16>, vector<1536x512xbf16>, vector<1024x1536xf32> -> vector<1024x1536xf32>
    %get3A_6 = arith.constant 0 : index
    %get3A_7 = arith.constant 0 : index
    %get3A_8 = vector.load %arg4[%get3A_6, %get3A_7] : memref<1x1536xf32, #tpu.memory_space<vmem>>, vector<1x1536xf32>
    %add3A = vector.broadcast %get3A_8 : vector<1x1536xf32> to vector<1024x1536xf32>
    %add3A_9 = arith.addf %dot_general3A_5, %add3A : vector<1024x1536xf32>
    %get3A_10 = arith.constant 0 : index
    %get3A_11 = arith.constant 0 : index
    %get3A_12 = vector.load %arg1[%get3A_10, %get3A_11] : memref<1024x1536xbf16, #tpu.memory_space<vmem>>, vector<1024x1536xbf16>
    %convert_element_type3A_13 = arith.extf %get3A_12 : vector<1024x1536xbf16> to vector<1024x1536xf32>
    %slice3A = vector.extract_strided_slice %convert_element_type3A_13 {offsets = [0, 0], sizes = [1024, 512], strides = [1, 1]} : vector<1024x1536xf32> to vector<1024x512xf32>
    %slice3A_14 = vector.extract_strided_slice %add3A_9 {offsets = [0, 0], sizes = [1024, 512], strides = [1, 1]} : vector<1024x1536xf32> to vector<1024x512xf32>
    %add3A_15 = arith.addf %slice3A, %slice3A_14 : vector<1024x512xf32>
    %logistic3A = arith.negf %add3A_15 : vector<1024x512xf32>
    %logistic3A_16 = math.exp %logistic3A : vector<1024x512xf32>
    %logistic3A_17 = arith.constant 1.000000e+00 : f32
    %logistic3A_18 = vector.broadcast %logistic3A_17 : f32 to vector<1024x512xf32>
    %logistic3A_19 = arith.addf %logistic3A_18, %logistic3A_16 : vector<1024x512xf32>
    %logistic3A_20 = arith.divf %logistic3A_18, %logistic3A_19 : vector<1024x512xf32>
    %slice3A_21 = vector.extract_strided_slice %convert_element_type3A_13 {offsets = [0, 512], sizes = [1024, 512], strides = [1, 1]} : vector<1024x1536xf32> to vector<1024x512xf32>
    %slice3A_22 = vector.extract_strided_slice %add3A_9 {offsets = [0, 512], sizes = [1024, 512], strides = [1, 1]} : vector<1024x1536xf32> to vector<1024x512xf32>
    %add3A_23 = arith.addf %slice3A_21, %slice3A_22 : vector<1024x512xf32>
    %logistic3A_24 = arith.negf %add3A_23 : vector<1024x512xf32>
    %logistic3A_25 = math.exp %logistic3A_24 : vector<1024x512xf32>
    %logistic3A_26 = arith.constant 1.000000e+00 : f32
    %logistic3A_27 = vector.broadcast %logistic3A_26 : f32 to vector<1024x512xf32>
    %logistic3A_28 = arith.addf %logistic3A_27, %logistic3A_25 : vector<1024x512xf32>
    %logistic3A_29 = arith.divf %logistic3A_27, %logistic3A_28 : vector<1024x512xf32>
    %slice3A_30 = vector.extract_strided_slice %convert_element_type3A_13 {offsets = [0, 1024], sizes = [1024, 512], strides = [1, 1]} : vector<1024x1536xf32> to vector<1024x512xf32>
    %slice3A_31 = vector.extract_strided_slice %add3A_9 {offsets = [0, 1024], sizes = [1024, 512], strides = [1, 1]} : vector<1024x1536xf32> to vector<1024x512xf32>
    %mul3A = arith.mulf %logistic3A_20, %slice3A_31 : vector<1024x512xf32>
    %add3A_32 = arith.addf %slice3A_30, %mul3A : vector<1024x512xf32>
    %tanh3A = math.tanh %add3A_32 : vector<1024x512xf32>
    %sub3A = arith.constant 1.000000e+00 : f32
    %sub3A_33 = vector.broadcast %sub3A : f32 to vector<1024x512xf32>
    %sub3A_34 = arith.subf %sub3A_33, %logistic3A_29 : vector<1024x512xf32>
    %mul3A_35 = arith.mulf %sub3A_34, %tanh3A : vector<1024x512xf32>
    %mul3A_36 = arith.mulf %logistic3A_29, %get3A_1 : vector<1024x512xf32>
    %add3A_37 = arith.addf %mul3A_35, %mul3A_36 : vector<1024x512xf32>
    %swap3A = arith.constant 0 : index
    %swap3A_38 = arith.constant 0 : index
    %swap3A_39 = vector.load %arg5[%swap3A, %swap3A_38] : memref<1024x512xf32, #tpu.memory_space<vmem>>, vector<1024x512xf32>
    tpu.vector_store %arg5[%swap3A, %swap3A_38], %add3A_37 {strides = array<i32>} : memref<1024x512xf32, #tpu.memory_space<vmem>>, vector<1024x512xf32>,
    return
  }
  func.func @transform_0(%arg0: i32) -> (i32, i32) {
    %c0_i32 = arith.constant 0 : i32
    %c0_i32_0 = arith.constant 0 : i32
    return %arg0, %c0_i32 : i32, i32
  }
  func.func @transform_1(%arg0: i32) -> (i32, i32) {
    %c0_i32 = arith.constant 0 : i32
    %c0_i32_0 = arith.constant 0 : i32
    return %arg0, %c0_i32 : i32, i32
  }
  func.func @transform_2(%arg0: i32) -> (i32, i32) {
    %c0_i32 = arith.constant 0 : i32
    %c0_i32_0 = arith.constant 0 : i32
    %c0_i32_1 = arith.constant 0 : i32
    return %c0_i32, %c0_i32_0 : i32, i32
  }
  func.func @transform_3(%arg0: i32) -> (i32, i32) {
    %c0_i32 = arith.constant 0 : i32
    %c0_i32_0 = arith.constant 0 : i32
    %c0_i32_1 = arith.constant 0 : i32
    return %c0_i32, %c0_i32_0 : i32, i32
  }
  func.func @transform_4(%arg0: i32) -> (i32, i32) {
    %c0_i32 = arith.constant 0 : i32
    %c0_i32_0 = arith.constant 0 : i32
    return %arg0, %c0_i32 : i32, i32
  }
}

</mosaic_0001>

<sc_bundles>
// kernel: kernel.12.cloned.1.call-start
scs
__scs_entry_jumppad:
0x0: {  	(pc) =	sbr.rel $0x88, $3  }
0x1: {  	(tag) =	ssettag $0x0;
	lr =	simm.s32 $0x1  }
0x2: {  	[smem:$0x3F98] =	sst lr;
	_ =	strace $0xD0000000  }
0x3: {  	_ = 	snop  }
0x4: {  	_ = 	snop  }
0x5: {  	_ = 	snop  }
0x6: {  	_ = 	snop  }
0x7: {  	_ = 	snop  }
__scs_overlays_trampoline_lowered:
0x8: {  	[smem:$0x3FA7] =	sst s0  }
0x9: {  	[smem:$0x3FA8] =	sst s1  }
0xa: {  	[smem:$0x3FA9] =	sst s2  }
0xb: {  	[smem:$0x3FAA] =	sst s3  }
0xc: {  	[smem:$0x3FAB] =	sst s4  }
0xd: {  	[smem:$0x3FAC] =	sst s5  }
0xe: {  	[smem:$0x3FAD] =	sst s6  }
0xf: {  	[smem:$0x3FAE] =	sst s7  }
0x10: {  	[smem:$0x3FAF] =	sst s8  }
0x11: {  	[smem:$0x3FB0] =	sst s9;
	s0 =	simm.s32 @!p0 $0x0  }
0x12: {  	s1 =	sld [smem:$0x3F96];
	s0 =	simm.s32 @p0 $0x1  }
0x13: {  	[smem:$0x3FB1] =	sst s0;
	s0 =	simm.s32 @!p1 $0x0  }
0x14: {  	s2 =	sld [smem:$0x3F95];
	s0 =	simm.s32 @p1 $0x1  }
0x15: {  	[smem:$0x3FB2] =	sst s0;
	s0 =	simm.s32 @!p2 $0x0  }
0x16: {  	s3 =	sld [smem:$0x3FDB];
	s0 =	simm.s32 @p2 $0x1  }
0x17: {  	s4 =	simm.s32 $0x1BF5;
	[smem:$0x3FB4] =	sst s0  }
0x18: {  	s0 =	sld [smem:$0x3F97];
	_ =	swait.ge [sflag:s4], $0x0  }
0x19: {  	s7 =	sld [smem:$0x3F98]  }
0x1a: {  	s8 =	sadd.s32 $0xFFFFE003, lr  }
0x1b: {  	s9 =	sadd.s32 $0xFFFFFEF7, lr;
	s5 =	simm.s32 $0xFFFFFFFF;
	p2 =	slt.u32 s8, $0xFFFFF086  }
0x1c: {  	p1 =	slt.u32 s9, $0xF7A;
	s5 =	simm.s32 @!p2 $0x0  }
0x1d: {  	s5 =	simm.s32 @p1 $0x1;
	p0 =	seq.s32 s7, s2  }
0x1e: {  	s7 =	smul.u32 @!p0 $0xF7A, s2;
	p2 =	seq.s32 @!p0 s5, $0x0  }
0x1f: {  	s9 =	smul.u32 $0xF7A, s1;
	s8 =	simm.s32 @!p0 $0x1BF5;
	p2 =	por !p2, p0  }
0x20: {  	[sflag:s8] =	ssyncset.s32 @!p0 $0xFFFFF086;
	s6 =	sadd.s32 @!p0 s3, s7;
	s7 =	simm.s32 @!p0 $0x108  }
0x21: {  	s3 =	sadd.s32 s3, s9;
	s6 =	sadd.s32 @!p0 $0x88, s6;
	s7 =	simm.s32 @p2 $0x1082  }
0x22: {  	[simem:s7], [sflag:s8] =	dma.local @!p0 [hbm:s6], $0xF7A  }
0x23: {  	s9 =	sor.u32 $0xD0000000, s2;
	s6 =	simm.s32 $0x108;
	_ =	swait.ge @!p0 [sflag:s8], $0x0  }
0x24: {  	s3 =	sadd.s32 $0x88, s3;
	s6 =	simm.s32 @!p1 $0x1082;
	[sflag:s4] =	ssyncset.s32 $0xFFFFF086  }
0x25: {  	[simem:s6], [sflag:s4] =	dma.local [hbm:s3], $0xF7A  }
0x26: {  	[smem:$0x3F98] =	sst s1;
	(tag) =	ssettag s2;
	_ =	strace s9  }
0x27: {  	s1 =	sld [smem:$0x3FA8]  }
0x28: {  	s2 =	sld [smem:$0x3FA9]  }
0x29: {  	s4 =	sld [smem:$0x3FAB]  }
0x2a: {  	p0 =	seq.s32 s5, $0x0;
	s5 =	sld [smem:$0x3FAC]  }
0x2b: {  	s6 =	sld [smem:$0x3FAD]  }
0x2c: {  	s7 =	sld [smem:$0x3FAE]  }
0x2d: {  	s3 =	simm.s32 $0x108;
	s8 =	sld [smem:$0x3FAF]  }
0x2e: {  	s3 =	simm.s32 @!p0 $0x1082;
	s9 =	sld [smem:$0x3FB0]  }
0x2f: {  	lr =	sadd.s32 s0, s3;
	s0 =	sld [smem:$0x3FA7]  }
0x30: {  	s3 =	sld [smem:$0x3FAA]  }
0x31: {  	[smem:$0x3FB3] =	sst s10  }
0x32: {  	s10 =	sld [smem:$0x3FB1];
	_ =	sdelay $0x3  }
0x33: {  	p0 =	seq.s32 s10, $0x1;
	s10 =	sld [smem:$0x3FB3];
	_ =	sdelay $0x3  }
0x34: {  	[smem:$0x3FB3] =	sst s10  }
0x35: {  	s10 =	sld [smem:$0x3FB2];
	_ =	sdelay $0x3  }
0x36: {  	p1 =	seq.s32 s10, $0x1;
	s10 =	sld [smem:$0x3FB3];
	_ =	sdelay $0x3  }
0x37: {  	[smem:$0x3FB3] =	sst s10  }
0x38: {  	s10 =	sld [smem:$0x3FB4]  }
0x39: {  	_ = 	snop;
	(pc) =	sbr.ind lr, $3  }
0x3a: {  	_ = 	snop  }
0x3b: {  	_ = 	snop  }
0x3c: {  	p2 =	seq.s32 s10, $0x1;
	s10 =	sld [smem:$0x3FB3]  }
0x3d: {  	_ =	shalt  }
0x3e: {  	_ =	shalt  }
0x3f: {  	_ =	shalt  }
0x40: {  	_ =	shalt  }
0x41: {  	_ =	shalt  }
0x42: {  	_ =	shalt  }
0x43: {  	_ =	shalt  }
0x44: {  	_ =	shalt  }
0x45: {  	_ =	shalt  }
0x46: {  	_ =	shalt  }
0x47: {  	_ =	shalt  }
0x48: {  	_ =	shalt  }
0x49: {  	_ =	shalt  }
0x4a: {  	_ =	shalt  }
0x4b: {  	_ =	shalt  }
0x4c: {  	_ =	shalt  }
0x4d: {  	_ =	shalt  }
0x4e: {  	_ =	shalt  }
0x4f: {  	_ =	shalt  }
0x50: {  	_ =	shalt  }
0x51: {  	_ =	shalt  }
0x52: {  	_ =	shalt  }
0x53: {  	_ =	shalt  }
0x54: {  	_ =	shalt  }
0x55: {  	_ =	shalt  }
0x56: {  	_ =	shalt  }
0x57: {  	_ =	shalt  }
0x58: {  	_ =	shalt  }
0x59: {  	_ =	shalt  }
0x5a: {  	_ =	shalt  }
0x5b: {  	_ =	shalt  }
0x5c: {  	_ =	shalt  }
0x5d: {  	_ =	shalt  }
0x5e: {  	_ =	shalt  }
0x5f: {  	_ =	shalt  }
0x60: {  	_ =	shalt  }
0x61: {  	_ =	shalt  }
0x62: {  	_ =	shalt  }
0x63: {  	_ =	shalt  }
0x64: {  	_ =	shalt  }
0x65: {  	_ =	shalt  }
0x66: {  	_ =	shalt  }
0x67: {  	_ =	shalt  }
0x68: {  	_ =	shalt  }
0x69: {  	_ =	shalt  }
0x6a: {  	_ =	shalt  }
0x6b: {  	_ =	shalt  }
0x6c: {  	_ =	shalt  }
0x6d: {  	_ =	shalt  }
0x6e: {  	_ =	shalt  }
0x6f: {  	_ =	shalt  }
0x70: {  	_ =	shalt  }
0x71: {  	_ =	shalt  }
0x72: {  	_ =	shalt  }
0x73: {  	_ =	shalt  }
0x74: {  	_ =	shalt  }
0x75: {  	_ =	shalt  }
0x76: {  	_ =	shalt  }
0x77: {  	_ =	shalt  }
0x78: {  	_ =	shalt  }
0x79: {  	_ =	shalt  }
0x7a: {  	_ =	shalt  }
0x7b: {  	_ =	shalt  }
0x7c: {  	_ =	shalt  }
0x7d: {  	_ =	shalt  }
0x7e: {  	_ =	shalt  }
0x7f: {  	_ =	shalt  }
0x80: {  	_ =	shalt  }
0x81: {  	_ =	shalt  }
0x82: {  	_ =	shalt  }
0x83: {  	_ =	shalt  }
0x84: {  	_ =	shalt  }
0x85: {  	_ =	shalt  }
0x86: {  	_ =	shalt  }
0x87: {  	_ =	shalt  }
.Lfunc_end0:
.L_simem_size_0:
called_computation.1_lowered:
.L_overlay_start_0:
0x88: {  	s2 =	sld [smem:$0x3FD9]  }
0x89: {  	s3 =	sld [smem:$0x3FFE];
	_ =	sdelay $0x1  }
0x8a: {  	s1 =	srdreg.scid  }
0x8b: {  	s0 =	sand.u32 $0x1, s1  }
0x8c: {  	s15 =	sshll.u32 s0, $0xA;
	s2 =	sadd.s32 s3, s2  }
0x8d: {  	s2 =	sadd.s32 s2, s15  }
0x8e: {  	[smem:$0x3FBF] =	sst s2  }
0x8f: {  	_ = 	snop  }
0x90: {  	s2 =	sld [smem:$0x3FD0];
	_ =	sdelay $0x2  }
0x91: {  	s4 =	simm.s32 $0xB;
	s5 =	simm.s32 $0x10;
	s16 =	sld [smem:$0x3FC7]  }
0x92: {  	[smem:s5], [sflag:s4] =	dma.local [hbm:s2], $0x1  }
0x93: {  	_ =	swait.eq [sflag:s4], $0x1  }
0x94: {  	[sflag:s4] =	ssyncset.done $0x0  }
0x95: {  	[sflag:s4] =	ssyncadd.s32 $0xFFFFFFFF  }
0x96: {  	s17 =	sld [smem:$0x11];
	(tm) =	ssettm $0x1  }
0x97: {  	s18 =	sld [smem:$0x3FFB];
	_ =	sdelay $0x3  }
0x98: {  	_ =	strace s18  }
0x99: {  	s4 =	sld [smem:$0x3FFC];
	_ =	sdelay $0x3  }
0x9a: {  	_ =	strace s4  }
0x9b: {  	s4 =	sld [smem:$0x3FFD];
	_ =	sdelay $0x3  }
0x9c: {  	_ =	strace s4  }
0x9d: {  	_ =	strace $0x8FFFFFFF  }
0x9e: {  	s19 =	sld [smem:$0x3FDB];
	_ =	sdelay $0x1  }
0x9f: {  	s20 =	simm.s32 $_scs_section_size  }
0xa0: {  	s6 =	simm.s32 $_size__tile_overlayer_lowered;
	s7 =	simm.s32 $_tile_overlayer_lowered  }
0xa1: {  	s23 =	simm.s32 $0x1BFF;
	s22 =	sshll.u32 s7, $0x1;
	s4 =	sadd.s32 s20, s19  }
0xa2: {  	s8 =	simm.s32 $0x0;
	s21 =	sshll.u32 s6, $0x1;
	s6 =	sadd.s32 s22, s4  }
0xa3: {  	[timem:s8], [sflag:s23] =	dma.local [hbm:s6], s21  }
0xa4: {  	_ =	swait.ge [sflag:s23], s21  }
0xa5: {  	s5 =	ssub.s32 $0x0, s21;
	[sflag:s23] =	ssyncset.done $0x0  }
0xa6: {  	[sflag:s23] =	ssyncadd.s32 s5;
	_ =	sdelay $0x1  }
0xa7: {  	s24 =	simm.s32 $0x1B8B  }
0xa8: {  	_ =	swait.ge [sflag:s24], $0x1  }
0xa9: {  	[sflag:s24] =	ssyncset.done $0x0  }
0xaa: {  	s25 =	simm.s32 $0x1B8E;
	[sflag:s24] =	ssyncadd.s32 $0xFFFFFFFF  }
0xab: {  	s26 =	simm.s32 $execute0_lowered;
	[smem:$0x3FD2] =	sst s25  }
0xac: {  	s5 =	sshll.u32 s26, $0x1;
	_ =	strace $0x80000046;
	[dreg:$0x1] =	wrdreg $0xFFFFFFFF  }
0xad: {  	s28 =	simm.s32 $_size_execute0_lowered;
	s4 =	sadd.s32 s4, s5;
	[dreg:$0x0] =	wrdreg $0x0  }
0xae: {  	s5 =	sshll.u32 s28, $0x1;
	[dreg:$0x2] =	wrdreg s4  }
0xaf: {  	[dreg:$0x3] =	wrdreg s5  }
0xb0: {  	[dreg:$0x4] =	wrdreg $0xC0  }
0xb1: {  	_ =	task [dreg:s8], $0x5FFFF  }
0xb2: {  	[dreg:$0x1] =	wrdreg $0xFFFFFFFF  }
0xb3: {  	[dreg:$0x0] =	wrdreg $0x60  }
0xb4: {  	[dreg:$0x2] =	wrdreg s16  }
0xb5: {  	[dreg:$0x3] =	wrdreg s17  }
0xb6: {  	[dreg:$0x4] =	wrdreg $0xA  }
0xb7: {  	_ =	task.clear_ibuf [dreg:s8], $0x5FFFF;
	_ =	strace $0x90000046  }
0xb8: {  	s29 =	simm.s32 $0xA;
	_ =	strace $0x80000048  }
0xb9: {  	_ =	swait.ge [sflag:s29], $0x1  }
0xba: {  	[sflag:s29] =	ssyncadd.s32 $0xFFFFFFFF  }
0xbb: {  	_ =	strace $0x90000048  }
0xbc: {  	_ =	sfence  }
0xbd: {  	s30 =	sld [smem:$0x0];
	_ =	sdelay $0x2  }
0xbe: {  	s31 =	sshll.u32 s1, $0xD;
	s1 =	sshrl.u32 s1, $0x2  }
0xbf: {  	s3 =	sand.u32 $0x4000, s31;
	s1 =	sadd.s32 s1, s30  }
0xc0: {  	s0 =	sor.u32 s3, s0;
	s1 =	sshll.u32 s1, $0x11  }
0xc1: {  	s0 =	sor.u32 s1, s0  }
0xc2: {  	s0 =	sadd.s32 $0x8F2B, s0  }
0xc3: {  	[sflag:s0] =	ssyncadd.remote.s32 $0x1  }
0xc4: {  	_ =	sfence.sel $0xFFFF  }
0xc5: {  	[dreg:$0x0] =	wrdreg $0xFFFFFFFF;
	(pc) =	sbr.abs _section_cstart, $3  }
0xc6: {  	[dreg:$0x1] =	wrdreg $0xFFFFFFFF  }
0xc7: {  	_ =	task.clear_ibuf [dreg:s8], $0x2FFFF;
	_ =	strace $0x9FFFFFFF  }
0xc8: {  	(tm) =	ssettm $0x7FFFFFFF  }
0xc9: {  	_ =	shalt  }
tec
execute0_lowered:
.L_overlay_start_1:
0x0: {  	(tag) =	ssettag $0x1  }
0x1: {  	s2 =	srdreg.scid  }
0x2: {  	s1 =	rddreg [dreg:$0x0];
	s4 =	sand.u32 $0x1, s2  }
0x3: {  	s5 =	rddreg [dreg:$0x1];
	s2 =	stileid.u32;
	s6 =	sshll.u32 s4, $0x4  }
0x4: {  	s0 =	rddreg [dreg:$0x2];
	s3 =	simm.s32 $0x0;
	s6 =	sor.u32 s2, s6  }
0x5: {  	[smem:$0x7FF] =	sst s3;
	s4 =	ssub.s32 $0x2, s4;
	s7 =	smul.u32 $0xC38, s6  }
.Ltmp0:
0x6: {  	p0 =	seq.s32 s6, $0x1F;
	s6 =	simm.s32 $0xBD8;
	(pc) =	sbr.rel .LBB2_1-.Ltmp0, $4  }
0x7: {  	_ =	strace $0x80000047;
	s8 =	sshrl.u32 s4, $0x1;
	s6 =	simm.s32 @!p0 $0xC38  }
0x8: {  	s8 =	ssub.s32 s4, s8;
	s9 =	sadd.s32 s7, s6;
	s31 =	sshrl.u32 s7, $0x3  }
0x9: {  	v0 =	vmov s7;
	s6 =	smax.u32 s8, $0x1;
	s7 =	simm.s32 $0x1;
	s8 =	simm.s32 $0x4000  }
0xa: {  	v2 =	vimm.s32 $0xFFFFFFFF;
	v3 =	vlaneseq.u32;
	s4 =	sadd.s32 s5, s31;
	s5 =	sadd.s32 $0x2F59, s5;
	v1 =	vmov s9;
	s9 =	simm.s32 $0x0  }
.LBB2_8:
0xb: {  	s10 =	simm.s32 @p0 $0x0;
	s11 =	simm.s32 @p0 $0x4000  }
0xc: {  	[hbm4b:s5+s10] =	stream.linear.scatter @p0 [tilespmem:s11], [sflag:$0x1], $0xBD8, $0x38;
	[tilespmem:$0x4C80] =	vst v63  }
0xd: {  	s10 =	simm.s32 @p0 $0x1  }
0xe: {  	_ =	swait.ge @p0 [sflag:s10], $0xBD8  }
0xf: {  	s9 =	sadd.s32 $0x1, s9;
	s11 =	simm.s32 @!p0 $0x4000;
	[sflag:s10] =	ssyncset.done @p0 $0x0  }
0x10: {  	p1 =	sne.s32 s9, s6;
	[sflag:s10] =	ssyncadd.s32 @p0 $0xFFFFF428;
	s10 =	simm.s32 @!p0 $0x0  }
0x11: {  	[hbm4b:s4+s10] =	stream.linear.scatter @!p0 [tilespmem:s11], [sflag:$0x1], $0xC38, $0x38;
	[tilespmem:$0x4C80] =	vst v63  }
.Ltmp1:
0x12: {  	_ = 	snop;
	(pc) =	sbr.rel @!p1 .LBB2_9-.Ltmp1, $4  }
0x13: {  	s10 =	simm.s32 @!p0 $0x1  }
0x14: {  	_ =	swait.ge @!p0 [sflag:s10], $0xC38  }
0x15: {  	[sflag:s10] =	ssyncset.done @!p0 $0x0  }
0x16: {  	[sflag:s10] =	ssyncadd.s32 @!p0 $0xFFFFF3C8  }
.LBB2_1:
0x17: {  	[tilespmem:s3], [sflag:$0x1] =	stream.linear.gather [hbm4b:s1+s3], $0x4000, $0x38;
	[tilespmem:$0x4C80] =	vst v63  }
0x18: {  	_ =	swait.ge [sflag:s7], $0x4000  }
0x19: {  	[sflag:s7] =	ssyncset.done $0x0  }
0x1a: {  	s10 =	simm.s32 $0x0;
	[sflag:s7] =	ssyncadd.s32 $0xFFFFC000  }
.LBB2_2:
0x1b: {  	p1 =	sne.s32 s10, $0x30C0  }
.Ltmp2:
0x1c: {  	_ = 	snop;
	(pc) =	sbr.rel @p1 .LBB2_2-.Ltmp2, $3  }
0x1d: {  	_ =	sdelay $0x1  }
0x1e: {  	s11 =	sshra.s32 s10, $0x2  }
0x1f: {  	s10 =	sadd.s32 $0x40, s10;
	[tilespmem:s11+$0x4000] =	vst v2  }
.Ltmp3:
0x20: {  	(pc) =	sbr.rel .LBB2_4-.Ltmp3, $2  }
0x21: {  	_ =	sdelay $0x2  }
0x22: {  	s10 =	simm.s32 $0x0  }
.LBB2_7:
0x23: {  	s10 =	sadd.s32 $0x1, s10  }
0x24: {  	p1 =	sne.s32 s10, $0x400  }
.Ltmp4:
0x25: {  	_ = 	snop;
	(pc) =	sbr.rel @!p1 .LBB2_8-.Ltmp4, $1  }
0x26: {  	_ =	sdelay $0x3  }
.LBB2_4:
0x27: {  	s11 =	sshll.u32 s10, $0x4  }
0x28: {  	v4 =	vld [tilespmem:s11+$0x0];
	_ =	sdelay $0x4  }
0x29: {  	vm0 =	vge.s32 v4, v0;
	vm1 =	vlt.s32 v4, v1  }
0x2a: {  	vm0 =	vmand vm0, vm1  }
0x2b: {  	v5 =	vmpcnt.ones.xlane vm0;
	_ =	sdelay $0x1  }
0x2c: {  	v5 =	vxor.u32 $0x80000000, v5  }
0x2d: {  	(xrf0) =	vmax.scan.msk.u32 $0xffff, v5;
	_ =	sdelay $0x5  }
0x2e: {  	v5, _, _ =	vpop (xrf0)  }
0x2f: {  	(v2sf) =	vpush v5, $0xF;
	_ =	sdelay $0xe  }
0x30: {  	s12 =	spop (v2sf)  }
0x31: {  	p1 =	slt.u32 s12, $0x80000001  }
.Ltmp5:
0x32: {  	_ = 	snop;
	(pc) =	sbr.rel @p1 .LBB2_7-.Ltmp5, $1  }
0x33: {  	_ =	sdelay $0x3  }
0x34: {  	v4 =	vsub.s32 v4, v0  }
0x35: {  	vm1 =	vgt.s32 v4, $0x0  }
0x36: {  	v5 =	vnsel vm1, $0x0, v4  }
0x37: {  	v5 =	vmin.u32 v5, $0xC3F;
	_ =	sdelay $0x3  }
0x38: {  	v4 =	vor.u32 s11, v3  }
.LBB2_6:
0x39: {  	v6 =	vld.idx.msk [tilespmem:v5+s8+$0x0], $0xffff;
	_ =	sdelay $0x4  }
0x3a: {  	vm1 =	vgt.s32 v4, v6  }
0x3b: {  	vm1 =	vmand vm0, vm1  }
0x3c: {  	v6 =	vmpcnt.ones.xlane vm1;
	_ =	sdelay $0x1  }
0x3d: {  	v6 =	vxor.u32 $0x80000000, v6  }
0x3e: {  	(xrf0) =	vmax.scan.msk.u32 $0xffff, v6;
	_ =	sdelay $0x5  }
0x3f: {  	v6, _, _ =	vpop (xrf0)  }
0x40: {  	(v2sf) =	vpush v6, $0xF;
	_ =	sdelay $0xe  }
0x41: {  	s11 =	spop (v2sf)  }
0x42: {  	p1 =	sgt.u32 s11, $0x80000000  }
.Ltmp6:
0x43: {  	_ = 	snop;
	(pc) =	sbr.rel @p1 .LBB2_6-.Ltmp6, $2  }
0x44: {  	_ =	sdelay $0x2  }
0x45: {  	[tilespmem:v5+s8+$0x0] =	vst.idx.msk vm1, v4  }
.Ltmp7:
0x46: {  	_ = 	snop;
	(pc) =	sbr.rel .LBB2_7-.Ltmp7, $1  }
0x47: {  	_ =	sdelay $0x3  }
.LBB2_9:
0x48: {  	_ =	sfence.sel $0x180000  }
0x49: {  	[bflag:$0x0] =	sbarrier.arrive $0xFFFF  }
0x4a: {  	p0 =	sne.s32 s2, $0x0;
	_ =	strace $0x90000047  }
0x4b: {  	s0 =	sadd.s32 @!p0 $0x100000, s0;
	[bflag:$0x2] =	sbarrier.arrive $0xFFFF  }
0x4c: {  	[sflag:s0] =	ssyncadd.tile.s32 @!p0 $0x1;
	_ =	shalt  }
.Lfunc_end2:
_tile_overlayer_lowered:
.L_overlay_start_2:
0x4d: {  	(tag) =	ssettag $0x2  }
0x4e: {  	s0 =	rddreg [dreg:$0x0];
	s2 =	stileid.u32  }
0x4f: {  	s1 =	rddreg [dreg:$0x1];
	p0 =	sne.s32 s2, $0x0  }
0x50: {  	s3 =	rddreg [dreg:$0x2];
	[bflag:$0x3] =	sbarrier.arrive $0xFFFF;
	s2 =	simm.s32 @!p0 $0x1C01  }
0x51: {  	[timem:s3], [sflag:s2] =	dma.local @!p0 [hbm:s0], s1  }
0x52: {  	s0 =	simm.s32 @!p0 $0x1  }
0x53: {  	_ =	swait.ge @!p0 [sflag:s0], s1  }
0x54: {  	s1 =	ssub.s32 @!p0 $0x0, s1;
	[sflag:s0] =	ssyncset.done @!p0 $0x0  }
0x55: {  	[sflag:s0] =	ssyncadd.s32 @!p0 s1  }
0x56: {  	[bflag:$0x3] =	sbarrier.arrive $0xFFFF  }
0x57: {  	_ =	shalt  }

// kernel: kernel.15.cloned.1.call-start
scs
__scs_entry_jumppad:
0x0: {  	(pc) =	sbr.rel $0x88, $3  }
0x1: {  	(tag) =	ssettag $0x0;
	lr =	simm.s32 $0x1  }
0x2: {  	[smem:$0x3F98] =	sst lr;
	_ =	strace $0xD0000000  }
0x3: {  	_ = 	snop  }
0x4: {  	_ = 	snop  }
0x5: {  	_ = 	snop  }
0x6: {  	_ = 	snop  }
0x7: {  	_ = 	snop  }
__scs_overlays_trampoline_lowered:
0x8: {  	[smem:$0x3FA7] =	sst s0  }
0x9: {  	[smem:$0x3FA8] =	sst s1  }
0xa: {  	[smem:$0x3FA9] =	sst s2  }
0xb: {  	[smem:$0x3FAA] =	sst s3  }
0xc: {  	[smem:$0x3FAB] =	sst s4  }
0xd: {  	[smem:$0x3FAC] =	sst s5  }
0xe: {  	[smem:$0x3FAD] =	sst s6  }
0xf: {  	[smem:$0x3FAE] =	sst s7  }
0x10: {  	[smem:$0x3FAF] =	sst s8  }
0x11: {  	[smem:$0x3FB0] =	sst s9;
	s0 =	simm.s32 @!p0 $0x0  }
0x12: {  	s1 =	sld [smem:$0x3F96];
	s0 =	simm.s32 @p0 $0x1  }
0x13: {  	[smem:$0x3FB1] =	sst s0;
	s0 =	simm.s32 @!p1 $0x0  }
0x14: {  	s2 =	sld [smem:$0x3F95];
	s0 =	simm.s32 @p1 $0x1  }
0x15: {  	[smem:$0x3FB2] =	sst s0;
	s0 =	simm.s32 @!p2 $0x0  }
0x16: {  	s3 =	sld [smem:$0x3FDB];
	s0 =	simm.s32 @p2 $0x1  }
0x17: {  	s4 =	simm.s32 $0x1BF5;
	[smem:$0x3FB4] =	sst s0  }
0x18: {  	s0 =	sld [smem:$0x3F97];
	_ =	swait.ge [sflag:s4], $0x0  }
0x19: {  	s7 =	sld [smem:$0x3F98]  }
0x1a: {  	s8 =	sadd.s32 $0xFFFFE003, lr  }
0x1b: {  	s9 =	sadd.s32 $0xFFFFFEF7, lr;
	s5 =	simm.s32 $0xFFFFFFFF;
	p2 =	slt.u32 s8, $0xFFFFF086  }
0x1c: {  	p1 =	slt.u32 s9, $0xF7A;
	s5 =	simm.s32 @!p2 $0x0  }
0x1d: {  	s5 =	simm.s32 @p1 $0x1;
	p0 =	seq.s32 s7, s2  }
0x1e: {  	s7 =	smul.u32 @!p0 $0xF7A, s2;
	p2 =	seq.s32 @!p0 s5, $0x0  }
0x1f: {  	s9 =	smul.u32 $0xF7A, s1;
	s8 =	simm.s32 @!p0 $0x1BF5;
	p2 =	por !p2, p0  }
0x20: {  	[sflag:s8] =	ssyncset.s32 @!p0 $0xFFFFF086;
	s6 =	sadd.s32 @!p0 s3, s7;
	s7 =	simm.s32 @!p0 $0x108  }
0x21: {  	s3 =	sadd.s32 s3, s9;
	s6 =	sadd.s32 @!p0 $0x88, s6;
	s7 =	simm.s32 @p2 $0x1082  }
0x22: {  	[simem:s7], [sflag:s8] =	dma.local @!p0 [hbm:s6], $0xF7A  }
0x23: {  	s9 =	sor.u32 $0xD0000000, s2;
	s6 =	simm.s32 $0x108;
	_ =	swait.ge @!p0 [sflag:s8], $0x0  }
0x24: {  	s3 =	sadd.s32 $0x88, s3;
	s6 =	simm.s32 @!p1 $0x1082;
	[sflag:s4] =	ssyncset.s32 $0xFFFFF086  }
0x25: {  	[simem:s6], [sflag:s4] =	dma.local [hbm:s3], $0xF7A  }
0x26: {  	[smem:$0x3F98] =	sst s1;
	(tag) =	ssettag s2;
	_ =	strace s9  }
0x27: {  	s1 =	sld [smem:$0x3FA8]  }
0x28: {  	s2 =	sld [smem:$0x3FA9]  }
0x29: {  	s4 =	sld [smem:$0x3FAB]  }
0x2a: {  	p0 =	seq.s32 s5, $0x0;
	s5 =	sld [smem:$0x3FAC]  }
0x2b: {  	s6 =	sld [smem:$0x3FAD]  }
0x2c: {  	s7 =	sld [smem:$0x3FAE]  }
0x2d: {  	s3 =	simm.s32 $0x108;
	s8 =	sld [smem:$0x3FAF]  }
0x2e: {  	s3 =	simm.s32 @!p0 $0x1082;
	s9 =	sld [smem:$0x3FB0]  }
0x2f: {  	lr =	sadd.s32 s0, s3;
	s0 =	sld [smem:$0x3FA7]  }
0x30: {  	s3 =	sld [smem:$0x3FAA]  }
0x31: {  	[smem:$0x3FB3] =	sst s10  }
0x32: {  	s10 =	sld [smem:$0x3FB1];
	_ =	sdelay $0x3  }
0x33: {  	p0 =	seq.s32 s10, $0x1;
	s10 =	sld [smem:$0x3FB3];
	_ =	sdelay $0x3  }
0x34: {  	[smem:$0x3FB3] =	sst s10  }
0x35: {  	s10 =	sld [smem:$0x3FB2];
	_ =	sdelay $0x3  }
0x36: {  	p1 =	seq.s32 s10, $0x1;
	s10 =	sld [smem:$0x3FB3];
	_ =	sdelay $0x3  }
0x37: {  	[smem:$0x3FB3] =	sst s10  }
0x38: {  	s10 =	sld [smem:$0x3FB4]  }
0x39: {  	_ = 	snop;
	(pc) =	sbr.ind lr, $3  }
0x3a: {  	_ = 	snop  }
0x3b: {  	_ = 	snop  }
0x3c: {  	p2 =	seq.s32 s10, $0x1;
	s10 =	sld [smem:$0x3FB3]  }
0x3d: {  	_ =	shalt  }
0x3e: {  	_ =	shalt  }
0x3f: {  	_ =	shalt  }
0x40: {  	_ =	shalt  }
0x41: {  	_ =	shalt  }
0x42: {  	_ =	shalt  }
0x43: {  	_ =	shalt  }
0x44: {  	_ =	shalt  }
0x45: {  	_ =	shalt  }
0x46: {  	_ =	shalt  }
0x47: {  	_ =	shalt  }
0x48: {  	_ =	shalt  }
0x49: {  	_ =	shalt  }
0x4a: {  	_ =	shalt  }
0x4b: {  	_ =	shalt  }
0x4c: {  	_ =	shalt  }
0x4d: {  	_ =	shalt  }
0x4e: {  	_ =	shalt  }
0x4f: {  	_ =	shalt  }
0x50: {  	_ =	shalt  }
0x51: {  	_ =	shalt  }
0x52: {  	_ =	shalt  }
0x53: {  	_ =	shalt  }
0x54: {  	_ =	shalt  }
0x55: {  	_ =	shalt  }
0x56: {  	_ =	shalt  }
0x57: {  	_ =	shalt  }
0x58: {  	_ =	shalt  }
0x59: {  	_ =	shalt  }
0x5a: {  	_ =	shalt  }
0x5b: {  	_ =	shalt  }
0x5c: {  	_ =	shalt  }
0x5d: {  	_ =	shalt  }
0x5e: {  	_ =	shalt  }
0x5f: {  	_ =	shalt  }
0x60: {  	_ =	shalt  }
0x61: {  	_ =	shalt  }
0x62: {  	_ =	shalt  }
0x63: {  	_ =	shalt  }
0x64: {  	_ =	shalt  }
0x65: {  	_ =	shalt  }
0x66: {  	_ =	shalt  }
0x67: {  	_ =	shalt  }
0x68: {  	_ =	shalt  }
0x69: {  	_ =	shalt  }
0x6a: {  	_ =	shalt  }
0x6b: {  	_ =	shalt  }
0x6c: {  	_ =	shalt  }
0x6d: {  	_ =	shalt  }
0x6e: {  	_ =	shalt  }
0x6f: {  	_ =	shalt  }
0x70: {  	_ =	shalt  }
0x71: {  	_ =	shalt  }
0x72: {  	_ =	shalt  }
0x73: {  	_ =	shalt  }
0x74: {  	_ =	shalt  }
0x75: {  	_ =	shalt  }
0x76: {  	_ =	shalt  }
0x77: {  	_ =	shalt  }
0x78: {  	_ =	shalt  }
0x79: {  	_ =	shalt  }
0x7a: {  	_ =	shalt  }
0x7b: {  	_ =	shalt  }
0x7c: {  	_ =	shalt  }
0x7d: {  	_ =	shalt  }
0x7e: {  	_ =	shalt  }
0x7f: {  	_ =	shalt  }
0x80: {  	_ =	shalt  }
0x81: {  	_ =	shalt  }
0x82: {  	_ =	shalt  }
0x83: {  	_ =	shalt  }
0x84: {  	_ =	shalt  }
0x85: {  	_ =	shalt  }
0x86: {  	_ =	shalt  }
0x87: {  	_ =	shalt  }
.Lfunc_end0:
.L_simem_size_0:
called_computation.2_lowered:
.L_overlay_start_0:
0x88: {  	s2 =	sld [smem:$0x3FD9]  }
0x89: {  	s3 =	sld [smem:$0x3FFE];
	_ =	sdelay $0x1  }
0x8a: {  	s1 =	srdreg.scid  }
0x8b: {  	s0 =	sand.u32 $0x1, s1  }
0x8c: {  	s15 =	sshll.u32 s0, $0xA;
	s2 =	sadd.s32 s3, s2  }
0x8d: {  	s2 =	sadd.s32 s2, s15  }
0x8e: {  	[smem:$0x3FBF] =	sst s2  }
0x8f: {  	_ = 	snop  }
0x90: {  	s4 =	sld [smem:$0x3FD0];
	_ =	sdelay $0x1  }
0x91: {  	s2 =	sld [smem:$0x3FC7]  }
0x92: {  	s5 =	simm.s32 $0xB;
	s6 =	simm.s32 $0x10;
	s16 =	sld [smem:$0x3FC5]  }
0x93: {  	[smem:s6], [sflag:s5] =	dma.local [hbm:s4], $0x1  }
0x94: {  	_ =	swait.eq [sflag:s5], $0x1  }
0x95: {  	[sflag:s5] =	ssyncset.done $0x0  }
0x96: {  	[sflag:s5] =	ssyncadd.s32 $0xFFFFFFFF  }
0x97: {  	s17 =	sld [smem:$0x11];
	(tm) =	ssettm $0x1  }
0x98: {  	s18 =	sld [smem:$0x3FFB];
	_ =	sdelay $0x3  }
0x99: {  	_ =	strace s18  }
0x9a: {  	s4 =	sld [smem:$0x3FFC];
	_ =	sdelay $0x3  }
0x9b: {  	_ =	strace s4  }
0x9c: {  	s4 =	sld [smem:$0x3FFD];
	_ =	sdelay $0x3  }
0x9d: {  	_ =	strace s4  }
0x9e: {  	_ =	strace $0x8FFFFFFF  }
0x9f: {  	s19 =	sld [smem:$0x3FDB];
	_ =	sdelay $0x1  }
0xa0: {  	s20 =	simm.s32 $_scs_section_size  }
0xa1: {  	s7 =	simm.s32 $_size__tile_overlayer_lowered;
	s8 =	simm.s32 $_tile_overlayer_lowered  }
0xa2: {  	s9 =	simm.s32 $0x1BFF;
	s21 =	sshll.u32 s8, $0x1;
	s6 =	sadd.s32 s20, s19  }
0xa3: {  	s22 =	simm.s32 $0x0;
	s7 =	sshll.u32 s7, $0x1;
	s8 =	sadd.s32 s21, s6  }
0xa4: {  	[timem:s22], [sflag:s9] =	dma.local [hbm:s8], s7  }
0xa5: {  	_ =	swait.ge [sflag:s9], s7  }
0xa6: {  	s7 =	ssub.s32 $0x0, s7;
	[sflag:s9] =	ssyncset.done $0x0  }
0xa7: {  	[sflag:s9] =	ssyncadd.s32 s7;
	_ =	sdelay $0x1  }
0xa8: {  	s23 =	simm.s32 $0x1B8B  }
0xa9: {  	_ =	swait.ge [sflag:s23], $0x1  }
0xaa: {  	[sflag:s23] =	ssyncset.done $0x0  }
0xab: {  	[sflag:s23] =	ssyncadd.s32 $0xFFFFFFFF  }
0xac: {  	s7 =	sld [smem:$0x0]  }
0xad: {  	s8 =	sand.u32 $0xFFFFFFFE, s1  }
0xae: {  	p0 =	sne.s32 s1, s8  }
0xaf: {  	s8 =	sshll.u32 @p0 s8, $0xE  }
0xb0: {  	s8 =	sadd.s32 @p0 $0x11B8D, s8;
	s9 =	sshll.u32 @p0 s7, $0x11  }
0xb1: {  	s8 =	sor.u32 @p0 s9, s8  }
0xb2: {  	[sflag:s8] =	ssyncadd.remote.s32 @p0 $0x1;
	_ =	sdelay $0x1  }
0xb3: {  	s8 =	simm.s32 @p0 $0x1B8D  }
0xb4: {  	_ =	swait.eq @p0 [sflag:s8], $0x1  }
0xb5: {  	[sflag:s8] =	ssyncadd.s32 @p0 $0xFFFFFFFF  }
0xb6: {  	s9 =	sshll.u32 @!p0 s1, $0xE  }
0xb7: {  	s9 =	sor.u32 @!p0 $0x4000, s9;
	s8 =	simm.s32 @!p0 $0x1B8D  }
0xb8: {  	s7 =	sshll.u32 @!p0 s7, $0x11;
	s9 =	sadd.s32 @!p0 $0x11B8D, s9;
	_ =	swait.eq @!p0 [sflag:s8], $0x1  }
0xb9: {  	s7 =	sor.u32 @!p0 s7, s9;
	[sflag:s8] =	ssyncadd.s32 @!p0 $0xFFFFFFFF  }
0xba: {  	s25 =	simm.s32 $0x1B8E;
	s24 =	sld [smem:$0x3FFE];
	[sflag:s7] =	ssyncadd.remote.s32 @!p0 $0x1  }
0xbb: {  	s26 =	simm.s32 $execute0_lowered;
	[smem:$0x3FD2] =	sst s25  }
0xbc: {  	s8 =	sshll.u32 s26, $0x1;
	_ =	strace $0x8000004C;
	[dreg:$0x1] =	wrdreg $0xFFFFFFFF  }
0xbd: {  	s28 =	simm.s32 $_size_execute0_lowered;
	s6 =	sadd.s32 s6, s8;
	[dreg:$0x0] =	wrdreg $0x0  }
0xbe: {  	s8 =	sshll.u32 s28, $0x1;
	[dreg:$0x2] =	wrdreg s6  }
0xbf: {  	[dreg:$0x3] =	wrdreg s8  }
0xc0: {  	[dreg:$0x4] =	wrdreg $0xC0  }
0xc1: {  	_ =	task [dreg:s22], $0x5FFFF  }
0xc2: {  	[dreg:$0x1] =	wrdreg $0xFFFFFFFF  }
0xc3: {  	[dreg:$0x0] =	wrdreg $0x60  }
0xc4: {  	[dreg:$0x2] =	wrdreg s17  }
0xc5: {  	[dreg:$0x3] =	wrdreg s2  }
0xc6: {  	[dreg:$0x4] =	wrdreg s16  }
0xc7: {  	[dreg:$0x5] =	wrdreg s24  }
0xc8: {  	[dreg:$0x6] =	wrdreg $0xA  }
0xc9: {  	_ =	task.clear_ibuf [dreg:s22], $0x7FFFF;
	_ =	strace $0x9000004C  }
0xca: {  	s29 =	simm.s32 $0xA;
	_ =	strace $0x8000004E  }
0xcb: {  	_ =	swait.ge [sflag:s29], $0x1  }
0xcc: {  	[sflag:s29] =	ssyncadd.s32 $0xFFFFFFFF  }
0xcd: {  	_ =	strace $0x9000004E  }
0xce: {  	_ =	sfence  }
0xcf: {  	s30 =	sld [smem:$0x0];
	_ =	sdelay $0x2  }
0xd0: {  	s31 =	sshll.u32 s1, $0xD;
	s1 =	sshrl.u32 s1, $0x2  }
0xd1: {  	s3 =	sand.u32 $0x4000, s31;
	s1 =	sadd.s32 s1, s30  }
0xd2: {  	s0 =	sor.u32 s3, s0;
	s1 =	sshll.u32 s1, $0x11  }
0xd3: {  	s0 =	sor.u32 s1, s0  }
0xd4: {  	s0 =	sadd.s32 $0x8F2B, s0  }
0xd5: {  	[sflag:s0] =	ssyncadd.remote.s32 $0x1  }
0xd6: {  	_ =	sfence.sel $0xFFFF  }
0xd7: {  	[dreg:$0x0] =	wrdreg $0xFFFFFFFF;
	(pc) =	sbr.abs _section_cstart, $3  }
0xd8: {  	[dreg:$0x1] =	wrdreg $0xFFFFFFFF  }
0xd9: {  	_ =	task.clear_ibuf [dreg:s22], $0x2FFFF;
	_ =	strace $0x9FFFFFFF  }
0xda: {  	(tm) =	ssettm $0x7FFFFFFF  }
0xdb: {  	_ =	shalt  }
tec
execute0_lowered:
.L_overlay_start_1:
0x0: {  	(tag) =	ssettag $0x1  }
0x1: {  	s1 =	rddreg [dreg:$0x0]  }
0x2: {  	s5 =	rddreg [dreg:$0x1]  }
0x3: {  	s2 =	rddreg [dreg:$0x2]  }
0x4: {  	s6 =	rddreg [dreg:$0x3]  }
0x5: {  	s0 =	rddreg [dreg:$0x4];
	s4 =	simm.s32 $0x0;
	s7 =	srdreg.scid  }
0x6: {  	s3 =	stileid.u32;
	s11 =	simm.s32 $0x1C700;
	s12 =	simm.s32 $0x1C900  }
0x7: {  	s13 =	simm.s32 $0x1CB00;
	s14 =	simm.s32 $0x0;
	s7 =	sand.u32 $0x1, s7  }
0x8: {  	s9 =	sshll.u32 s3, $0x6;
	s8 =	sshll.u32 s7, $0xA;
	s7 =	ssub.s32 $0x2, s7  }
0x9: {  	[smem:$0x7FF] =	sst s4;
	s8 =	sor.u32 s9, s8;
	s31 =	sshrl.u32 s7, $0x1  }
0xa: {  	_ =	strace $0x8000004D;
	s10 =	sadd.s32 s8, s6;
	s9 =	ssub.s32 s7, s31  }
0xb: {  	s5 =	sadd.s32 s5, s8;
	s6 =	sadd.s32 $0x102000, s10;
	s7 =	sadd.s32 $0x102800, s10  }
0xc: {  	s8 =	smax.u32 s9, $0x1;
	s9 =	simm.s32 $0x1;
	s10 =	simm.s32 $0x18700  }
.LBB2_1:
0xd: {  	[tilespmem:s4], [sflag:$0x1] =	stream.linear.gather [hbm4b:s1+s4], $0x18700, $0x38;
	[tilespmem:$0x1CD00] =	vst v63  }
0xe: {  	_ =	swait.ge [sflag:s9], $0x18700  }
0xf: {  	[sflag:s9] =	ssyncset.done $0x0  }
0x10: {  	[sflag:s9] =	ssyncadd.s32 $0xFFFE7900  }
0x11: {  	[tilespmem:s10], [sflag:$0x1] =	stream.linear.gather [hbm4b:s2+s4], $0x4000, $0x38;
	[tilespmem:$0x1CD00] =	vst v63  }
0x12: {  	_ =	swait.ge [sflag:s9], $0x4000  }
0x13: {  	[sflag:s9] =	ssyncset.done $0x0  }
0x14: {  	[sflag:s9] =	ssyncadd.s32 $0xFFFFC000  }
0x15: {  	[tilespmem:s11], [sflag:$0x1] =	stream.linear.gather [hbm4b:s5+s4], $0x200, $0x38;
	[tilespmem:$0x1CD00] =	vst v63  }
0x16: {  	_ =	swait.ge [sflag:s9], $0x200  }
0x17: {  	[sflag:s9] =	ssyncset.done $0x0  }
0x18: {  	s15 =	simm.s32 $0x0;
	[sflag:s9] =	ssyncadd.s32 $0xFFFFFE00  }
0x19: {  	v0 =	vld [tilespmem:s15+$0x1C700];
	_ =	sdelay $0x7  }
0x1a: {  	s16 =	simm.s32 $0x40;
	s17 =	simm.s32 $0x80;
	v0 =	vld.idx.msk [tilespmem:v0+s4+$0x0], $0xffff  }
.LBB2_2:
0x1b: {  	p0 =	sne.s32 s17, $0x7C0;
	_ =	sdelay $0x4  }
0x1c: {  	s18 =	sshra.s32 s16, $0x2;
	s16 =	smov.u32 s17  }
0x1d: {  	v1 =	vld [tilespmem:s18+$0x1C700]  }
0x1e: {  	v2 =	vld.idx.msk [tilespmem:v0+s10+$0x0], $0xffff;
	[tilespmem:s15+$0x1C900] =	vst v0;
	_ =	sdelay $0x2  }
.Ltmp0:
0x1f: {  	(pc) =	sbr.rel @p0 .LBB2_2-.Ltmp0, $3  }
0x20: {  	_ =	sdelay $0x1  }
0x21: {  	[tilespmem:s15+$0x1CB00] =	vst v2;
	s15 =	smov.u32 s18  }
0x22: {  	s17 =	sadd.s32 $0x40, s17;
	v0 =	vld.idx.msk [tilespmem:v1+s4+$0x0], $0xffff  }
0x23: {  	_ =	sdelay $0x4  }
0x24: {  	s16 =	sshra.s32 s16, $0x2  }
0x25: {  	v1 =	vld [tilespmem:s16+$0x1C700];
	_ =	sdelay $0x1  }
0x26: {  	v2 =	vld.idx.msk [tilespmem:v0+s10+$0x0], $0xffff;
	_ =	sdelay $0x3  }
0x27: {  	[tilespmem:s15+$0x1C900] =	vst v0  }
0x28: {  	[tilespmem:s15+$0x1CB00] =	vst v2  }
0x29: {  	v0 =	vld.idx.msk [tilespmem:v1+s4+$0x0], $0xffff;
	_ =	sdelay $0x7  }
0x2a: {  	v1 =	vld.idx.msk [tilespmem:v0+s10+$0x0], $0xffff;
	_ =	sdelay $0x3  }
0x2b: {  	[tilespmem:s16+$0x1C900] =	vst v0  }
0x2c: {  	[tilespmem:s16+$0x1CB00] =	vst v1  }
0x2d: {  	[hbm4b:s6+s4] =	stream.linear.scatter [tilespmem:s12], [sflag:$0x1], $0x200, $0x38;
	[tilespmem:$0x1CD00] =	vst v63  }
0x2e: {  	s14 =	sadd.s32 $0x1, s14;
	_ =	swait.ge [sflag:s9], $0x200  }
0x2f: {  	p0 =	sne.s32 s14, s8;
	[sflag:s9] =	ssyncset.done $0x0  }
.Ltmp1:
0x30: {  	[sflag:s9] =	ssyncadd.s32 $0xFFFFFE00;
	(pc) =	sbr.rel @p0 .LBB2_1-.Ltmp1, $4  }
0x31: {  	[hbm4b:s7+s4] =	stream.linear.scatter [tilespmem:s13], [sflag:$0x1], $0x200, $0x38;
	[tilespmem:$0x1CD00] =	vst v63  }
0x32: {  	_ =	swait.ge [sflag:s9], $0x200  }
0x33: {  	[sflag:s9] =	ssyncset.done $0x0  }
0x34: {  	[sflag:s9] =	ssyncadd.s32 $0xFFFFFE00  }
0x35: {  	_ =	sfence.sel $0x180000  }
0x36: {  	[bflag:$0x0] =	sbarrier.arrive $0xFFFF  }
0x37: {  	p0 =	sne.s32 s3, $0x0;
	_ =	strace $0x9000004D  }
0x38: {  	s0 =	sadd.s32 @!p0 $0x100000, s0;
	[bflag:$0x2] =	sbarrier.arrive $0xFFFF  }
0x39: {  	[sflag:s0] =	ssyncadd.tile.s32 @!p0 $0x1;
	_ =	shalt  }
.Lfunc_end2:
_tile_overlayer_lowered:
.L_overlay_start_2:
0x3a: {  	(tag) =	ssettag $0x2  }
0x3b: {  	s0 =	rddreg [dreg:$0x0];
	s2 =	stileid.u32  }
0x3c: {  	s1 =	rddreg [dreg:$0x1];
	p0 =	sne.s32 s2, $0x0  }
0x3d: {  	s3 =	rddreg [dreg:$0x2];
	[bflag:$0x3] =	sbarrier.arrive $0xFFFF;
	s2 =	simm.s32 @!p0 $0x1C01  }
0x3e: {  	[timem:s3], [sflag:s2] =	dma.local @!p0 [hbm:s0], s1  }
0x3f: {  	s0 =	simm.s32 @!p0 $0x1  }
0x40: {  	_ =	swait.ge @!p0 [sflag:s0], s1  }
0x41: {  	s1 =	ssub.s32 @!p0 $0x0, s1;
	[sflag:s0] =	ssyncset.done @!p0 $0x0  }
0x42: {  	[sflag:s0] =	ssyncadd.s32 @!p0 s1  }
0x43: {  	[bflag:$0x3] =	sbarrier.arrive $0xFFFF  }
0x44: {  	_ =	shalt  }

// kernel: kernel.18.cloned.1.call-start
scs
__scs_entry_jumppad:
0x0: {  	(pc) =	sbr.rel $0x88, $3  }
0x1: {  	(tag) =	ssettag $0x0;
	lr =	simm.s32 $0x1  }
0x2: {  	[smem:$0x3F98] =	sst lr;
	_ =	strace $0xD0000000  }
0x3: {  	_ = 	snop  }
0x4: {  	_ = 	snop  }
0x5: {  	_ = 	snop  }
0x6: {  	_ = 	snop  }
0x7: {  	_ = 	snop  }
__scs_overlays_trampoline_lowered:
0x8: {  	[smem:$0x3FA7] =	sst s0  }
0x9: {  	[smem:$0x3FA8] =	sst s1  }
0xa: {  	[smem:$0x3FA9] =	sst s2  }
0xb: {  	[smem:$0x3FAA] =	sst s3  }
0xc: {  	[smem:$0x3FAB] =	sst s4  }
0xd: {  	[smem:$0x3FAC] =	sst s5  }
0xe: {  	[smem:$0x3FAD] =	sst s6  }
0xf: {  	[smem:$0x3FAE] =	sst s7  }
0x10: {  	[smem:$0x3FAF] =	sst s8  }
0x11: {  	[smem:$0x3FB0] =	sst s9;
	s0 =	simm.s32 @!p0 $0x0  }
0x12: {  	s1 =	sld [smem:$0x3F96];
	s0 =	simm.s32 @p0 $0x1  }
0x13: {  	[smem:$0x3FB1] =	sst s0;
	s0 =	simm.s32 @!p1 $0x0  }
0x14: {  	s2 =	sld [smem:$0x3F95];
	s0 =	simm.s32 @p1 $0x1  }
0x15: {  	[smem:$0x3FB2] =	sst s0;
	s0 =	simm.s32 @!p2 $0x0  }
0x16: {  	s3 =	sld [smem:$0x3FDB];
	s0 =	simm.s32 @p2 $0x1  }
0x17: {  	s4 =	simm.s32 $0x1BF5;
	[smem:$0x3FB4] =	sst s0  }
0x18: {  	s0 =	sld [smem:$0x3F97];
	_ =	swait.ge [sflag:s4], $0x0  }
0x19: {  	s7 =	sld [smem:$0x3F98]  }
0x1a: {  	s8 =	sadd.s32 $0xFFFFE003, lr  }
0x1b: {  	s9 =	sadd.s32 $0xFFFFFEF7, lr;
	s5 =	simm.s32 $0xFFFFFFFF;
	p2 =	slt.u32 s8, $0xFFFFF086  }
0x1c: {  	p1 =	slt.u32 s9, $0xF7A;
	s5 =	simm.s32 @!p2 $0x0  }
0x1d: {  	s5 =	simm.s32 @p1 $0x1;
	p0 =	seq.s32 s7, s2  }
0x1e: {  	s7 =	smul.u32 @!p0 $0xF7A, s2;
	p2 =	seq.s32 @!p0 s5, $0x0  }
0x1f: {  	s9 =	smul.u32 $0xF7A, s1;
	s8 =	simm.s32 @!p0 $0x1BF5;
	p2 =	por !p2, p0  }
0x20: {  	[sflag:s8] =	ssyncset.s32 @!p0 $0xFFFFF086;
	s6 =	sadd.s32 @!p0 s3, s7;
	s7 =	simm.s32 @!p0 $0x108  }
0x21: {  	s3 =	sadd.s32 s3, s9;
	s6 =	sadd.s32 @!p0 $0x88, s6;
	s7 =	simm.s32 @p2 $0x1082  }
0x22: {  	[simem:s7], [sflag:s8] =	dma.local @!p0 [hbm:s6], $0xF7A  }
0x23: {  	s9 =	sor.u32 $0xD0000000, s2;
	s6 =	simm.s32 $0x108;
	_ =	swait.ge @!p0 [sflag:s8], $0x0  }
0x24: {  	s3 =	sadd.s32 $0x88, s3;
	s6 =	simm.s32 @!p1 $0x1082;
	[sflag:s4] =	ssyncset.s32 $0xFFFFF086  }
0x25: {  	[simem:s6], [sflag:s4] =	dma.local [hbm:s3], $0xF7A  }
0x26: {  	[smem:$0x3F98] =	sst s1;
	(tag) =	ssettag s2;
	_ =	strace s9  }
0x27: {  	s1 =	sld [smem:$0x3FA8]  }
0x28: {  	s2 =	sld [smem:$0x3FA9]  }
0x29: {  	s4 =	sld [smem:$0x3FAB]  }
0x2a: {  	p0 =	seq.s32 s5, $0x0;
	s5 =	sld [smem:$0x3FAC]  }
0x2b: {  	s6 =	sld [smem:$0x3FAD]  }
0x2c: {  	s7 =	sld [smem:$0x3FAE]  }
0x2d: {  	s3 =	simm.s32 $0x108;
	s8 =	sld [smem:$0x3FAF]  }
0x2e: {  	s3 =	simm.s32 @!p0 $0x1082;
	s9 =	sld [smem:$0x3FB0]  }
0x2f: {  	lr =	sadd.s32 s0, s3;
	s0 =	sld [smem:$0x3FA7]  }
0x30: {  	s3 =	sld [smem:$0x3FAA]  }
0x31: {  	[smem:$0x3FB3] =	sst s10  }
0x32: {  	s10 =	sld [smem:$0x3FB1];
	_ =	sdelay $0x3  }
0x33: {  	p0 =	seq.s32 s10, $0x1;
	s10 =	sld [smem:$0x3FB3];
	_ =	sdelay $0x3  }
0x34: {  	[smem:$0x3FB3] =	sst s10  }
0x35: {  	s10 =	sld [smem:$0x3FB2];
	_ =	sdelay $0x3  }
0x36: {  	p1 =	seq.s32 s10, $0x1;
	s10 =	sld [smem:$0x3FB3];
	_ =	sdelay $0x3  }
0x37: {  	[smem:$0x3FB3] =	sst s10  }
0x38: {  	s10 =	sld [smem:$0x3FB4]  }
0x39: {  	_ = 	snop;
	(pc) =	sbr.ind lr, $3  }
0x3a: {  	_ = 	snop  }
0x3b: {  	_ = 	snop  }
0x3c: {  	p2 =	seq.s32 s10, $0x1;
	s10 =	sld [smem:$0x3FB3]  }
0x3d: {  	_ =	shalt  }
0x3e: {  	_ =	shalt  }
0x3f: {  	_ =	shalt  }
0x40: {  	_ =	shalt  }
0x41: {  	_ =	shalt  }
0x42: {  	_ =	shalt  }
0x43: {  	_ =	shalt  }
0x44: {  	_ =	shalt  }
0x45: {  	_ =	shalt  }
0x46: {  	_ =	shalt  }
0x47: {  	_ =	shalt  }
0x48: {  	_ =	shalt  }
0x49: {  	_ =	shalt  }
0x4a: {  	_ =	shalt  }
0x4b: {  	_ =	shalt  }
0x4c: {  	_ =	shalt  }
0x4d: {  	_ =	shalt  }
0x4e: {  	_ =	shalt  }
0x4f: {  	_ =	shalt  }
0x50: {  	_ =	shalt  }
0x51: {  	_ =	shalt  }
0x52: {  	_ =	shalt  }
0x53: {  	_ =	shalt  }
0x54: {  	_ =	shalt  }
0x55: {  	_ =	shalt  }
0x56: {  	_ =	shalt  }
0x57: {  	_ =	shalt  }
0x58: {  	_ =	shalt  }
0x59: {  	_ =	shalt  }
0x5a: {  	_ =	shalt  }
0x5b: {  	_ =	shalt  }
0x5c: {  	_ =	shalt  }
0x5d: {  	_ =	shalt  }
0x5e: {  	_ =	shalt  }
0x5f: {  	_ =	shalt  }
0x60: {  	_ =	shalt  }
0x61: {  	_ =	shalt  }
0x62: {  	_ =	shalt  }
0x63: {  	_ =	shalt  }
0x64: {  	_ =	shalt  }
0x65: {  	_ =	shalt  }
0x66: {  	_ =	shalt  }
0x67: {  	_ =	shalt  }
0x68: {  	_ =	shalt  }
0x69: {  	_ =	shalt  }
0x6a: {  	_ =	shalt  }
0x6b: {  	_ =	shalt  }
0x6c: {  	_ =	shalt  }
0x6d: {  	_ =	shalt  }
0x6e: {  	_ =	shalt  }
0x6f: {  	_ =	shalt  }
0x70: {  	_ =	shalt  }
0x71: {  	_ =	shalt  }
0x72: {  	_ =	shalt  }
0x73: {  	_ =	shalt  }
0x74: {  	_ =	shalt  }
0x75: {  	_ =	shalt  }
0x76: {  	_ =	shalt  }
0x77: {  	_ =	shalt  }
0x78: {  	_ =	shalt  }
0x79: {  	_ =	shalt  }
0x7a: {  	_ =	shalt  }
0x7b: {  	_ =	shalt  }
0x7c: {  	_ =	shalt  }
0x7d: {  	_ =	shalt  }
0x7e: {  	_ =	shalt  }
0x7f: {  	_ =	shalt  }
0x80: {  	_ =	shalt  }
0x81: {  	_ =	shalt  }
0x82: {  	_ =	shalt  }
0x83: {  	_ =	shalt  }
0x84: {  	_ =	shalt  }
0x85: {  	_ =	shalt  }
0x86: {  	_ =	shalt  }
0x87: {  	_ =	shalt  }
.Lfunc_end0:
.L_simem_size_0:
called_computation.3_lowered:
.L_overlay_start_0:
0x88: {  	s2 =	sld [smem:$0x3FD9]  }
0x89: {  	s3 =	sld [smem:$0x3FFE];
	_ =	sdelay $0x1  }
0x8a: {  	s1 =	srdreg.scid  }
0x8b: {  	s0 =	sand.u32 $0x1, s1  }
0x8c: {  	s15 =	sshll.u32 s0, $0xA;
	s2 =	sadd.s32 s3, s2  }
0x8d: {  	s2 =	sadd.s32 s2, s15  }
0x8e: {  	[smem:$0x3FBF] =	sst s2  }
0x8f: {  	_ = 	snop  }
0x90: {  	s4 =	sld [smem:$0x3FD0];
	_ =	sdelay $0x1  }
0x91: {  	s2 =	sld [smem:$0x3FC8]  }
0x92: {  	s5 =	simm.s32 $0xB;
	s6 =	simm.s32 $0x10;
	s16 =	sld [smem:$0x3FC7]  }
0x93: {  	[smem:s6], [sflag:s5] =	dma.local [hbm:s4], $0x1  }
0x94: {  	_ =	swait.eq [sflag:s5], $0x1  }
0x95: {  	[sflag:s5] =	ssyncset.done $0x0  }
0x96: {  	[sflag:s5] =	ssyncadd.s32 $0xFFFFFFFF  }
0x97: {  	s17 =	sld [smem:$0x11];
	(tm) =	ssettm $0x1  }
0x98: {  	s18 =	sld [smem:$0x3FFB];
	_ =	sdelay $0x3  }
0x99: {  	_ =	strace s18  }
0x9a: {  	s4 =	sld [smem:$0x3FFC];
	_ =	sdelay $0x3  }
0x9b: {  	_ =	strace s4  }
0x9c: {  	s4 =	sld [smem:$0x3FFD];
	_ =	sdelay $0x3  }
0x9d: {  	_ =	strace s4  }
0x9e: {  	_ =	strace $0x8FFFFFFF  }
0x9f: {  	s19 =	sld [smem:$0x3FDB];
	_ =	sdelay $0x1  }
0xa0: {  	s20 =	simm.s32 $_scs_section_size  }
0xa1: {  	s7 =	simm.s32 $_size__tile_overlayer_lowered;
	s8 =	simm.s32 $_tile_overlayer_lowered  }
0xa2: {  	s9 =	simm.s32 $0x1BFF;
	s21 =	sshll.u32 s8, $0x1;
	s6 =	sadd.s32 s20, s19  }
0xa3: {  	s22 =	simm.s32 $0x0;
	s7 =	sshll.u32 s7, $0x1;
	s8 =	sadd.s32 s21, s6  }
0xa4: {  	[timem:s22], [sflag:s9] =	dma.local [hbm:s8], s7  }
0xa5: {  	_ =	swait.ge [sflag:s9], s7  }
0xa6: {  	s7 =	ssub.s32 $0x0, s7;
	[sflag:s9] =	ssyncset.done $0x0  }
0xa7: {  	[sflag:s9] =	ssyncadd.s32 s7;
	_ =	sdelay $0x1  }
0xa8: {  	s23 =	simm.s32 $0x1B8B  }
0xa9: {  	_ =	swait.ge [sflag:s23], $0x1  }
0xaa: {  	[sflag:s23] =	ssyncset.done $0x0  }
0xab: {  	[sflag:s23] =	ssyncadd.s32 $0xFFFFFFFF  }
0xac: {  	s7 =	sld [smem:$0x0]  }
0xad: {  	s8 =	sand.u32 $0xFFFFFFFE, s1  }
0xae: {  	p0 =	sne.s32 s1, s8  }
0xaf: {  	s8 =	sshll.u32 @p0 s8, $0xE  }
0xb0: {  	s8 =	sadd.s32 @p0 $0x11B8D, s8;
	s9 =	sshll.u32 @p0 s7, $0x11  }
0xb1: {  	s8 =	sor.u32 @p0 s9, s8  }
0xb2: {  	[sflag:s8] =	ssyncadd.remote.s32 @p0 $0x1;
	_ =	sdelay $0x1  }
0xb3: {  	s8 =	simm.s32 @p0 $0x1B8D  }
0xb4: {  	_ =	swait.eq @p0 [sflag:s8], $0x1  }
0xb5: {  	[sflag:s8] =	ssyncadd.s32 @p0 $0xFFFFFFFF  }
0xb6: {  	s9 =	sshll.u32 @!p0 s1, $0xE  }
0xb7: {  	s9 =	sor.u32 @!p0 $0x4000, s9;
	s8 =	simm.s32 @!p0 $0x1B8D  }
0xb8: {  	s7 =	sshll.u32 @!p0 s7, $0x11;
	s9 =	sadd.s32 @!p0 $0x11B8D, s9;
	_ =	swait.eq @!p0 [sflag:s8], $0x1  }
0xb9: {  	s7 =	sor.u32 @!p0 s7, s9;
	[sflag:s8] =	ssyncadd.s32 @!p0 $0xFFFFFFFF  }
0xba: {  	s25 =	simm.s32 $0x1B8E;
	s24 =	sld [smem:$0x3FFE];
	[sflag:s7] =	ssyncadd.remote.s32 @!p0 $0x1  }
0xbb: {  	s26 =	simm.s32 $execute0_lowered;
	[smem:$0x3FD2] =	sst s25  }
0xbc: {  	s8 =	sshll.u32 s26, $0x1;
	_ =	strace $0x80000052;
	[dreg:$0x1] =	wrdreg $0xFFFFFFFF  }
0xbd: {  	s28 =	simm.s32 $_size_execute0_lowered;
	s6 =	sadd.s32 s6, s8;
	[dreg:$0x0] =	wrdreg $0x0  }
0xbe: {  	s8 =	sshll.u32 s28, $0x1;
	[dreg:$0x2] =	wrdreg s6  }
0xbf: {  	[dreg:$0x3] =	wrdreg s8  }
0xc0: {  	[dreg:$0x4] =	wrdreg $0xC0  }
0xc1: {  	_ =	task [dreg:s22], $0x5FFFF  }
0xc2: {  	[dreg:$0x1] =	wrdreg $0xFFFFFFFF  }
0xc3: {  	[dreg:$0x0] =	wrdreg $0x60  }
0xc4: {  	[dreg:$0x2] =	wrdreg s2  }
0xc5: {  	[dreg:$0x3] =	wrdreg s16  }
0xc6: {  	[dreg:$0x4] =	wrdreg s24  }
0xc7: {  	[dreg:$0x5] =	wrdreg s17  }
0xc8: {  	[dreg:$0x6] =	wrdreg $0x9  }
0xc9: {  	_ =	task.clear_ibuf [dreg:s22], $0x7FFFF;
	_ =	strace $0x90000052  }
0xca: {  	s29 =	simm.s32 $0x9;
	_ =	strace $0x80000054  }
0xcb: {  	_ =	swait.ge [sflag:s29], $0x1  }
0xcc: {  	[sflag:s29] =	ssyncadd.s32 $0xFFFFFFFF  }
0xcd: {  	_ =	strace $0x90000054  }
0xce: {  	_ =	sfence  }
0xcf: {  	s30 =	sld [smem:$0x0];
	_ =	sdelay $0x2  }
0xd0: {  	s31 =	sshll.u32 s1, $0xD;
	s1 =	sshrl.u32 s1, $0x2  }
0xd1: {  	s3 =	sand.u32 $0x4000, s31;
	s1 =	sadd.s32 s1, s30  }
0xd2: {  	s0 =	sor.u32 s3, s0;
	s1 =	sshll.u32 s1, $0x11  }
0xd3: {  	s0 =	sor.u32 s1, s0  }
0xd4: {  	s0 =	sadd.s32 $0x8F2B, s0  }
0xd5: {  	[sflag:s0] =	ssyncadd.remote.s32 $0x1  }
0xd6: {  	_ =	sfence.sel $0xFFFF  }
0xd7: {  	[dreg:$0x0] =	wrdreg $0xFFFFFFFF;
	(pc) =	sbr.abs _section_cstart, $3  }
0xd8: {  	[dreg:$0x1] =	wrdreg $0xFFFFFFFF  }
0xd9: {  	_ =	task.clear_ibuf [dreg:s22], $0x2FFFF;
	_ =	strace $0x9FFFFFFF  }
0xda: {  	(tm) =	ssettm $0x7FFFFFFF  }
0xdb: {  	_ =	shalt  }
tec
execute0_lowered:
.L_overlay_start_1:
0x0: {  	(tag) =	ssettag $0x1  }
0x1: {  	s6 =	rddreg [dreg:$0x0]  }
0x2: {  	s0 =	rddreg [dreg:$0x1]  }
0x3: {  	s5 =	rddreg [dreg:$0x2];
	s1 =	srdreg.scid  }
0x4: {  	s7 =	rddreg [dreg:$0x3];
	s2 =	stileid.u32  }
0x5: {  	s3 =	simm.s32 $0x0;
	s11 =	simm.s32 $0x8000;
	s12 =	simm.s32 $0x0  }
0x6: {  	s4 =	sand.u32 $0x1, s1;
	s1 =	rddreg [dreg:$0x4];
	s9 =	smul.u32 $0xC38, s2  }
0x7: {  	[smem:$0x7FF] =	sst s3;
	s8 =	smul.u32 $0xC350, s4;
	s10 =	ssub.s32 $0x2, s4  }
0x8: {  	s5 =	sadd.s32 $0x102800, s5;
	p0 =	seq.s32 s2, $0xF;
	s31 =	sshrl.u32 s10, $0x1  }
0x9: {  	_ =	strace $0x80000053;
	s4 =	sadd.s32 s9, s8;
	s8 =	ssub.s32 s10, s31  }
0xa: {  	s10 =	simm.s32 $0x4000;
	s9 =	sshrl.u32 s4, $0x3;
	s8 =	smax.u32 s8, $0x1  }
0xb: {  	v0 =	vmov s4;
	s6 =	sadd.s32 s6, s9;
	s7 =	sadd.s32 s7, s9;
	s9 =	simm.s32 $0x1  }
.LBB2_1:
0xc: {  	[tilespmem:s3], [sflag:$0x1] =	stream.linear.gather [hbm4b:s0+s3], $0x4000, $0x38;
	[tilespmem:$0x8C80] =	vst v63  }
0xd: {  	_ =	swait.ge [sflag:s9], $0x4000  }
0xe: {  	[sflag:s9] =	ssyncset.done $0x0  }
0xf: {  	[sflag:s9] =	ssyncadd.s32 $0xFFFFC000  }
0x10: {  	[tilespmem:s10], [sflag:$0x1] =	stream.linear.gather [hbm4b:s5+s3], $0x4000, $0x38;
	[tilespmem:$0x8C80] =	vst v63  }
0x11: {  	_ =	swait.ge [sflag:s9], $0x4000  }
0x12: {  	[sflag:s9] =	ssyncset.done $0x0  }
0x13: {  	s13 =	simm.s32 @p0 $0x0;
	s14 =	simm.s32 @p0 $0x8000;
	[sflag:s9] =	ssyncadd.s32 $0xFFFFC000  }
0x14: {  	[tilespmem:s14], [sflag:$0x1] =	stream.linear.gather @p0 [hbm4b:s6+s13], $0xC08, $0x38;
	[tilespmem:$0x8C80] =	vst v63  }
0x15: {  	s13 =	simm.s32 @p0 $0x1  }
0x16: {  	_ =	swait.ge @p0 [sflag:s13], $0xC08  }
0x17: {  	[sflag:s13] =	ssyncset.done @p0 $0x0  }
0x18: {  	s14 =	simm.s32 @!p0 $0x8000;
	[sflag:s13] =	ssyncadd.s32 @p0 $0xFFFFF3F8;
	s13 =	simm.s32 @!p0 $0x0  }
0x19: {  	[tilespmem:s14], [sflag:$0x1] =	stream.linear.gather @!p0 [hbm4b:s6+s13], $0xC38, $0x38;
	[tilespmem:$0x8C80] =	vst v63  }
0x1a: {  	s13 =	simm.s32 @!p0 $0x1;
	s14 =	simm.s32 @!p0 $0xC38  }
0x1b: {  	_ =	swait.ge @!p0 [sflag:s13], $0xC38;
	s14 =	simm.s32 @p0 $0xC08  }
0x1c: {  	[sflag:s13] =	ssyncset.done @!p0 $0x0;
	s14 =	sadd.s32 s4, s14  }
0x1d: {  	[sflag:s13] =	ssyncadd.s32 @!p0 $0xFFFFF3C8;
	v1 =	vmov s14;
	s13 =	simm.s32 $0x0;
	s14 =	simm.s32 $0x40  }
.LBB2_2:
0x1e: {  	p1 =	sne.s32 s14, $0xFFC0;
	v2 =	vld [tilespmem:s13+$0x0];
	_ =	sdelay $0x4  }
0x1f: {  	v3 =	vsub.s32 v2, v0  }
0x20: {  	vm0 =	vge.s32 v2, v0;
	vm1 =	vlt.s32 v2, v1;
	vm2 =	vgt.s32 v3, $0x0  }
0x21: {  	vm0 =	vmand vm0, vm1;
	v2 =	vnsel vm2, $0x0, v3  }
0x22: {  	v3 =	vld [tilespmem:s13+$0x4000];
	v2 =	vmin.u32 v2, $0xC37  }
.Ltmp0:
0x23: {  	(pc) =	sbr.rel @p1 .LBB2_2-.Ltmp0, $2  }
0x24: {  	_ =	sdelay $0x2  }
0x25: {  	s13 =	sshra.s32 s14, $0x2;
	s14 =	sadd.s32 $0x40, s14;
	[tilespmem:v2+s11+$0x0] =	vst.idx.msk vm0, v3  }
0x26: {  	v2 =	vld [tilespmem:s13+$0x0];
	_ =	sdelay $0x4  }
0x27: {  	v3 =	vsub.s32 v2, v0  }
0x28: {  	vm0 =	vge.s32 v2, v0;
	vm1 =	vlt.s32 v2, v1;
	vm2 =	vgt.s32 v3, $0x0  }
0x29: {  	vm0 =	vmand vm0, vm1;
	v1 =	vnsel vm2, $0x0, v3  }
0x2a: {  	v2 =	vld [tilespmem:s13+$0x4000];
	v1 =	vmin.u32 v1, $0xC37;
	_ =	sdelay $0x4  }
0x2b: {  	s14 =	simm.s32 @p0 $0x8000;
	s13 =	simm.s32 @p0 $0x0;
	[tilespmem:v1+s11+$0x0] =	vst.idx.msk vm0, v2  }
0x2c: {  	[hbm4b:s7+s13] =	stream.linear.scatter @p0 [tilespmem:s14], [sflag:$0x1], $0xC08, $0x38;
	[tilespmem:$0x8C80] =	vst v63  }
0x2d: {  	s13 =	simm.s32 @p0 $0x1  }
0x2e: {  	s12 =	sadd.s32 $0x1, s12;
	_ =	swait.ge @p0 [sflag:s13], $0xC08  }
0x2f: {  	p1 =	sne.s32 s12, s8;
	[sflag:s13] =	ssyncset.done @p0 $0x0  }
0x30: {  	s14 =	simm.s32 @!p0 $0x8000;
	[sflag:s13] =	ssyncadd.s32 @p0 $0xFFFFF3F8;
	s13 =	simm.s32 @!p0 $0x0  }
0x31: {  	[hbm4b:s7+s13] =	stream.linear.scatter @!p0 [tilespmem:s14], [sflag:$0x1], $0xC38, $0x38;
	[tilespmem:$0x8C80] =	vst v63  }
.Ltmp1:
0x32: {  	_ = 	snop;
	(pc) =	sbr.rel @p1 .LBB2_1-.Ltmp1, $4  }
0x33: {  	s13 =	simm.s32 @!p0 $0x1  }
0x34: {  	_ =	swait.ge @!p0 [sflag:s13], $0xC38  }
0x35: {  	[sflag:s13] =	ssyncset.done @!p0 $0x0  }
0x36: {  	[sflag:s13] =	ssyncadd.s32 @!p0 $0xFFFFF3C8  }
0x37: {  	_ =	sfence.sel $0x180000  }
0x38: {  	[bflag:$0x0] =	sbarrier.arrive $0xFFFF  }
0x39: {  	p0 =	sne.s32 s2, $0x0;
	_ =	strace $0x90000053  }
0x3a: {  	s0 =	sadd.s32 @!p0 $0x100000, s1;
	[bflag:$0x2] =	sbarrier.arrive $0xFFFF  }
0x3b: {  	[sflag:s0] =	ssyncadd.tile.s32 @!p0 $0x1;
	_ =	shalt  }
.Lfunc_end2:
_tile_overlayer_lowered:
.L_overlay_start_2:
0x3c: {  	(tag) =	ssettag $0x2  }
0x3d: {  	s0 =	rddreg [dreg:$0x0];
	s2 =	stileid.u32  }
0x3e: {  	s1 =	rddreg [dreg:$0x1];
	p0 =	sne.s32 s2, $0x0  }
0x3f: {  	s3 =	rddreg [dreg:$0x2];
	[bflag:$0x3] =	sbarrier.arrive $0xFFFF;
	s2 =	simm.s32 @!p0 $0x1C01  }
0x40: {  	[timem:s3], [sflag:s2] =	dma.local @!p0 [hbm:s0], s1  }
0x41: {  	s0 =	simm.s32 @!p0 $0x1  }
0x42: {  	_ =	swait.ge @!p0 [sflag:s0], s1  }
0x43: {  	s1 =	ssub.s32 @!p0 $0x0, s1;
	[sflag:s0] =	ssyncset.done @!p0 $0x0  }
0x44: {  	[sflag:s0] =	ssyncadd.s32 @!p0 s1  }
0x45: {  	[bflag:$0x3] =	sbarrier.arrive $0xFFFF  }
0x46: {  	_ =	shalt  }

// kernel: kernel.21.cloned.1.call-start
scs
__scs_entry_jumppad:
0x0: {  	(pc) =	sbr.rel $0x88, $3  }
0x1: {  	(tag) =	ssettag $0x0;
	lr =	simm.s32 $0x1  }
0x2: {  	[smem:$0x3F98] =	sst lr;
	_ =	strace $0xD0000000  }
0x3: {  	_ = 	snop  }
0x4: {  	_ = 	snop  }
0x5: {  	_ = 	snop  }
0x6: {  	_ = 	snop  }
0x7: {  	_ = 	snop  }
__scs_overlays_trampoline_lowered:
0x8: {  	[smem:$0x3FA7] =	sst s0  }
0x9: {  	[smem:$0x3FA8] =	sst s1  }
0xa: {  	[smem:$0x3FA9] =	sst s2  }
0xb: {  	[smem:$0x3FAA] =	sst s3  }
0xc: {  	[smem:$0x3FAB] =	sst s4  }
0xd: {  	[smem:$0x3FAC] =	sst s5  }
0xe: {  	[smem:$0x3FAD] =	sst s6  }
0xf: {  	[smem:$0x3FAE] =	sst s7  }
0x10: {  	[smem:$0x3FAF] =	sst s8  }
0x11: {  	[smem:$0x3FB0] =	sst s9;
	s0 =	simm.s32 @!p0 $0x0  }
0x12: {  	s1 =	sld [smem:$0x3F96];
	s0 =	simm.s32 @p0 $0x1  }
0x13: {  	[smem:$0x3FB1] =	sst s0;
	s0 =	simm.s32 @!p1 $0x0  }
0x14: {  	s2 =	sld [smem:$0x3F95];
	s0 =	simm.s32 @p1 $0x1  }
0x15: {  	[smem:$0x3FB2] =	sst s0;
	s0 =	simm.s32 @!p2 $0x0  }
0x16: {  	s3 =	sld [smem:$0x3FDB];
	s0 =	simm.s32 @p2 $0x1  }
0x17: {  	s4 =	simm.s32 $0x1BF5;
	[smem:$0x3FB4] =	sst s0  }
0x18: {  	s0 =	sld [smem:$0x3F97];
	_ =	swait.ge [sflag:s4], $0x0  }
0x19: {  	s7 =	sld [smem:$0x3F98]  }
0x1a: {  	s8 =	sadd.s32 $0xFFFFE003, lr  }
0x1b: {  	s9 =	sadd.s32 $0xFFFFFEF7, lr;
	s5 =	simm.s32 $0xFFFFFFFF;
	p2 =	slt.u32 s8, $0xFFFFF086  }
0x1c: {  	p1 =	slt.u32 s9, $0xF7A;
	s5 =	simm.s32 @!p2 $0x0  }
0x1d: {  	s5 =	simm.s32 @p1 $0x1;
	p0 =	seq.s32 s7, s2  }
0x1e: {  	s7 =	smul.u32 @!p0 $0xF7A, s2;
	p2 =	seq.s32 @!p0 s5, $0x0  }
0x1f: {  	s9 =	smul.u32 $0xF7A, s1;
	s8 =	simm.s32 @!p0 $0x1BF5;
	p2 =	por !p2, p0  }
0x20: {  	[sflag:s8] =	ssyncset.s32 @!p0 $0xFFFFF086;
	s6 =	sadd.s32 @!p0 s3, s7;
	s7 =	simm.s32 @!p0 $0x108  }
0x21: {  	s3 =	sadd.s32 s3, s9;
	s6 =	sadd.s32 @!p0 $0x88, s6;
	s7 =	simm.s32 @p2 $0x1082  }
0x22: {  	[simem:s7], [sflag:s8] =	dma.local @!p0 [hbm:s6], $0xF7A  }
0x23: {  	s9 =	sor.u32 $0xD0000000, s2;
	s6 =	simm.s32 $0x108;
	_ =	swait.ge @!p0 [sflag:s8], $0x0  }
0x24: {  	s3 =	sadd.s32 $0x88, s3;
	s6 =	simm.s32 @!p1 $0x1082;
	[sflag:s4] =	ssyncset.s32 $0xFFFFF086  }
0x25: {  	[simem:s6], [sflag:s4] =	dma.local [hbm:s3], $0xF7A  }
0x26: {  	[smem:$0x3F98] =	sst s1;
	(tag) =	ssettag s2;
	_ =	strace s9  }
0x27: {  	s1 =	sld [smem:$0x3FA8]  }
0x28: {  	s2 =	sld [smem:$0x3FA9]  }
0x29: {  	s4 =	sld [smem:$0x3FAB]  }
0x2a: {  	p0 =	seq.s32 s5, $0x0;
	s5 =	sld [smem:$0x3FAC]  }
0x2b: {  	s6 =	sld [smem:$0x3FAD]  }
0x2c: {  	s7 =	sld [smem:$0x3FAE]  }
0x2d: {  	s3 =	simm.s32 $0x108;
	s8 =	sld [smem:$0x3FAF]  }
0x2e: {  	s3 =	simm.s32 @!p0 $0x1082;
	s9 =	sld [smem:$0x3FB0]  }
0x2f: {  	lr =	sadd.s32 s0, s3;
	s0 =	sld [smem:$0x3FA7]  }
0x30: {  	s3 =	sld [smem:$0x3FAA]  }
0x31: {  	[smem:$0x3FB3] =	sst s10  }
0x32: {  	s10 =	sld [smem:$0x3FB1];
	_ =	sdelay $0x3  }
0x33: {  	p0 =	seq.s32 s10, $0x1;
	s10 =	sld [smem:$0x3FB3];
	_ =	sdelay $0x3  }
0x34: {  	[smem:$0x3FB3] =	sst s10  }
0x35: {  	s10 =	sld [smem:$0x3FB2];
	_ =	sdelay $0x3  }
0x36: {  	p1 =	seq.s32 s10, $0x1;
	s10 =	sld [smem:$0x3FB3];
	_ =	sdelay $0x3  }
0x37: {  	[smem:$0x3FB3] =	sst s10  }
0x38: {  	s10 =	sld [smem:$0x3FB4]  }
0x39: {  	_ = 	snop;
	(pc) =	sbr.ind lr, $3  }
0x3a: {  	_ = 	snop  }
0x3b: {  	_ = 	snop  }
0x3c: {  	p2 =	seq.s32 s10, $0x1;
	s10 =	sld [smem:$0x3FB3]  }
0x3d: {  	_ =	shalt  }
0x3e: {  	_ =	shalt  }
0x3f: {  	_ =	shalt  }
0x40: {  	_ =	shalt  }
0x41: {  	_ =	shalt  }
0x42: {  	_ =	shalt  }
0x43: {  	_ =	shalt  }
0x44: {  	_ =	shalt  }
0x45: {  	_ =	shalt  }
0x46: {  	_ =	shalt  }
0x47: {  	_ =	shalt  }
0x48: {  	_ =	shalt  }
0x49: {  	_ =	shalt  }
0x4a: {  	_ =	shalt  }
0x4b: {  	_ =	shalt  }
0x4c: {  	_ =	shalt  }
0x4d: {  	_ =	shalt  }
0x4e: {  	_ =	shalt  }
0x4f: {  	_ =	shalt  }
0x50: {  	_ =	shalt  }
0x51: {  	_ =	shalt  }
0x52: {  	_ =	shalt  }
0x53: {  	_ =	shalt  }
0x54: {  	_ =	shalt  }
0x55: {  	_ =	shalt  }
0x56: {  	_ =	shalt  }
0x57: {  	_ =	shalt  }
0x58: {  	_ =	shalt  }
0x59: {  	_ =	shalt  }
0x5a: {  	_ =	shalt  }
0x5b: {  	_ =	shalt  }
0x5c: {  	_ =	shalt  }
0x5d: {  	_ =	shalt  }
0x5e: {  	_ =	shalt  }
0x5f: {  	_ =	shalt  }
0x60: {  	_ =	shalt  }
0x61: {  	_ =	shalt  }
0x62: {  	_ =	shalt  }
0x63: {  	_ =	shalt  }
0x64: {  	_ =	shalt  }
0x65: {  	_ =	shalt  }
0x66: {  	_ =	shalt  }
0x67: {  	_ =	shalt  }
0x68: {  	_ =	shalt  }
0x69: {  	_ =	shalt  }
0x6a: {  	_ =	shalt  }
0x6b: {  	_ =	shalt  }
0x6c: {  	_ =	shalt  }
0x6d: {  	_ =	shalt  }
0x6e: {  	_ =	shalt  }
0x6f: {  	_ =	shalt  }
0x70: {  	_ =	shalt  }
0x71: {  	_ =	shalt  }
0x72: {  	_ =	shalt  }
0x73: {  	_ =	shalt  }
0x74: {  	_ =	shalt  }
0x75: {  	_ =	shalt  }
0x76: {  	_ =	shalt  }
0x77: {  	_ =	shalt  }
0x78: {  	_ =	shalt  }
0x79: {  	_ =	shalt  }
0x7a: {  	_ =	shalt  }
0x7b: {  	_ =	shalt  }
0x7c: {  	_ =	shalt  }
0x7d: {  	_ =	shalt  }
0x7e: {  	_ =	shalt  }
0x7f: {  	_ =	shalt  }
0x80: {  	_ =	shalt  }
0x81: {  	_ =	shalt  }
0x82: {  	_ =	shalt  }
0x83: {  	_ =	shalt  }
0x84: {  	_ =	shalt  }
0x85: {  	_ =	shalt  }
0x86: {  	_ =	shalt  }
0x87: {  	_ =	shalt  }
.Lfunc_end0:
.L_simem_size_0:
called_computation.4_lowered:
.L_overlay_start_0:
0x88: {  	s2 =	sld [smem:$0x3FD9]  }
0x89: {  	s3 =	sld [smem:$0x3FFE];
	_ =	sdelay $0x1  }
0x8a: {  	s1 =	srdreg.scid  }
0x8b: {  	s0 =	sand.u32 $0x1, s1  }
0x8c: {  	s14 =	sshll.u32 s0, $0xA;
	s2 =	sadd.s32 s3, s2  }
0x8d: {  	s2 =	sadd.s32 s2, s14  }
0x8e: {  	[smem:$0x3FBF] =	sst s2  }
0x8f: {  	_ = 	snop  }
0x90: {  	s2 =	sld [smem:$0x3FD0];
	_ =	sdelay $0x2  }
0x91: {  	s4 =	simm.s32 $0xB;
	s5 =	simm.s32 $0x10;
	s15 =	sld [smem:$0x3FC7]  }
0x92: {  	[smem:s5], [sflag:s4] =	dma.local [hbm:s2], $0x1  }
0x93: {  	_ =	swait.eq [sflag:s4], $0x1  }
0x94: {  	[sflag:s4] =	ssyncset.done $0x0  }
0x95: {  	[sflag:s4] =	ssyncadd.s32 $0xFFFFFFFF  }
0x96: {  	s16 =	sld [smem:$0x10];
	(tm) =	ssettm $0x1  }
0x97: {  	s17 =	sld [smem:$0x3FFB];
	_ =	sdelay $0x3  }
0x98: {  	_ =	strace s17  }
0x99: {  	s4 =	sld [smem:$0x3FFC];
	_ =	sdelay $0x3  }
0x9a: {  	_ =	strace s4  }
0x9b: {  	s4 =	sld [smem:$0x3FFD];
	_ =	sdelay $0x3  }
0x9c: {  	_ =	strace s4  }
0x9d: {  	_ =	strace $0x8FFFFFFF  }
0x9e: {  	s18 =	sld [smem:$0x3FDB];
	_ =	sdelay $0x1  }
0x9f: {  	s19 =	simm.s32 $_scs_section_size  }
0xa0: {  	s6 =	simm.s32 $_size__tile_overlayer_lowered;
	s7 =	simm.s32 $_tile_overlayer_lowered  }
0xa1: {  	s22 =	simm.s32 $0x1BFF;
	s21 =	sshll.u32 s7, $0x1;
	s4 =	sadd.s32 s19, s18  }
0xa2: {  	s8 =	simm.s32 $0x0;
	s20 =	sshll.u32 s6, $0x1;
	s6 =	sadd.s32 s21, s4  }
0xa3: {  	[timem:s8], [sflag:s22] =	dma.local [hbm:s6], s20  }
0xa4: {  	_ =	swait.ge [sflag:s22], s20  }
0xa5: {  	s5 =	ssub.s32 $0x0, s20;
	[sflag:s22] =	ssyncset.done $0x0  }
0xa6: {  	[sflag:s22] =	ssyncadd.s32 s5;
	_ =	sdelay $0x1  }
0xa7: {  	s23 =	simm.s32 $0x1B8B  }
0xa8: {  	_ =	swait.ge [sflag:s23], $0x1  }
0xa9: {  	[sflag:s23] =	ssyncset.done $0x0  }
0xaa: {  	s25 =	simm.s32 $0x1B8E;
	s24 =	sld [smem:$0x3FFE];
	[sflag:s23] =	ssyncadd.s32 $0xFFFFFFFF  }
0xab: {  	s26 =	simm.s32 $execute0_lowered;
	[smem:$0x3FD2] =	sst s25  }
0xac: {  	s6 =	sshll.u32 s26, $0x1;
	_ =	strace $0x8000004F;
	[dreg:$0x1] =	wrdreg $0xFFFFFFFF  }
0xad: {  	s28 =	simm.s32 $_size_execute0_lowered;
	s4 =	sadd.s32 s4, s6;
	[dreg:$0x0] =	wrdreg $0x0  }
0xae: {  	s6 =	sshll.u32 s28, $0x1;
	[dreg:$0x2] =	wrdreg s4  }
0xaf: {  	[dreg:$0x3] =	wrdreg s6  }
0xb0: {  	[dreg:$0x4] =	wrdreg $0xC0  }
0xb1: {  	_ =	task [dreg:s8], $0x5FFFF  }
0xb2: {  	[dreg:$0x1] =	wrdreg $0xFFFFFFFF  }
0xb3: {  	[dreg:$0x0] =	wrdreg $0x60  }
0xb4: {  	[dreg:$0x2] =	wrdreg s24  }
0xb5: {  	[dreg:$0x3] =	wrdreg s15  }
0xb6: {  	[dreg:$0x4] =	wrdreg s16  }
0xb7: {  	[dreg:$0x5] =	wrdreg $0xA  }
0xb8: {  	_ =	task.clear_ibuf [dreg:s8], $0x6FFFF;
	_ =	strace $0x9000004F  }
0xb9: {  	s29 =	simm.s32 $0xA;
	_ =	strace $0x80000051  }
0xba: {  	_ =	swait.ge [sflag:s29], $0x1  }
0xbb: {  	[sflag:s29] =	ssyncadd.s32 $0xFFFFFFFF  }
0xbc: {  	_ =	strace $0x90000051  }
0xbd: {  	_ =	sfence  }
0xbe: {  	s30 =	sld [smem:$0x0];
	_ =	sdelay $0x2  }
0xbf: {  	s31 =	sshll.u32 s1, $0xD;
	s1 =	sshrl.u32 s1, $0x2  }
0xc0: {  	s3 =	sand.u32 $0x4000, s31;
	s1 =	sadd.s32 s1, s30  }
0xc1: {  	s0 =	sor.u32 s3, s0;
	s1 =	sshll.u32 s1, $0x11  }
0xc2: {  	s0 =	sor.u32 s1, s0  }
0xc3: {  	s0 =	sadd.s32 $0x8F2B, s0  }
0xc4: {  	[sflag:s0] =	ssyncadd.remote.s32 $0x1  }
0xc5: {  	_ =	sfence.sel $0xFFFF  }
0xc6: {  	[dreg:$0x0] =	wrdreg $0xFFFFFFFF;
	(pc) =	sbr.abs _section_cstart, $3  }
0xc7: {  	[dreg:$0x1] =	wrdreg $0xFFFFFFFF  }
0xc8: {  	_ =	task.clear_ibuf [dreg:s8], $0x2FFFF;
	_ =	strace $0x9FFFFFFF  }
0xc9: {  	(tm) =	ssettm $0x7FFFFFFF  }
tec
execute0_lowered:
.L_overlay_start_1:
0x0: {  	(tag) =	ssettag $0x1  }
0x1: {  	s0 =	rddreg [dreg:$0x0]  }
0x2: {  	s1 =	srdreg.scid;
	s6 =	rddreg [dreg:$0x1]  }
0x3: {  	s3 =	stileid.u32;
	s2 =	rddreg [dreg:$0x2];
	s25 =	simm.s32 $0x100  }
0x4: {  	s26 =	simm.s32 $0x80;
	s28 =	simm.s32 $0x180;
	s29 =	simm.s32 $0xA00  }
0x5: {  	s30 =	simm.s32 $0x1200;
	s31 =	simm.s32 $0x1A00;
	s9 =	simm.s32 $0x3A00  }
0x6: {  	s10 =	simm.s32 $0x4200;
	s11 =	simm.s32 $0x4A00;
	s12 =	simm.s32 $0x5200  }
0x7: {  	s13 =	simm.s32 $0x5A00;
	s5 =	sshll.u32 s3, $0x9;
	s3 =	simm.s32 $0x0  }
0x8: {  	s14 =	simm.s32 $0x6200;
	s1 =	sand.u32 $0x1, s1;
	[smem:$0x7FF] =	sst s3  }
0x9: {  	s4 =	sshll.u32 s1, $0xD;
	_ =	strace $0x80000050;
	[dreg:$0x6] =	wrdreg s25  }
0xa: {  	s1 =	ssub.s32 $0x2, s1;
	s4 =	sor.u32 s5, s4;
	[dreg:$0x7] =	wrdreg s26  }
0xb: {  	s8 =	sshrl.u32 s1, $0x1;
	s5 =	sadd.s32 $0x283100, s0;
	[dreg:$0x8] =	wrdreg s28  }
0xc: {  	s26 =	simm.s32 $0x1;
	s25 =	simm.s32 $0x6A00;
	s7 =	sshrl.u32 s4, $0x3  }
0xd: {  	s4 =	sadd.s32 $0x283000, s0;
	s1 =	ssub.s32 s1, s8;
	s24 =	sadd.s32 s7, s6  }
0xe: {  	v2 =	vlaneseq.u32;
	s22 =	sadd.s32 s7, s0;
	s1 =	smax.u32 s1, $0x1;
	[dreg:$0x5] =	wrdreg s24  }
0xf: {  	vm0 =	vmmov $0xffff;
	v1 =	vshrl.u32 v2, $0x3;
	s6 =	sadd.s32 $0x100, s2;
	s23 =	sadd.s32 $0x102000, s22;
	[dreg:$0x9] =	wrdreg s1  }
0x10: {  	v0 =	vand.u32 $0x7, v2;
	v2 =	vor.u32 $0x8, v2;
	v1 =	vmul.u32 $0x8, v1;
	s7 =	simm.s32 $0x3;
	s0 =	simm.s32 $0x0;
	[dreg:$0x4] =	wrdreg s23  }
.LBB2_1:
0x11: {  	[dreg:$0xa] =	wrdreg s0;
	s18 =	simm.s32 $0x0  }
.LBB2_2:
0x12: {  	s19 =	rddreg [dreg:$0x4]  }
0x13: {  	s19 =	sadd.s32 s18, s19  }
0x14: {  	[tilespmem:s3], [sflag:$0x3] =	stream.linear.gather [hbm4b:s19+s3], $0x40, $0x38;
	[tilespmem:$0x10200] =	vst v63  }
0x15: {  	_ =	swait.ge [sflag:s7], $0x40  }
0x16: {  	s20 =	rddreg [dreg:$0x5];
	[sflag:s7] =	ssyncset.done $0x0  }
0x17: {  	s21 =	rddreg [dreg:$0x6];
	[sflag:s7] =	ssyncadd.s32 $0xFFFFFFC0;
	s20 =	sadd.s32 s18, s20  }
0x18: {  	[tilespmem:s21], [sflag:$0x3] =	stream.linear.gather [hbm4b:s20+s3], $0x40, $0x38;
	[tilespmem:$0x10200] =	vst v63  }
0x19: {  	_ =	swait.ge [sflag:s7], $0x40  }
0x1a: {  	[sflag:s7] =	ssyncset.done $0x0  }
0x1b: {  	[sflag:s7] =	ssyncadd.s32 $0xFFFFFFC0  }
0x1c: {  	v3 =	vld [tilespmem:$0x0];
	_ =	sdelay $0x4  }
0x1d: {  	v4 =	vshll.u32 v3, $0x2  }
0x1e: {  	v3 =	vand.u32 $0x7, v3;
	v4 =	vand.u32 $0xFFFFFFE0, v4  }
0x1f: {  	v3 =	vor.u32 v3, v4  }
0x20: {  	v4 =	vperm.xlane v3, v0;
	_ =	sdelay $0x1  }
0x21: {  	v4 =	vadd.s32 v1, v4;
	_ =	sdelay $0x1  }
0x22: {  	v3 =	vperm.xlane v3, v2;
	_ =	sdelay $0x1  }
0x23: {  	s21 =	simm.s32 $0x200;
	v3 =	vadd.s32 v1, v3  }
0x24: {  	[tilespmem:s21], [sflag:$0x1] =	stream.indirect_vreg.gather [hbm4b:s4+s3], $0x80, v4, vm0, $0xb8;
	[tilespmem:$0x10200] =	vst v63  }
0x25: {  	_ = 	snop  }
0x26: {  	[tilespmem:s29], [sflag:$0x1] =	stream.indirect_vreg.gather [hbm4b:s5+s3], $0x80, v4, vm0, $0xb8;
	[tilespmem:$0x10200] =	vst v63  }
0x27: {  	_ = 	snop  }
0x28: {  	[tilespmem:s30], [sflag:$0x1] =	stream.indirect_vreg.gather [hbm4b:s4+s3], $0x80, v3, vm0, $0xb8;
	[tilespmem:$0x10200] =	vst v63  }
0x29: {  	_ = 	snop  }
0x2a: {  	[tilespmem:s31], [sflag:$0x1] =	stream.indirect_vreg.gather [hbm4b:s5+s3], $0x80, v3, vm0, $0xb8;
	[tilespmem:$0x10200] =	vst v63  }
0x2b: {  	v3 =	vld [tilespmem:$0x10];
	_ =	sdelay $0x4  }
0x2c: {  	v49 =	vshll.u32 v3, $0x2  }
0x2d: {  	v3 =	vand.u32 $0x7, v3;
	v4 =	vand.u32 $0xFFFFFFE0, v49  }
0x2e: {  	v3 =	vor.u32 v3, v4  }
0x2f: {  	v4 =	vperm.xlane v3, v0;
	_ =	sdelay $0x1  }
0x30: {  	v4 =	vadd.s32 v1, v4;
	_ =	sdelay $0x1  }
0x31: {  	v3 =	vperm.xlane v3, v2;
	_ =	sdelay $0x1  }
0x32: {  	s1 =	simm.s32 $0x2200;
	v3 =	vadd.s32 v1, v3  }
0x33: {  	[tilespmem:s1], [sflag:$0x1] =	stream.indirect_vreg.gather [hbm4b:s4+s3], $0x80, v4, vm0, $0xb8;
	[tilespmem:$0x10200] =	vst v63  }
0x34: {  	s0 =	simm.s32 $0x2A00  }
0x35: {  	[tilespmem:s0], [sflag:$0x1] =	stream.indirect_vreg.gather [hbm4b:s5+s3], $0x80, v4, vm0, $0xb8;
	[tilespmem:$0x10200] =	vst v63  }
0x36: {  	s7 =	simm.s32 $0x3200  }
0x37: {  	[tilespmem:s7], [sflag:$0x1] =	stream.indirect_vreg.gather [hbm4b:s4+s3], $0x80, v3, vm0, $0xb8;
	[tilespmem:$0x10200] =	vst v63  }
0x38: {  	_ = 	snop  }
0x39: {  	[tilespmem:s9], [sflag:$0x1] =	stream.indirect_vreg.gather [hbm4b:s5+s3], $0x80, v3, vm0, $0xb8;
	[tilespmem:$0x10200] =	vst v63  }
0x3a: {  	v3 =	vld [tilespmem:$0x20];
	_ =	sdelay $0x4  }
0x3b: {  	v50 =	vshll.u32 v3, $0x2  }
0x3c: {  	v3 =	vand.u32 $0x7, v3;
	v4 =	vand.u32 $0xFFFFFFE0, v50  }
0x3d: {  	v3 =	vor.u32 v3, v4  }
0x3e: {  	v4 =	vperm.xlane v3, v0;
	_ =	sdelay $0x1  }
0x3f: {  	v4 =	vadd.s32 v1, v4;
	_ =	sdelay $0x1  }
0x40: {  	v3 =	vperm.xlane v3, v2;
	_ =	sdelay $0x1  }
0x41: {  	v3 =	vadd.s32 v1, v3  }
0x42: {  	[tilespmem:s10], [sflag:$0x1] =	stream.indirect_vreg.gather [hbm4b:s4+s3], $0x80, v4, vm0, $0xb8;
	[tilespmem:$0x10200] =	vst v63  }
0x43: {  	_ = 	snop  }
0x44: {  	[tilespmem:s11], [sflag:$0x1] =	stream.indirect_vreg.gather [hbm4b:s5+s3], $0x80, v4, vm0, $0xb8;
	[tilespmem:$0x10200] =	vst v63  }
0x45: {  	_ = 	snop  }
0x46: {  	[tilespmem:s12], [sflag:$0x1] =	stream.indirect_vreg.gather [hbm4b:s4+s3], $0x80, v3, vm0, $0xb8;
	[tilespmem:$0x10200] =	vst v63  }
0x47: {  	_ = 	snop  }
0x48: {  	[tilespmem:s13], [sflag:$0x1] =	stream.indirect_vreg.gather [hbm4b:s5+s3], $0x80, v3, vm0, $0xb8;
	[tilespmem:$0x10200] =	vst v63  }
0x49: {  	v3 =	vld [tilespmem:$0x30];
	_ =	sdelay $0x4  }
0x4a: {  	v51 =	vshll.u32 v3, $0x2  }
0x4b: {  	v3 =	vand.u32 $0x7, v3;
	v4 =	vand.u32 $0xFFFFFFE0, v51  }
0x4c: {  	v3 =	vor.u32 v3, v4  }
0x4d: {  	v4 =	vperm.xlane v3, v0;
	_ =	sdelay $0x1  }
0x4e: {  	v4 =	vadd.s32 v1, v4;
	_ =	sdelay $0x1  }
0x4f: {  	v3 =	vperm.xlane v3, v2;
	_ =	sdelay $0x1  }
0x50: {  	v3 =	vadd.s32 v1, v3  }
0x51: {  	[tilespmem:s14], [sflag:$0x1] =	stream.indirect_vreg.gather [hbm4b:s4+s3], $0x80, v4, vm0, $0xb8;
	[tilespmem:$0x10200] =	vst v63  }
0x52: {  	_ = 	snop  }
0x53: {  	[tilespmem:s25], [sflag:$0x1] =	stream.indirect_vreg.gather [hbm4b:s5+s3], $0x80, v4, vm0, $0xb8;
	[tilespmem:$0x10200] =	vst v63  }
0x54: {  	s8 =	simm.s32 $0x7200  }
0x55: {  	[tilespmem:s8], [sflag:$0x1] =	stream.indirect_vreg.gather [hbm4b:s4+s3], $0x80, v3, vm0, $0xb8;
	[tilespmem:$0x10200] =	vst v63  }
0x56: {  	s15 =	simm.s32 $0x7A00  }
0x57: {  	[tilespmem:s15], [sflag:$0x1] =	stream.indirect_vreg.gather [hbm4b:s5+s3], $0x80, v3, vm0, $0xb8;
	[tilespmem:$0x10200] =	vst v63  }
0x58: {  	_ =	swait.ge [sflag:s26], $0x8000  }
0x59: {  	[sflag:s26] =	ssyncset.done $0x0  }
0x5a: {  	[sflag:s26] =	ssyncadd.s32 $0xFFFF8000  }
0x5b: {  	v3 =	vld [tilespmem:$0x100];
	_ =	sdelay $0x4  }
0x5c: {  	v52 =	vshll.u32 v3, $0x2  }
0x5d: {  	v3 =	vand.u32 $0x7, v3;
	v4 =	vand.u32 $0xFFFFFFE0, v52  }
0x5e: {  	v3 =	vor.u32 v3, v4  }
0x5f: {  	v4 =	vperm.xlane v3, v0;
	_ =	sdelay $0x1  }
0x60: {  	v4 =	vadd.s32 v1, v4;
	_ =	sdelay $0x1  }
0x61: {  	v3 =	vperm.xlane v3, v2;
	_ =	sdelay $0x1  }
0x62: {  	v3 =	vadd.s32 v1, v3  }
0x63: {  	[hbm4b:s2+s3] =	stream.indirect_vreg.scatter [tilespmem:s21], [sflag:$0x2], $0x80, v4, vm0, $0xb8;
	[tilespmem:$0x10200] =	vst v63  }
0x64: {  	_ = 	snop  }
0x65: {  	[hbm4b:s6+s3] =	stream.indirect_vreg.scatter [tilespmem:s29], [sflag:$0x2], $0x80, v4, vm0, $0xb8;
	[tilespmem:$0x10200] =	vst v63  }
0x66: {  	_ = 	snop  }
0x67: {  	[hbm4b:s2+s3] =	stream.indirect_vreg.scatter [tilespmem:s30], [sflag:$0x2], $0x80, v3, vm0, $0xb8;
	[tilespmem:$0x10200] =	vst v63  }
0x68: {  	_ = 	snop  }
0x69: {  	[hbm4b:s6+s3] =	stream.indirect_vreg.scatter [tilespmem:s31], [sflag:$0x2], $0x80, v3, vm0, $0xb8;
	[tilespmem:$0x10200] =	vst v63  }
0x6a: {  	v3 =	vld [tilespmem:$0x110];
	_ =	sdelay $0x4  }
0x6b: {  	v53 =	vshll.u32 v3, $0x2  }
0x6c: {  	v3 =	vand.u32 $0x7, v3;
	v4 =	vand.u32 $0xFFFFFFE0, v53  }
0x6d: {  	v3 =	vor.u32 v3, v4  }
0x6e: {  	v4 =	vperm.xlane v3, v0;
	_ =	sdelay $0x1  }
0x6f: {  	v4 =	vadd.s32 v1, v4;
	_ =	sdelay $0x1  }
0x70: {  	v3 =	vperm.xlane v3, v2;
	_ =	sdelay $0x1  }
0x71: {  	v3 =	vadd.s32 v1, v3  }
0x72: {  	[hbm4b:s2+s3] =	stream.indirect_vreg.scatter [tilespmem:s1], [sflag:$0x2], $0x80, v4, vm0, $0xb8;
	[tilespmem:$0x10200] =	vst v63  }
0x73: {  	_ = 	snop  }
0x74: {  	[hbm4b:s6+s3] =	stream.indirect_vreg.scatter [tilespmem:s0], [sflag:$0x2], $0x80, v4, vm0, $0xb8;
	[tilespmem:$0x10200] =	vst v63  }
0x75: {  	_ = 	snop  }
0x76: {  	[hbm4b:s2+s3] =	stream.indirect_vreg.scatter [tilespmem:s7], [sflag:$0x2], $0x80, v3, vm0, $0xb8;
	[tilespmem:$0x10200] =	vst v63  }
0x77: {  	_ = 	snop  }
0x78: {  	[hbm4b:s6+s3] =	stream.indirect_vreg.scatter [tilespmem:s9], [sflag:$0x2], $0x80, v3, vm0, $0xb8;
	[tilespmem:$0x10200] =	vst v63  }
0x79: {  	v3 =	vld [tilespmem:$0x120];
	_ =	sdelay $0x4  }
0x7a: {  	v54 =	vshll.u32 v3, $0x2  }
0x7b: {  	v3 =	vand.u32 $0x7, v3;
	v4 =	vand.u32 $0xFFFFFFE0, v54  }
0x7c: {  	v3 =	vor.u32 v3, v4  }
0x7d: {  	v4 =	vperm.xlane v3, v0;
	_ =	sdelay $0x1  }
0x7e: {  	v4 =	vadd.s32 v1, v4;
	_ =	sdelay $0x1  }
0x7f: {  	v3 =	vperm.xlane v3, v2;
	_ =	sdelay $0x1  }
0x80: {  	v3 =	vadd.s32 v1, v3  }
0x81: {  	[hbm4b:s2+s3] =	stream.indirect_vreg.scatter [tilespmem:s10], [sflag:$0x2], $0x80, v4, vm0, $0xb8;
	[tilespmem:$0x10200] =	vst v63  }
0x82: {  	_ = 	snop  }
0x83: {  	[hbm4b:s6+s3] =	stream.indirect_vreg.scatter [tilespmem:s11], [sflag:$0x2], $0x80, v4, vm0, $0xb8;
	[tilespmem:$0x10200] =	vst v63  }
0x84: {  	_ = 	snop  }
0x85: {  	[hbm4b:s2+s3] =	stream.indirect_vreg.scatter [tilespmem:s12], [sflag:$0x2], $0x80, v3, vm0, $0xb8;
	[tilespmem:$0x10200] =	vst v63  }
0x86: {  	_ = 	snop  }
0x87: {  	[hbm4b:s6+s3] =	stream.indirect_vreg.scatter [tilespmem:s13], [sflag:$0x2], $0x80, v3, vm0, $0xb8;
	[tilespmem:$0x10200] =	vst v63  }
0x88: {  	v3 =	vld [tilespmem:$0x130];
	_ =	sdelay $0x4  }
0x89: {  	v55 =	vshll.u32 v3, $0x2  }
0x8a: {  	v3 =	vand.u32 $0x7, v3;
	v4 =	vand.u32 $0xFFFFFFE0, v55  }
0x8b: {  	v3 =	vor.u32 v3, v4  }
0x8c: {  	v4 =	vperm.xlane v3, v0;
	_ =	sdelay $0x1  }
0x8d: {  	v4 =	vadd.s32 v1, v4;
	_ =	sdelay $0x1  }
0x8e: {  	v3 =	vperm.xlane v3, v2;
	_ =	sdelay $0x1  }
0x8f: {  	v3 =	vadd.s32 v1, v3  }
0x90: {  	[hbm4b:s2+s3] =	stream.indirect_vreg.scatter [tilespmem:s14], [sflag:$0x2], $0x80, v4, vm0, $0xb8;
	[tilespmem:$0x10200] =	vst v63  }
0x91: {  	_ = 	snop  }
0x92: {  	[hbm4b:s6+s3] =	stream.indirect_vreg.scatter [tilespmem:s25], [sflag:$0x2], $0x80, v4, vm0, $0xb8;
	[tilespmem:$0x10200] =	vst v63  }
0x93: {  	_ = 	snop  }
0x94: {  	[hbm4b:s2+s3] =	stream.indirect_vreg.scatter [tilespmem:s8], [sflag:$0x2], $0x80, v3, vm0, $0xb8;
	[tilespmem:$0x10200] =	vst v63  }
0x95: {  	s0 =	simm.s32 $0x2  }
0x96: {  	[hbm4b:s6+s3] =	stream.indirect_vreg.scatter [tilespmem:s15], [sflag:$0x2], $0x80, v3, vm0, $0xb8;
	[tilespmem:$0x10200] =	vst v63  }
0x97: {  	_ =	swait.ge [sflag:s0], $0x8000  }
0x98: {  	s19 =	sadd.s32 $0x8, s19;
	[sflag:s0] =	ssyncset.done $0x0  }
0x99: {  	s7 =	simm.s32 $0x3;
	s15 =	rddreg [dreg:$0x7];
	[sflag:s0] =	ssyncadd.s32 $0xFFFF8000  }
0x9a: {  	[tilespmem:s15], [sflag:$0x3] =	stream.linear.gather [hbm4b:s19+s3], $0x40, $0x38;
	[tilespmem:$0x10200] =	vst v63  }
0x9b: {  	_ =	swait.ge [sflag:s7], $0x40  }
0x9c: {  	[sflag:s7] =	ssyncset.done $0x0  }
0x9d: {  	s20 =	sadd.s32 $0x8, s20;
	s8 =	rddreg [dreg:$0x8];
	[sflag:s7] =	ssyncadd.s32 $0xFFFFFFC0  }
0x9e: {  	[tilespmem:s8], [sflag:$0x3] =	stream.linear.gather [hbm4b:s20+s3], $0x40, $0x38;
	[tilespmem:$0x10200] =	vst v63  }
0x9f: {  	_ =	swait.ge [sflag:s7], $0x40  }
0xa0: {  	[sflag:s7] =	ssyncset.done $0x0  }
0xa1: {  	[sflag:s7] =	ssyncadd.s32 $0xFFFFFFC0  }
0xa2: {  	v3 =	vld [tilespmem:$0x80];
	_ =	sdelay $0x4  }
0xa3: {  	v56 =	vshll.u32 v3, $0x2  }
0xa4: {  	v3 =	vand.u32 $0x7, v3;
	v4 =	vand.u32 $0xFFFFFFE0, v56  }
0xa5: {  	v3 =	vor.u32 v3, v4  }
0xa6: {  	v4 =	vperm.xlane v3, v0;
	_ =	sdelay $0x1  }
0xa7: {  	v4 =	vadd.s32 v1, v4;
	_ =	sdelay $0x1  }
0xa8: {  	v3 =	vperm.xlane v3, v2;
	_ =	sdelay $0x1  }
0xa9: {  	s15 =	simm.s32 $0x8200;
	v3 =	vadd.s32 v1, v3  }
0xaa: {  	[tilespmem:s15], [sflag:$0x1] =	stream.indirect_vreg.gather [hbm4b:s4+s3], $0x80, v4, vm0, $0xb8;
	[tilespmem:$0x10200] =	vst v63  }
0xab: {  	s20 =	simm.s32 $0x8A00  }
0xac: {  	[tilespmem:s20], [sflag:$0x1] =	stream.indirect_vreg.gather [hbm4b:s5+s3], $0x80, v4, vm0, $0xb8;
	[tilespmem:$0x10200] =	vst v63  }
0xad: {  	s21 =	simm.s32 $0x9200  }
0xae: {  	[tilespmem:s21], [sflag:$0x1] =	stream.indirect_vreg.gather [hbm4b:s4+s3], $0x80, v3, vm0, $0xb8;
	[tilespmem:$0x10200] =	vst v63  }
0xaf: {  	s16 =	simm.s32 $0x9A00  }
0xb0: {  	[tilespmem:s16], [sflag:$0x1] =	stream.indirect_vreg.gather [hbm4b:s5+s3], $0x80, v3, vm0, $0xb8;
	[tilespmem:$0x10200] =	vst v63  }
0xb1: {  	v3 =	vld [tilespmem:$0x90];
	_ =	sdelay $0x4  }
0xb2: {  	v57 =	vshll.u32 v3, $0x2  }
0xb3: {  	v3 =	vand.u32 $0x7, v3;
	v4 =	vand.u32 $0xFFFFFFE0, v57  }
0xb4: {  	v3 =	vor.u32 v3, v4  }
0xb5: {  	v4 =	vperm.xlane v3, v0;
	_ =	sdelay $0x1  }
0xb6: {  	v4 =	vadd.s32 v1, v4;
	_ =	sdelay $0x1  }
0xb7: {  	v3 =	vperm.xlane v3, v2;
	_ =	sdelay $0x1  }
0xb8: {  	s17 =	simm.s32 $0xA200;
	v3 =	vadd.s32 v1, v3  }
0xb9: {  	[tilespmem:s17], [sflag:$0x1] =	stream.indirect_vreg.gather [hbm4b:s4+s3], $0x80, v4, vm0, $0xb8;
	[tilespmem:$0x10200] =	vst v63  }
0xba: {  	s16 =	simm.s32 $0xAA00  }
0xbb: {  	[tilespmem:s16], [sflag:$0x1] =	stream.indirect_vreg.gather [hbm4b:s5+s3], $0x80, v4, vm0, $0xb8;
	[tilespmem:$0x10200] =	vst v63  }
0xbc: {  	s22 =	simm.s32 $0xB200  }
0xbd: {  	[tilespmem:s22], [sflag:$0x1] =	stream.indirect_vreg.gather [hbm4b:s4+s3], $0x80, v3, vm0, $0xb8;
	[tilespmem:$0x10200] =	vst v63  }
0xbe: {  	s17 =	simm.s32 $0xBA00  }
0xbf: {  	[tilespmem:s17], [sflag:$0x1] =	stream.indirect_vreg.gather [hbm4b:s5+s3], $0x80, v3, vm0, $0xb8;
	[tilespmem:$0x10200] =	vst v63  }
0xc0: {  	v3 =	vld [tilespmem:$0xA0];
	_ =	sdelay $0x4  }
0xc1: {  	v58 =	vshll.u32 v3, $0x2  }
0xc2: {  	v3 =	vand.u32 $0x7, v3;
	v4 =	vand.u32 $0xFFFFFFE0, v58  }
0xc3: {  	v3 =	vor.u32 v3, v4  }
0xc4: {  	v4 =	vperm.xlane v3, v0;
	_ =	sdelay $0x1  }
0xc5: {  	v4 =	vadd.s32 v1, v4;
	_ =	sdelay $0x1  }
0xc6: {  	v3 =	vperm.xlane v3, v2;
	_ =	sdelay $0x1  }
0xc7: {  	s23 =	simm.s32 $0xC200;
	v3 =	vadd.s32 v1, v3  }
0xc8: {  	[tilespmem:s23], [sflag:$0x1] =	stream.indirect_vreg.gather [hbm4b:s4+s3], $0x80, v4, vm0, $0xb8;
	[tilespmem:$0x10200] =	vst v63  }
0xc9: {  	s22 =	simm.s32 $0xCA00  }
0xca: {  	[tilespmem:s22], [sflag:$0x1] =	stream.indirect_vreg.gather [hbm4b:s5+s3], $0x80, v4, vm0, $0xb8;
	[tilespmem:$0x10200] =	vst v63  }
0xcb: {  	s24 =	simm.s32 $0xD200  }
0xcc: {  	[tilespmem:s24], [sflag:$0x1] =	stream.indirect_vreg.gather [hbm4b:s4+s3], $0x80, v3, vm0, $0xb8;
	[tilespmem:$0x10200] =	vst v63  }
0xcd: {  	s23 =	simm.s32 $0xDA00  }
0xce: {  	[tilespmem:s23], [sflag:$0x1] =	stream.indirect_vreg.gather [hbm4b:s5+s3], $0x80, v3, vm0, $0xb8;
	[tilespmem:$0x10200] =	vst v63  }
0xcf: {  	v3 =	vld [tilespmem:$0xB0];
	_ =	sdelay $0x4  }
0xd0: {  	v59 =	vshll.u32 v3, $0x2  }
0xd1: {  	v3 =	vand.u32 $0x7, v3;
	v4 =	vand.u32 $0xFFFFFFE0, v59  }
0xd2: {  	v3 =	vor.u32 v3, v4  }
0xd3: {  	v4 =	vperm.xlane v3, v0;
	_ =	sdelay $0x1  }
0xd4: {  	v4 =	vadd.s32 v1, v4;
	_ =	sdelay $0x1  }
0xd5: {  	v3 =	vperm.xlane v3, v2;
	_ =	sdelay $0x1  }
0xd6: {  	s28 =	simm.s32 $0xE200;
	v3 =	vadd.s32 v1, v3  }
0xd7: {  	[tilespmem:s28], [sflag:$0x1] =	stream.indirect_vreg.gather [hbm4b:s4+s3], $0x80, v4, vm0, $0xb8;
	[tilespmem:$0x10200] =	vst v63  }
0xd8: {  	s24 =	simm.s32 $0xEA00  }
0xd9: {  	[tilespmem:s24], [sflag:$0x1] =	stream.indirect_vreg.gather [hbm4b:s5+s3], $0x80, v4, vm0, $0xb8;
	[tilespmem:$0x10200] =	vst v63  }
0xda: {  	s28 =	simm.s32 $0xF200  }
0xdb: {  	[tilespmem:s28], [sflag:$0x1] =	stream.indirect_vreg.gather [hbm4b:s4+s3], $0x80, v3, vm0, $0xb8;
	[tilespmem:$0x10200] =	vst v63  }
0xdc: {  	s1 =	simm.s32 $0x1;
	s28 =	simm.s32 $0xFA00  }
0xdd: {  	[tilespmem:s28], [sflag:$0x1] =	stream.indirect_vreg.gather [hbm4b:s5+s3], $0x80, v3, vm0, $0xb8;
	[tilespmem:$0x10200] =	vst v63  }
0xde: {  	_ =	swait.ge [sflag:s1], $0x8000  }
0xdf: {  	[sflag:s1] =	ssyncset.done $0x0  }
0xe0: {  	[sflag:s1] =	ssyncadd.s32 $0xFFFF8000  }
0xe1: {  	v3 =	vld [tilespmem:$0x180];
	_ =	sdelay $0x4  }
0xe2: {  	v60 =	vshll.u32 v3, $0x2  }
0xe3: {  	v3 =	vand.u32 $0x7, v3;
	v4 =	vand.u32 $0xFFFFFFE0, v60  }
0xe4: {  	v3 =	vor.u32 v3, v4  }
0xe5: {  	v4 =	vperm.xlane v3, v0;
	_ =	sdelay $0x1  }
0xe6: {  	v4 =	vadd.s32 v1, v4;
	_ =	sdelay $0x1  }
0xe7: {  	v3 =	vperm.xlane v3, v2;
	_ =	sdelay $0x1  }
0xe8: {  	v3 =	vadd.s32 v1, v3  }
0xe9: {  	[hbm4b:s2+s3] =	stream.indirect_vreg.scatter [tilespmem:s15], [sflag:$0x2], $0x80, v4, vm0, $0xb8;
	[tilespmem:$0x10200] =	vst v63  }
0xea: {  	_ = 	snop  }
0xeb: {  	[hbm4b:s6+s3] =	stream.indirect_vreg.scatter [tilespmem:s20], [sflag:$0x2], $0x80, v4, vm0, $0xb8;
	[tilespmem:$0x10200] =	vst v63  }
0xec: {  	_ = 	snop  }
0xed: {  	[hbm4b:s2+s3] =	stream.indirect_vreg.scatter [tilespmem:s21], [sflag:$0x2], $0x80, v3, vm0, $0xb8;
	[tilespmem:$0x10200] =	vst v63  }
0xee: {  	s1 =	simm.s32 $0x9A00  }
0xef: {  	[hbm4b:s6+s3] =	stream.indirect_vreg.scatter [tilespmem:s1], [sflag:$0x2], $0x80, v3, vm0, $0xb8;
	[tilespmem:$0x10200] =	vst v63  }
0xf0: {  	v3 =	vld [tilespmem:$0x190];
	_ =	sdelay $0x4  }
0xf1: {  	v61 =	vshll.u32 v3, $0x2  }
0xf2: {  	v3 =	vand.u32 $0x7, v3;
	v4 =	vand.u32 $0xFFFFFFE0, v61  }
0xf3: {  	v3 =	vor.u32 v3, v4  }
0xf4: {  	v4 =	vperm.xlane v3, v0;
	_ =	sdelay $0x1  }
0xf5: {  	v4 =	vadd.s32 v1, v4;
	_ =	sdelay $0x1  }
0xf6: {  	v3 =	vperm.xlane v3, v2;
	_ =	sdelay $0x1  }
0xf7: {  	s8 =	simm.s32 $0xA200;
	v3 =	vadd.s32 v1, v3  }
0xf8: {  	[hbm4b:s2+s3] =	stream.indirect_vreg.scatter [tilespmem:s8], [sflag:$0x2], $0x80, v4, vm0, $0xb8;
	[tilespmem:$0x10200] =	vst v63  }
0xf9: {  	_ = 	snop  }
0xfa: {  	[hbm4b:s6+s3] =	stream.indirect_vreg.scatter [tilespmem:s16], [sflag:$0x2], $0x80, v4, vm0, $0xb8;
	[tilespmem:$0x10200] =	vst v63  }
0xfb: {  	s19 =	simm.s32 $0xB200  }
0xfc: {  	[hbm4b:s2+s3] =	stream.indirect_vreg.scatter [tilespmem:s19], [sflag:$0x2], $0x80, v3, vm0, $0xb8;
	[tilespmem:$0x10200] =	vst v63  }
0xfd: {  	_ = 	snop  }
0xfe: {  	[hbm4b:s6+s3] =	stream.indirect_vreg.scatter [tilespmem:s17], [sflag:$0x2], $0x80, v3, vm0, $0xb8;
	[tilespmem:$0x10200] =	vst v63  }
0xff: {  	v3 =	vld [tilespmem:$0x1A0];
	_ =	sdelay $0x4  }
0x100: {  	v62 =	vshll.u32 v3, $0x2  }
0x101: {  	v3 =	vand.u32 $0x7, v3;
	v4 =	vand.u32 $0xFFFFFFE0, v62  }
0x102: {  	v3 =	vor.u32 v3, v4  }
0x103: {  	v4 =	vperm.xlane v3, v0;
	_ =	sdelay $0x1  }
0x104: {  	v4 =	vadd.s32 v1, v4;
	_ =	sdelay $0x1  }
0x105: {  	v3 =	vperm.xlane v3, v2;
	_ =	sdelay $0x1  }
0x106: {  	s20 =	simm.s32 $0xC200;
	v3 =	vadd.s32 v1, v3  }
0x107: {  	[hbm4b:s2+s3] =	stream.indirect_vreg.scatter [tilespmem:s20], [sflag:$0x2], $0x80, v4, vm0, $0xb8;
	[tilespmem:$0x10200] =	vst v63  }
0x108: {  	_ = 	snop  }
0x109: {  	[hbm4b:s6+s3] =	stream.indirect_vreg.scatter [tilespmem:s22], [sflag:$0x2], $0x80, v4, vm0, $0xb8;
	[tilespmem:$0x10200] =	vst v63  }
0x10a: {  	s21 =	simm.s32 $0xD200  }
0x10b: {  	[hbm4b:s2+s3] =	stream.indirect_vreg.scatter [tilespmem:s21], [sflag:$0x2], $0x80, v3, vm0, $0xb8;
	[tilespmem:$0x10200] =	vst v63  }
0x10c: {  	_ = 	snop  }
0x10d: {  	[hbm4b:s6+s3] =	stream.indirect_vreg.scatter [tilespmem:s23], [sflag:$0x2], $0x80, v3, vm0, $0xb8;
	[tilespmem:$0x10200] =	vst v63  }
0x10e: {  	v3 =	vld [tilespmem:$0x1B0];
	_ =	sdelay $0x4  }
0x10f: {  	v63 =	vshll.u32 v3, $0x2  }
0x110: {  	v3 =	vand.u32 $0x7, v3;
	v4 =	vand.u32 $0xFFFFFFE0, v63  }
0x111: {  	v3 =	vor.u32 v3, v4  }
0x112: {  	v4 =	vperm.xlane v3, v0;
	_ =	sdelay $0x1  }
0x113: {  	v4 =	vadd.s32 v1, v4;
	_ =	sdelay $0x1  }
0x114: {  	v3 =	vperm.xlane v3, v2;
	_ =	sdelay $0x1  }
0x115: {  	s22 =	simm.s32 $0xE200;
	v3 =	vadd.s32 v1, v3  }
0x116: {  	[hbm4b:s2+s3] =	stream.indirect_vreg.scatter [tilespmem:s22], [sflag:$0x2], $0x80, v4, vm0, $0xb8;
	[tilespmem:$0x10200] =	vst v63  }
0x117: {  	_ = 	snop  }
0x118: {  	[hbm4b:s6+s3] =	stream.indirect_vreg.scatter [tilespmem:s24], [sflag:$0x2], $0x80, v4, vm0, $0xb8;
	[tilespmem:$0x10200] =	vst v63  }
0x119: {  	p0 =	sne.s32 s18, $0x30;
	s23 =	simm.s32 $0xF200  }
0x11a: {  	[hbm4b:s2+s3] =	stream.indirect_vreg.scatter [tilespmem:s23], [sflag:$0x2], $0x80, v3, vm0, $0xb8;
	[tilespmem:$0x10200] =	vst v63  }
.Ltmp0:
0x11b: {  	_ = 	snop;
	(pc) =	sbr.rel @p0 .LBB2_2-.Ltmp0, $4  }
0x11c: {  	[hbm4b:s6+s3] =	stream.indirect_vreg.scatter [tilespmem:s28], [sflag:$0x2], $0x80, v3, vm0, $0xb8;
	[tilespmem:$0x10200] =	vst v63  }
0x11d: {  	_ =	swait.ge [sflag:s0], $0x8000  }
0x11e: {  	[sflag:s0] =	ssyncset.done $0x0  }
0x11f: {  	s18 =	sadd.s32 $0x10, s18;
	[sflag:s0] =	ssyncadd.s32 $0xFFFF8000  }
0x120: {  	s0 =	rddreg [dreg:$0xa]  }
0x121: {  	s18 =	rddreg [dreg:$0x9];
	s0 =	sadd.s32 $0x1, s0  }
0x122: {  	p0 =	sne.s32 s0, s18  }
.Ltmp1:
0x123: {  	_ = 	snop;
	(pc) =	sbr.rel @p0 .LBB2_1-.Ltmp1, $1  }
0x124: {  	_ =	sdelay $0x3  }
0x125: {  	_ =	sfence.sel $0x180000  }
0x126: {  	[bflag:$0x0] =	sbarrier.arrive $0xFFFF  }
0x127: {  	_ =	strace $0x90000050  }
0x128: {  	s0 =	stileid.u32;
	[bflag:$0x2] =	sbarrier.arrive $0xFFFF  }
0x129: {  	p0 =	sne.s32 s0, $0x0;
	s0 =	rddreg [dreg:$0x3]  }
0x12a: {  	s0 =	sadd.s32 @!p0 $0x100000, s0  }
0x12b: {  	[sflag:s0] =	ssyncadd.tile.s32 @!p0 $0x1;
	_ =	shalt  }
.Lfunc_end2:
_tile_overlayer_lowered:
.L_overlay_start_2:
0x12c: {  	(tag) =	ssettag $0x2  }
0x12d: {  	s0 =	rddreg [dreg:$0x0];
	s2 =	stileid.u32  }
0x12e: {  	s1 =	rddreg [dreg:$0x1];
	p0 =	sne.s32 s2, $0x0  }
0x12f: {  	s3 =	rddreg [dreg:$0x2];
	[bflag:$0x3] =	sbarrier.arrive $0xFFFF;
	s2 =	simm.s32 @!p0 $0x1C03  }
0x130: {  	[timem:s3], [sflag:s2] =	dma.local @!p0 [hbm:s0], s1  }
0x131: {  	s0 =	simm.s32 @!p0 $0x3  }
0x132: {  	_ =	swait.ge @!p0 [sflag:s0], s1  }
0x133: {  	s1 =	ssub.s32 @!p0 $0x0, s1;
	[sflag:s0] =	ssyncset.done @!p0 $0x0  }
0x134: {  	[sflag:s0] =	ssyncadd.s32 @!p0 s1  }
0x135: {  	[bflag:$0x3] =	sbarrier.arrive $0xFFFF  }
0x136: {  	_ =	shalt  }

// kernel: kernel.9.cloned.1.call-start
scs
__scs_entry_jumppad:
0x0: {  	(pc) =	sbr.rel $0x88, $3  }
0x1: {  	(tag) =	ssettag $0x0;
	lr =	simm.s32 $0x1  }
0x2: {  	[smem:$0x3F98] =	sst lr;
	_ =	strace $0xD0000000  }
0x3: {  	_ = 	snop  }
0x4: {  	_ = 	snop  }
0x5: {  	_ = 	snop  }
0x6: {  	_ = 	snop  }
0x7: {  	_ = 	snop  }
__scs_overlays_trampoline_lowered:
0x8: {  	[smem:$0x3FA7] =	sst s0  }
0x9: {  	[smem:$0x3FA8] =	sst s1  }
0xa: {  	[smem:$0x3FA9] =	sst s2  }
0xb: {  	[smem:$0x3FAA] =	sst s3  }
0xc: {  	[smem:$0x3FAB] =	sst s4  }
0xd: {  	[smem:$0x3FAC] =	sst s5  }
0xe: {  	[smem:$0x3FAD] =	sst s6  }
0xf: {  	[smem:$0x3FAE] =	sst s7  }
0x10: {  	[smem:$0x3FAF] =	sst s8  }
0x11: {  	[smem:$0x3FB0] =	sst s9;
	s0 =	simm.s32 @!p0 $0x0  }
0x12: {  	s1 =	sld [smem:$0x3F96];
	s0 =	simm.s32 @p0 $0x1  }
0x13: {  	[smem:$0x3FB1] =	sst s0;
	s0 =	simm.s32 @!p1 $0x0  }
0x14: {  	s2 =	sld [smem:$0x3F95];
	s0 =	simm.s32 @p1 $0x1  }
0x15: {  	[smem:$0x3FB2] =	sst s0;
	s0 =	simm.s32 @!p2 $0x0  }
0x16: {  	s3 =	sld [smem:$0x3FDB];
	s0 =	simm.s32 @p2 $0x1  }
0x17: {  	s4 =	simm.s32 $0x1BF5;
	[smem:$0x3FB4] =	sst s0  }
0x18: {  	s0 =	sld [smem:$0x3F97];
	_ =	swait.ge [sflag:s4], $0x0  }
0x19: {  	s7 =	sld [smem:$0x3F98]  }
0x1a: {  	s8 =	sadd.s32 $0xFFFFE003, lr  }
0x1b: {  	s9 =	sadd.s32 $0xFFFFFEF7, lr;
	s5 =	simm.s32 $0xFFFFFFFF;
	p2 =	slt.u32 s8, $0xFFFFF086  }
0x1c: {  	p1 =	slt.u32 s9, $0xF7A;
	s5 =	simm.s32 @!p2 $0x0  }
0x1d: {  	s5 =	simm.s32 @p1 $0x1;
	p0 =	seq.s32 s7, s2  }
0x1e: {  	s7 =	smul.u32 @!p0 $0xF7A, s2;
	p2 =	seq.s32 @!p0 s5, $0x0  }
0x1f: {  	s9 =	smul.u32 $0xF7A, s1;
	s8 =	simm.s32 @!p0 $0x1BF5;
	p2 =	por !p2, p0  }
0x20: {  	[sflag:s8] =	ssyncset.s32 @!p0 $0xFFFFF086;
	s6 =	sadd.s32 @!p0 s3, s7;
	s7 =	simm.s32 @!p0 $0x108  }
0x21: {  	s3 =	sadd.s32 s3, s9;
	s6 =	sadd.s32 @!p0 $0x88, s6;
	s7 =	simm.s32 @p2 $0x1082  }
0x22: {  	[simem:s7], [sflag:s8] =	dma.local @!p0 [hbm:s6], $0xF7A  }
0x23: {  	s9 =	sor.u32 $0xD0000000, s2;
	s6 =	simm.s32 $0x108;
	_ =	swait.ge @!p0 [sflag:s8], $0x0  }
0x24: {  	s3 =	sadd.s32 $0x88, s3;
	s6 =	simm.s32 @!p1 $0x1082;
	[sflag:s4] =	ssyncset.s32 $0xFFFFF086  }
0x25: {  	[simem:s6], [sflag:s4] =	dma.local [hbm:s3], $0xF7A  }
0x26: {  	[smem:$0x3F98] =	sst s1;
	(tag) =	ssettag s2;
	_ =	strace s9  }
0x27: {  	s1 =	sld [smem:$0x3FA8]  }
0x28: {  	s2 =	sld [smem:$0x3FA9]  }
0x29: {  	s4 =	sld [smem:$0x3FAB]  }
0x2a: {  	p0 =	seq.s32 s5, $0x0;
	s5 =	sld [smem:$0x3FAC]  }
0x2b: {  	s6 =	sld [smem:$0x3FAD]  }
0x2c: {  	s7 =	sld [smem:$0x3FAE]  }
0x2d: {  	s3 =	simm.s32 $0x108;
	s8 =	sld [smem:$0x3FAF]  }
0x2e: {  	s3 =	simm.s32 @!p0 $0x1082;
	s9 =	sld [smem:$0x3FB0]  }
0x2f: {  	lr =	sadd.s32 s0, s3;
	s0 =	sld [smem:$0x3FA7]  }
0x30: {  	s3 =	sld [smem:$0x3FAA]  }
0x31: {  	[smem:$0x3FB3] =	sst s10  }
0x32: {  	s10 =	sld [smem:$0x3FB1];
	_ =	sdelay $0x3  }
0x33: {  	p0 =	seq.s32 s10, $0x1;
	s10 =	sld [smem:$0x3FB3];
	_ =	sdelay $0x3  }
0x34: {  	[smem:$0x3FB3] =	sst s10  }
0x35: {  	s10 =	sld [smem:$0x3FB2];
	_ =	sdelay $0x3  }
0x36: {  	p1 =	seq.s32 s10, $0x1;
	s10 =	sld [smem:$0x3FB3];
	_ =	sdelay $0x3  }
0x37: {  	[smem:$0x3FB3] =	sst s10  }
0x38: {  	s10 =	sld [smem:$0x3FB4]  }
0x39: {  	_ = 	snop;
	(pc) =	sbr.ind lr, $3  }
0x3a: {  	_ = 	snop  }
0x3b: {  	_ = 	snop  }
0x3c: {  	p2 =	seq.s32 s10, $0x1;
	s10 =	sld [smem:$0x3FB3]  }
0x3d: {  	_ =	shalt  }
0x3e: {  	_ =	shalt  }
0x3f: {  	_ =	shalt  }
0x40: {  	_ =	shalt  }
0x41: {  	_ =	shalt  }
0x42: {  	_ =	shalt  }
0x43: {  	_ =	shalt  }
0x44: {  	_ =	shalt  }
0x45: {  	_ =	shalt  }
0x46: {  	_ =	shalt  }
0x47: {  	_ =	shalt  }
0x48: {  	_ =	shalt  }
0x49: {  	_ =	shalt  }
0x4a: {  	_ =	shalt  }
0x4b: {  	_ =	shalt  }
0x4c: {  	_ =	shalt  }
0x4d: {  	_ =	shalt  }
0x4e: {  	_ =	shalt  }
0x4f: {  	_ =	shalt  }
0x50: {  	_ =	shalt  }
0x51: {  	_ =	shalt  }
0x52: {  	_ =	shalt  }
0x53: {  	_ =	shalt  }
0x54: {  	_ =	shalt  }
0x55: {  	_ =	shalt  }
0x56: {  	_ =	shalt  }
0x57: {  	_ =	shalt  }
0x58: {  	_ =	shalt  }
0x59: {  	_ =	shalt  }
0x5a: {  	_ =	shalt  }
0x5b: {  	_ =	shalt  }
0x5c: {  	_ =	shalt  }
0x5d: {  	_ =	shalt  }
0x5e: {  	_ =	shalt  }
0x5f: {  	_ =	shalt  }
0x60: {  	_ =	shalt  }
0x61: {  	_ =	shalt  }
0x62: {  	_ =	shalt  }
0x63: {  	_ =	shalt  }
0x64: {  	_ =	shalt  }
0x65: {  	_ =	shalt  }
0x66: {  	_ =	shalt  }
0x67: {  	_ =	shalt  }
0x68: {  	_ =	shalt  }
0x69: {  	_ =	shalt  }
0x6a: {  	_ =	shalt  }
0x6b: {  	_ =	shalt  }
0x6c: {  	_ =	shalt  }
0x6d: {  	_ =	shalt  }
0x6e: {  	_ =	shalt  }
0x6f: {  	_ =	shalt  }
0x70: {  	_ =	shalt  }
0x71: {  	_ =	shalt  }
0x72: {  	_ =	shalt  }
0x73: {  	_ =	shalt  }
0x74: {  	_ =	shalt  }
0x75: {  	_ =	shalt  }
0x76: {  	_ =	shalt  }
0x77: {  	_ =	shalt  }
0x78: {  	_ =	shalt  }
0x79: {  	_ =	shalt  }
0x7a: {  	_ =	shalt  }
0x7b: {  	_ =	shalt  }
0x7c: {  	_ =	shalt  }
0x7d: {  	_ =	shalt  }
0x7e: {  	_ =	shalt  }
0x7f: {  	_ =	shalt  }
0x80: {  	_ =	shalt  }
0x81: {  	_ =	shalt  }
0x82: {  	_ =	shalt  }
0x83: {  	_ =	shalt  }
0x84: {  	_ =	shalt  }
0x85: {  	_ =	shalt  }
0x86: {  	_ =	shalt  }
0x87: {  	_ =	shalt  }
.Lfunc_end0:
.L_simem_size_0:
called_computation_lowered:
.L_overlay_start_0:
0x88: {  	s2 =	sld [smem:$0x3FD9]  }
0x89: {  	s3 =	sld [smem:$0x3FFE];
	_ =	sdelay $0x1  }
0x8a: {  	s1 =	srdreg.scid  }
0x8b: {  	s0 =	sand.u32 $0x1, s1  }
0x8c: {  	s15 =	sshll.u32 s0, $0xA;
	s2 =	sadd.s32 s3, s2  }
0x8d: {  	s2 =	sadd.s32 s2, s15  }
0x8e: {  	[smem:$0x3FBF] =	sst s2  }
0x8f: {  	_ = 	snop  }
0x90: {  	s16 =	sld [smem:$0x3FD0];
	_ =	sdelay $0x2  }
0x91: {  	s4 =	simm.s32 $0xB;
	s5 =	simm.s32 $0x10;
	s2 =	sld [smem:$0x3FC7]  }
0x92: {  	[smem:s5], [sflag:s4] =	dma.local [hbm:s16], $0x1  }
0x93: {  	_ =	swait.eq [sflag:s4], $0x1  }
0x94: {  	[sflag:s4] =	ssyncset.done $0x0  }
0x95: {  	[sflag:s4] =	ssyncadd.s32 $0xFFFFFFFF  }
0x96: {  	s17 =	sld [smem:$0x10];
	(tm) =	ssettm $0x1  }
0x97: {  	s18 =	sld [smem:$0x3FFB];
	_ =	sdelay $0x3  }
0x98: {  	_ =	strace s18  }
0x99: {  	s3 =	sld [smem:$0x3FFC];
	_ =	sdelay $0x3  }
0x9a: {  	_ =	strace s3  }
0x9b: {  	s3 =	sld [smem:$0x3FFD];
	_ =	sdelay $0x3  }
0x9c: {  	_ =	strace s3  }
0x9d: {  	_ =	strace $0x8FFFFFFF  }
0x9e: {  	s19 =	sld [smem:$0x3FDB];
	_ =	sdelay $0x1  }
0x9f: {  	s20 =	simm.s32 $_scs_section_size  }
0xa0: {  	s6 =	simm.s32 $_size__tile_overlayer_lowered;
	s7 =	simm.s32 $_tile_overlayer_lowered  }
0xa1: {  	s8 =	simm.s32 $0x1BFF;
	s21 =	sshll.u32 s7, $0x1;
	s5 =	sadd.s32 s20, s19  }
0xa2: {  	s22 =	simm.s32 $0x0;
	s6 =	sshll.u32 s6, $0x1;
	s7 =	sadd.s32 s21, s5  }
0xa3: {  	[timem:s22], [sflag:s8] =	dma.local [hbm:s7], s6  }
0xa4: {  	_ =	swait.ge [sflag:s8], s6  }
0xa5: {  	s6 =	ssub.s32 $0x0, s6;
	[sflag:s8] =	ssyncset.done $0x0  }
0xa6: {  	[sflag:s8] =	ssyncadd.s32 s6;
	_ =	sdelay $0x1  }
0xa7: {  	s23 =	simm.s32 $0x1B8B  }
0xa8: {  	_ =	swait.ge [sflag:s23], $0x1  }
0xa9: {  	[sflag:s23] =	ssyncset.done $0x0  }
0xaa: {  	[sflag:s23] =	ssyncadd.s32 $0xFFFFFFFF  }
0xab: {  	s6 =	sld [smem:$0x0]  }
0xac: {  	s7 =	sand.u32 $0xFFFFFFFE, s1  }
0xad: {  	p0 =	sne.s32 s1, s7  }
0xae: {  	s7 =	sshll.u32 @p0 s7, $0xE  }
0xaf: {  	s7 =	sadd.s32 @p0 $0x11B8D, s7;
	s8 =	sshll.u32 @p0 s6, $0x11  }
0xb0: {  	s7 =	sor.u32 @p0 s8, s7  }
0xb1: {  	[sflag:s7] =	ssyncadd.remote.s32 @p0 $0x1;
	_ =	sdelay $0x1  }
0xb2: {  	s7 =	simm.s32 @p0 $0x1B8D  }
0xb3: {  	_ =	swait.eq @p0 [sflag:s7], $0x1  }
0xb4: {  	[sflag:s7] =	ssyncadd.s32 @p0 $0xFFFFFFFF  }
0xb5: {  	s8 =	sshll.u32 @!p0 s1, $0xE  }
0xb6: {  	s8 =	sor.u32 @!p0 $0x4000, s8;
	s7 =	simm.s32 @!p0 $0x1B8D  }
0xb7: {  	s6 =	sshll.u32 @!p0 s6, $0x11;
	s8 =	sadd.s32 @!p0 $0x11B8D, s8;
	_ =	swait.eq @!p0 [sflag:s7], $0x1  }
0xb8: {  	s6 =	sor.u32 @!p0 s6, s8;
	[sflag:s7] =	ssyncadd.s32 @!p0 $0xFFFFFFFF  }
0xb9: {  	s25 =	simm.s32 $0x1B8E;
	s24 =	sld [smem:$0x3FFE];
	[sflag:s6] =	ssyncadd.remote.s32 @!p0 $0x1  }
0xba: {  	s26 =	simm.s32 $execute0_lowered;
	[smem:$0x3FD2] =	sst s25  }
0xbb: {  	s7 =	sshll.u32 s26, $0x1;
	_ =	strace $0x80000049;
	[dreg:$0x1] =	wrdreg $0xFFFFFFFF  }
0xbc: {  	s28 =	simm.s32 $_size_execute0_lowered;
	s5 =	sadd.s32 s5, s7;
	[dreg:$0x0] =	wrdreg $0x0  }
0xbd: {  	s7 =	sshll.u32 s28, $0x1;
	[dreg:$0x2] =	wrdreg s5  }
0xbe: {  	[dreg:$0x3] =	wrdreg s7  }
0xbf: {  	[dreg:$0x4] =	wrdreg $0xC0  }
0xc0: {  	_ =	task [dreg:s22], $0x5FFFF  }
0xc1: {  	[dreg:$0x1] =	wrdreg $0xFFFFFFFF  }
0xc2: {  	[dreg:$0x0] =	wrdreg $0x60  }
0xc3: {  	[dreg:$0x2] =	wrdreg s17  }
0xc4: {  	[dreg:$0x3] =	wrdreg s2  }
0xc5: {  	[dreg:$0x4] =	wrdreg s24  }
0xc6: {  	[dreg:$0x5] =	wrdreg $0x9  }
0xc7: {  	_ =	task.clear_ibuf [dreg:s22], $0x6FFFF;
	_ =	strace $0x90000049  }
0xc8: {  	s29 =	simm.s32 $0x9;
	_ =	strace $0x8000004B  }
0xc9: {  	_ =	swait.ge [sflag:s29], $0x1  }
0xca: {  	[sflag:s29] =	ssyncadd.s32 $0xFFFFFFFF  }
0xcb: {  	_ =	strace $0x9000004B  }
0xcc: {  	_ =	sfence  }
0xcd: {  	s30 =	sld [smem:$0x0];
	_ =	sdelay $0x2  }
0xce: {  	s31 =	sshll.u32 s1, $0xD;
	s1 =	sshrl.u32 s1, $0x2  }
0xcf: {  	s4 =	sand.u32 $0x4000, s31;
	s1 =	sadd.s32 s1, s30  }
0xd0: {  	s0 =	sor.u32 s4, s0;
	s1 =	sshll.u32 s1, $0x11  }
0xd1: {  	s0 =	sor.u32 s1, s0  }
0xd2: {  	s0 =	sadd.s32 $0x8F2B, s0  }
0xd3: {  	[sflag:s0] =	ssyncadd.remote.s32 $0x1  }
0xd4: {  	_ =	sfence.sel $0xFFFF  }
0xd5: {  	[dreg:$0x0] =	wrdreg $0xFFFFFFFF;
	(pc) =	sbr.abs _section_cstart, $3  }
0xd6: {  	[dreg:$0x1] =	wrdreg $0xFFFFFFFF  }
0xd7: {  	_ =	task.clear_ibuf [dreg:s22], $0x2FFFF;
	_ =	strace $0x9FFFFFFF  }
0xd8: {  	(tm) =	ssettm $0x7FFFFFFF  }
0xd9: {  	_ =	shalt  }
tec
execute0_lowered:
.L_overlay_start_1:
0x0: {  	(tag) =	ssettag $0x1  }
0x1: {  	s1 =	rddreg [dreg:$0x0]  }
0x2: {  	s0 =	rddreg [dreg:$0x1]  }
0x3: {  	s2 =	rddreg [dreg:$0x2];
	s4 =	srdreg.scid;
	s3 =	simm.s32 $0x0  }
0x4: {  	s9 =	stileid.u32;
	s10 =	simm.s32 $0x3;
	s11 =	simm.s32 $0x200  }
0x5: {  	s28 =	simm.s32 $0x8200;
	s29 =	simm.s32 $0x8A00;
	s30 =	simm.s32 $0x9200  }
0x6: {  	s31 =	simm.s32 $0x9A00;
	s12 =	simm.s32 $0xDA00;
	s13 =	simm.s32 $0xE200  }
0x7: {  	s14 =	simm.s32 $0xEA00;
	s15 =	simm.s32 $0xF200;
	s16 =	simm.s32 $0xFA00  }
0x8: {  	s17 =	simm.s32 $0x2;
	s18 =	simm.s32 $0x1;
	s20 =	simm.s32 $0x0  }
0x9: {  	s4 =	sand.u32 $0x1, s4;
	[smem:$0x7FF] =	sst s3;
	s6 =	sshll.u32 s9, $0x9  }
0xa: {  	s2 =	sadd.s32 $0x2000, s2;
	s24 =	sshll.u32 s9, $0xF;
	s9 =	simm.s32 $0xD200  }
0xb: {  	s5 =	sshll.u32 s4, $0xD;
	_ =	strace $0x8000004A;
	s7 =	ssub.s32 $0x2, s4  }
0xc: {  	s4 =	sshll.u32 s4, $0x13;
	s5 =	sor.u32 s6, s5;
	s21 =	sshrl.u32 s7, $0x1  }
0xd: {  	s8 =	sshrl.u32 s5, $0x3;
	s6 =	ssub.s32 s7, s21;
	s22 =	sshll.u32 s5, $0x6  }
0xe: {  	s5 =	sadd.s32 $0x100, s1;
	s7 =	simm.s32 $0xC200;
	s0 =	sadd.s32 s0, s8  }
0xf: {  	s25 =	smax.u32 s6, $0x1;
	s6 =	simm.s32 $0xBA00;
	s8 =	simm.s32 $0xCA00  }
0x10: {  	[dreg:$0x4] =	wrdreg s0;
	s0 =	sadd.s32 s22, s2;
	s2 =	sadd.s32 s4, s2  }
.Ltmp0:
0x11: {  	[dreg:$0x7] =	wrdreg s25;
	s23 =	sadd.s32 $0x6000, s0;
	(pc) =	sbr.rel .LBB2_1-.Ltmp0, $4  }
0x12: {  	s25 =	simm.s32 $0x7200;
	s0 =	sadd.s32 $0x7000, s0;
	[dreg:$0x5] =	wrdreg s23  }
0x13: {  	v2 =	vlaneseq.u32;
	s4 =	simm.s32 $0xB200;
	s26 =	sadd.s32 s24, s2;
	[dreg:$0x6] =	wrdreg s0  }
0x14: {  	vm0 =	vmmov $0xffff;
	v1 =	vshrl.u32 v2, $0x3;
	s24 =	simm.s32 $0x6A00;
	s2 =	simm.s32 $0xAA00;
	[dreg:$0x8] =	wrdreg s26  }
0x15: {  	v0 =	vand.u32 $0x7, v2;
	v2 =	vor.u32 $0x8, v2;
	v1 =	vmul.u32 $0x8, v1;
	s23 =	simm.s32 $0x6200;
	s26 =	simm.s32 $0x7A00;
	s0 =	simm.s32 $0xA200  }
.LBB2_6:
0x16: {  	_ =	swait.ge [sflag:s18], $0x8000  }
0x17: {  	[sflag:s18] =	ssyncset.done $0x0  }
0x18: {  	s19 =	rddreg [dreg:$0x5];
	[sflag:s18] =	ssyncadd.s32 $0xFFFF8000  }
0x19: {  	[hbm4b:s19+s3] =	stream.linear.scatter [tilespmem:s11], [sflag:$0x3], $0x8000, $0x38;
	[tilespmem:$0x10200] =	vst v63  }
0x1a: {  	_ =	swait.ge [sflag:s10], $0x8000  }
0x1b: {  	[sflag:s10] =	ssyncset.done $0x0  }
0x1c: {  	[sflag:s10] =	ssyncadd.s32 $0xFFFF8000  }
0x1d: {  	_ =	swait.ge [sflag:s17], $0x8000  }
0x1e: {  	[sflag:s17] =	ssyncset.done $0x0  }
0x1f: {  	s21 =	rddreg [dreg:$0x6];
	[sflag:s17] =	ssyncadd.s32 $0xFFFF8000  }
0x20: {  	[hbm4b:s21+s3] =	stream.linear.scatter [tilespmem:s28], [sflag:$0x3], $0x8000, $0x38;
	[tilespmem:$0x10200] =	vst v63  }
0x21: {  	_ =	swait.ge [sflag:s10], $0x8000  }
0x22: {  	s20 =	rddreg [dreg:$0x9]  }
0x23: {  	s22 =	rddreg [dreg:$0x7];
	s20 =	sadd.s32 $0x1, s20  }
0x24: {  	p0 =	sne.s32 s20, s22  }
.Ltmp1:
0x25: {  	_ = 	snop;
	(pc) =	sbr.rel @!p0 .LBB2_7-.Ltmp1, $3  }
0x26: {  	_ =	sdelay $0x1  }
0x27: {  	[sflag:s10] =	ssyncset.done $0x0  }
0x28: {  	[sflag:s10] =	ssyncadd.s32 $0xFFFF8000  }
.LBB2_1:
0x29: {  	[dreg:$0x9] =	wrdreg s20  }
0x2a: {  	s19 =	rddreg [dreg:$0x4]  }
0x2b: {  	[tilespmem:s3], [sflag:$0x3] =	stream.linear.gather [hbm4b:s19+s3], $0x200, $0x38;
	[tilespmem:$0x10200] =	vst v63  }
0x2c: {  	_ =	swait.ge [sflag:s10], $0x200  }
0x2d: {  	[sflag:s10] =	ssyncset.done $0x0  }
0x2e: {  	[sflag:s10] =	ssyncadd.s32 $0xFFFFFE00  }
0x2f: {  	v3 =	vld [tilespmem:$0x0];
	_ =	sdelay $0x4  }
0x30: {  	v4 =	vshll.u32 v3, $0x2  }
0x31: {  	v3 =	vand.u32 $0x7, v3;
	v4 =	vand.u32 $0xFFFFFFE0, v4  }
0x32: {  	v3 =	vor.u32 v3, v4  }
0x33: {  	v4 =	vperm.xlane v3, v0;
	_ =	sdelay $0x1  }
0x34: {  	v4 =	vadd.s32 v1, v4;
	_ =	sdelay $0x1  }
0x35: {  	v3 =	vperm.xlane v3, v2;
	_ =	sdelay $0x1  }
0x36: {  	v3 =	vadd.s32 v1, v3  }
0x37: {  	[tilespmem:s11], [sflag:$0x1] =	stream.indirect_vreg.gather [hbm4b:s1+s3], $0x80, v4, vm0, $0xb8;
	[tilespmem:$0x10200] =	vst v63  }
0x38: {  	s21 =	simm.s32 $0xA00  }
0x39: {  	[tilespmem:s21], [sflag:$0x1] =	stream.indirect_vreg.gather [hbm4b:s5+s3], $0x80, v4, vm0, $0xb8;
	[tilespmem:$0x10200] =	vst v63  }
0x3a: {  	s22 =	simm.s32 $0x1200  }
0x3b: {  	[tilespmem:s22], [sflag:$0x1] =	stream.indirect_vreg.gather [hbm4b:s1+s3], $0x80, v3, vm0, $0xb8;
	[tilespmem:$0x10200] =	vst v63  }
0x3c: {  	s20 =	simm.s32 $0x1A00  }
0x3d: {  	[tilespmem:s20], [sflag:$0x1] =	stream.indirect_vreg.gather [hbm4b:s5+s3], $0x80, v3, vm0, $0xb8;
	[tilespmem:$0x10200] =	vst v63  }
0x3e: {  	v3 =	vld [tilespmem:$0x10];
	_ =	sdelay $0x4  }
0x3f: {  	v57 =	vshll.u32 v3, $0x2  }
0x40: {  	v3 =	vand.u32 $0x7, v3;
	v4 =	vand.u32 $0xFFFFFFE0, v57  }
0x41: {  	v3 =	vor.u32 v3, v4  }
0x42: {  	v4 =	vperm.xlane v3, v0;
	_ =	sdelay $0x1  }
0x43: {  	v4 =	vadd.s32 v1, v4;
	_ =	sdelay $0x1  }
0x44: {  	v3 =	vperm.xlane v3, v2;
	_ =	sdelay $0x1  }
0x45: {  	s21 =	simm.s32 $0x2200;
	v3 =	vadd.s32 v1, v3  }
0x46: {  	[tilespmem:s21], [sflag:$0x1] =	stream.indirect_vreg.gather [hbm4b:s1+s3], $0x80, v4, vm0, $0xb8;
	[tilespmem:$0x10200] =	vst v63  }
0x47: {  	s22 =	simm.s32 $0x2A00  }
0x48: {  	[tilespmem:s22], [sflag:$0x1] =	stream.indirect_vreg.gather [hbm4b:s5+s3], $0x80, v4, vm0, $0xb8;
	[tilespmem:$0x10200] =	vst v63  }
0x49: {  	s20 =	simm.s32 $0x3200  }
0x4a: {  	[tilespmem:s20], [sflag:$0x1] =	stream.indirect_vreg.gather [hbm4b:s1+s3], $0x80, v3, vm0, $0xb8;
	[tilespmem:$0x10200] =	vst v63  }
0x4b: {  	s21 =	simm.s32 $0x3A00  }
0x4c: {  	[tilespmem:s21], [sflag:$0x1] =	stream.indirect_vreg.gather [hbm4b:s5+s3], $0x80, v3, vm0, $0xb8;
	[tilespmem:$0x10200] =	vst v63  }
0x4d: {  	v3 =	vld [tilespmem:$0x20];
	_ =	sdelay $0x4  }
0x4e: {  	v58 =	vshll.u32 v3, $0x2  }
0x4f: {  	v3 =	vand.u32 $0x7, v3;
	v4 =	vand.u32 $0xFFFFFFE0, v58  }
0x50: {  	v3 =	vor.u32 v3, v4  }
0x51: {  	v4 =	vperm.xlane v3, v0;
	_ =	sdelay $0x1  }
0x52: {  	v4 =	vadd.s32 v1, v4;
	_ =	sdelay $0x1  }
0x53: {  	v3 =	vperm.xlane v3, v2;
	_ =	sdelay $0x1  }
0x54: {  	s22 =	simm.s32 $0x4200;
	v3 =	vadd.s32 v1, v3  }
0x55: {  	[tilespmem:s22], [sflag:$0x1] =	stream.indirect_vreg.gather [hbm4b:s1+s3], $0x80, v4, vm0, $0xb8;
	[tilespmem:$0x10200] =	vst v63  }
0x56: {  	s20 =	simm.s32 $0x4A00  }
0x57: {  	[tilespmem:s20], [sflag:$0x1] =	stream.indirect_vreg.gather [hbm4b:s5+s3], $0x80, v4, vm0, $0xb8;
	[tilespmem:$0x10200] =	vst v63  }
0x58: {  	s21 =	simm.s32 $0x5200  }
0x59: {  	[tilespmem:s21], [sflag:$0x1] =	stream.indirect_vreg.gather [hbm4b:s1+s3], $0x80, v3, vm0, $0xb8;
	[tilespmem:$0x10200] =	vst v63  }
0x5a: {  	s22 =	simm.s32 $0x5A00  }
0x5b: {  	[tilespmem:s22], [sflag:$0x1] =	stream.indirect_vreg.gather [hbm4b:s5+s3], $0x80, v3, vm0, $0xb8;
	[tilespmem:$0x10200] =	vst v63  }
0x5c: {  	v3 =	vld [tilespmem:$0x30];
	_ =	sdelay $0x4  }
0x5d: {  	v59 =	vshll.u32 v3, $0x2  }
0x5e: {  	v3 =	vand.u32 $0x7, v3;
	v4 =	vand.u32 $0xFFFFFFE0, v59  }
0x5f: {  	v3 =	vor.u32 v3, v4  }
0x60: {  	v4 =	vperm.xlane v3, v0;
	_ =	sdelay $0x1  }
0x61: {  	v4 =	vadd.s32 v1, v4;
	_ =	sdelay $0x1  }
0x62: {  	v3 =	vperm.xlane v3, v2;
	_ =	sdelay $0x1  }
0x63: {  	v3 =	vadd.s32 v1, v3  }
0x64: {  	[tilespmem:s23], [sflag:$0x1] =	stream.indirect_vreg.gather [hbm4b:s1+s3], $0x80, v4, vm0, $0xb8;
	[tilespmem:$0x10200] =	vst v63  }
0x65: {  	_ = 	snop  }
0x66: {  	[tilespmem:s24], [sflag:$0x1] =	stream.indirect_vreg.gather [hbm4b:s5+s3], $0x80, v4, vm0, $0xb8;
	[tilespmem:$0x10200] =	vst v63  }
0x67: {  	_ = 	snop  }
0x68: {  	[tilespmem:s25], [sflag:$0x1] =	stream.indirect_vreg.gather [hbm4b:s1+s3], $0x80, v3, vm0, $0xb8;
	[tilespmem:$0x10200] =	vst v63  }
0x69: {  	_ = 	snop  }
0x6a: {  	[tilespmem:s26], [sflag:$0x1] =	stream.indirect_vreg.gather [hbm4b:s5+s3], $0x80, v3, vm0, $0xb8;
	[tilespmem:$0x10200] =	vst v63  }
0x6b: {  	v3 =	vld [tilespmem:$0x40];
	_ =	sdelay $0x4  }
0x6c: {  	v60 =	vshll.u32 v3, $0x2  }
0x6d: {  	v3 =	vand.u32 $0x7, v3;
	v4 =	vand.u32 $0xFFFFFFE0, v60  }
0x6e: {  	v3 =	vor.u32 v3, v4  }
0x6f: {  	v4 =	vperm.xlane v3, v0;
	_ =	sdelay $0x1  }
0x70: {  	v4 =	vadd.s32 v1, v4;
	_ =	sdelay $0x1  }
0x71: {  	v3 =	vperm.xlane v3, v2;
	_ =	sdelay $0x1  }
0x72: {  	v3 =	vadd.s32 v1, v3  }
0x73: {  	[tilespmem:s28], [sflag:$0x2] =	stream.indirect_vreg.gather [hbm4b:s1+s3], $0x80, v4, vm0, $0xb8;
	[tilespmem:$0x10200] =	vst v63  }
0x74: {  	_ = 	snop  }
0x75: {  	[tilespmem:s29], [sflag:$0x2] =	stream.indirect_vreg.gather [hbm4b:s5+s3], $0x80, v4, vm0, $0xb8;
	[tilespmem:$0x10200] =	vst v63  }
0x76: {  	_ = 	snop  }
0x77: {  	[tilespmem:s30], [sflag:$0x2] =	stream.indirect_vreg.gather [hbm4b:s1+s3], $0x80, v3, vm0, $0xb8;
	[tilespmem:$0x10200] =	vst v63  }
0x78: {  	_ = 	snop  }
0x79: {  	[tilespmem:s31], [sflag:$0x2] =	stream.indirect_vreg.gather [hbm4b:s5+s3], $0x80, v3, vm0, $0xb8;
	[tilespmem:$0x10200] =	vst v63  }
0x7a: {  	v3 =	vld [tilespmem:$0x50];
	_ =	sdelay $0x4  }
0x7b: {  	v61 =	vshll.u32 v3, $0x2  }
0x7c: {  	v3 =	vand.u32 $0x7, v3;
	v4 =	vand.u32 $0xFFFFFFE0, v61  }
0x7d: {  	v3 =	vor.u32 v3, v4  }
0x7e: {  	v4 =	vperm.xlane v3, v0;
	_ =	sdelay $0x1  }
0x7f: {  	v4 =	vadd.s32 v1, v4;
	_ =	sdelay $0x1  }
0x80: {  	v3 =	vperm.xlane v3, v2;
	_ =	sdelay $0x1  }
0x81: {  	v3 =	vadd.s32 v1, v3  }
0x82: {  	[tilespmem:s0], [sflag:$0x2] =	stream.indirect_vreg.gather [hbm4b:s1+s3], $0x80, v4, vm0, $0xb8;
	[tilespmem:$0x10200] =	vst v63  }
0x83: {  	_ = 	snop  }
0x84: {  	[tilespmem:s2], [sflag:$0x2] =	stream.indirect_vreg.gather [hbm4b:s5+s3], $0x80, v4, vm0, $0xb8;
	[tilespmem:$0x10200] =	vst v63  }
0x85: {  	_ = 	snop  }
0x86: {  	[tilespmem:s4], [sflag:$0x2] =	stream.indirect_vreg.gather [hbm4b:s1+s3], $0x80, v3, vm0, $0xb8;
	[tilespmem:$0x10200] =	vst v63  }
0x87: {  	_ = 	snop  }
0x88: {  	[tilespmem:s6], [sflag:$0x2] =	stream.indirect_vreg.gather [hbm4b:s5+s3], $0x80, v3, vm0, $0xb8;
	[tilespmem:$0x10200] =	vst v63  }
0x89: {  	v3 =	vld [tilespmem:$0x60];
	_ =	sdelay $0x4  }
0x8a: {  	v62 =	vshll.u32 v3, $0x2  }
0x8b: {  	v3 =	vand.u32 $0x7, v3;
	v4 =	vand.u32 $0xFFFFFFE0, v62  }
0x8c: {  	v3 =	vor.u32 v3, v4  }
0x8d: {  	v4 =	vperm.xlane v3, v0;
	_ =	sdelay $0x1  }
0x8e: {  	v4 =	vadd.s32 v1, v4;
	_ =	sdelay $0x1  }
0x8f: {  	v3 =	vperm.xlane v3, v2;
	_ =	sdelay $0x1  }
0x90: {  	v3 =	vadd.s32 v1, v3  }
0x91: {  	[tilespmem:s7], [sflag:$0x2] =	stream.indirect_vreg.gather [hbm4b:s1+s3], $0x80, v4, vm0, $0xb8;
	[tilespmem:$0x10200] =	vst v63  }
0x92: {  	_ = 	snop  }
0x93: {  	[tilespmem:s8], [sflag:$0x2] =	stream.indirect_vreg.gather [hbm4b:s5+s3], $0x80, v4, vm0, $0xb8;
	[tilespmem:$0x10200] =	vst v63  }
0x94: {  	_ = 	snop  }
0x95: {  	[tilespmem:s9], [sflag:$0x2] =	stream.indirect_vreg.gather [hbm4b:s1+s3], $0x80, v3, vm0, $0xb8;
	[tilespmem:$0x10200] =	vst v63  }
0x96: {  	_ = 	snop  }
0x97: {  	[tilespmem:s12], [sflag:$0x2] =	stream.indirect_vreg.gather [hbm4b:s5+s3], $0x80, v3, vm0, $0xb8;
	[tilespmem:$0x10200] =	vst v63  }
0x98: {  	v3 =	vld [tilespmem:$0x70];
	_ =	sdelay $0x4  }
0x99: {  	v63 =	vshll.u32 v3, $0x2  }
0x9a: {  	v3 =	vand.u32 $0x7, v3;
	v4 =	vand.u32 $0xFFFFFFE0, v63  }
0x9b: {  	v3 =	vor.u32 v3, v4  }
0x9c: {  	v4 =	vperm.xlane v3, v0;
	_ =	sdelay $0x1  }
0x9d: {  	v4 =	vadd.s32 v1, v4;
	_ =	sdelay $0x2  }
0x9e: {  	v3 =	vperm.xlane v3, v2;
	_ =	sdelay $0x1  }
0x9f: {  	v3 =	vadd.s32 v1, v3;
	[tilespmem:s13], [sflag:$0x2] =	stream.indirect_vreg.gather [hbm4b:s1+s3], $0x80, v4, vm0, $0xb8;
	[tilespmem:$0x10200] =	vst v63  }
0xa0: {  	_ = 	snop  }
0xa1: {  	[tilespmem:s14], [sflag:$0x2] =	stream.indirect_vreg.gather [hbm4b:s5+s3], $0x80, v4, vm0, $0xb8;
	[tilespmem:$0x10200] =	vst v63  }
.Ltmp2:
0xa2: {  	_ = 	snop;
	(pc) =	sbr.rel .LBB2_2-.Ltmp2, $4  }
0xa3: {  	_ = 	snop  }
0xa4: {  	[tilespmem:s15], [sflag:$0x2] =	stream.indirect_vreg.gather [hbm4b:s1+s3], $0x80, v3, vm0, $0xb8;
	[tilespmem:$0x10200] =	vst v63  }
0xa5: {  	s19 =	simm.s32 $0xB0;
	s20 =	rddreg [dreg:$0x8];
	s21 =	simm.s32 $0x0  }
0xa6: {  	[tilespmem:s16], [sflag:$0x2] =	stream.indirect_vreg.gather [hbm4b:s5+s3], $0x80, v3, vm0, $0xb8;
	[tilespmem:$0x10200] =	vst v63  }
.LBB2_4:
0xa7: {  	_ =	swait.ge [sflag:s17], $0x8000  }
0xa8: {  	[sflag:s17] =	ssyncset.done $0x0  }
0xa9: {  	[sflag:s17] =	ssyncadd.s32 $0xFFFF8000  }
0xaa: {  	[hbm4b:s20+s3] =	stream.linear.scatter [tilespmem:s28], [sflag:$0x3], $0x8000, $0x38;
	[tilespmem:$0x10200] =	vst v63  }
0xab: {  	_ =	swait.ge [sflag:s10], $0x8000  }
0xac: {  	[sflag:s10] =	ssyncset.done $0x0  }
0xad: {  	[sflag:s10] =	ssyncadd.s32 $0xFFFF8000  }
0xae: {  	v3 =	vld [tilespmem:s19+$0xFFFFFFD0];
	_ =	sdelay $0x4  }
0xaf: {  	v4 =	vshll.u32 v3, $0x2  }
0xb0: {  	v3 =	vand.u32 $0x7, v3;
	v4 =	vand.u32 $0xFFFFFFE0, v4  }
0xb1: {  	v3 =	vor.u32 v3, v4  }
0xb2: {  	v4 =	vperm.xlane v3, v0;
	_ =	sdelay $0x1  }
0xb3: {  	v4 =	vadd.s32 v1, v4;
	_ =	sdelay $0x1  }
0xb4: {  	v3 =	vperm.xlane v3, v2;
	_ =	sdelay $0x1  }
0xb5: {  	v3 =	vadd.s32 v1, v3  }
0xb6: {  	[tilespmem:s28], [sflag:$0x2] =	stream.indirect_vreg.gather [hbm4b:s1+s3], $0x80, v4, vm0, $0xb8;
	[tilespmem:$0x10200] =	vst v63  }
0xb7: {  	_ = 	snop  }
0xb8: {  	[tilespmem:s29], [sflag:$0x2] =	stream.indirect_vreg.gather [hbm4b:s5+s3], $0x80, v4, vm0, $0xb8;
	[tilespmem:$0x10200] =	vst v63  }
0xb9: {  	_ = 	snop  }
0xba: {  	[tilespmem:s30], [sflag:$0x2] =	stream.indirect_vreg.gather [hbm4b:s1+s3], $0x80, v3, vm0, $0xb8;
	[tilespmem:$0x10200] =	vst v63  }
0xbb: {  	_ = 	snop  }
0xbc: {  	[tilespmem:s31], [sflag:$0x2] =	stream.indirect_vreg.gather [hbm4b:s5+s3], $0x80, v3, vm0, $0xb8;
	[tilespmem:$0x10200] =	vst v63  }
0xbd: {  	v3 =	vld [tilespmem:s19+$0xFFFFFFE0];
	_ =	sdelay $0x4  }
0xbe: {  	v61 =	vshll.u32 v3, $0x2  }
0xbf: {  	v3 =	vand.u32 $0x7, v3;
	v4 =	vand.u32 $0xFFFFFFE0, v61  }
0xc0: {  	v3 =	vor.u32 v3, v4  }
0xc1: {  	v4 =	vperm.xlane v3, v0;
	_ =	sdelay $0x1  }
0xc2: {  	v4 =	vadd.s32 v1, v4;
	_ =	sdelay $0x1  }
0xc3: {  	v3 =	vperm.xlane v3, v2;
	_ =	sdelay $0x1  }
0xc4: {  	v3 =	vadd.s32 v1, v3  }
0xc5: {  	[tilespmem:s0], [sflag:$0x2] =	stream.indirect_vreg.gather [hbm4b:s1+s3], $0x80, v4, vm0, $0xb8;
	[tilespmem:$0x10200] =	vst v63  }
0xc6: {  	_ = 	snop  }
0xc7: {  	[tilespmem:s2], [sflag:$0x2] =	stream.indirect_vreg.gather [hbm4b:s5+s3], $0x80, v4, vm0, $0xb8;
	[tilespmem:$0x10200] =	vst v63  }
0xc8: {  	_ = 	snop  }
0xc9: {  	[tilespmem:s4], [sflag:$0x2] =	stream.indirect_vreg.gather [hbm4b:s1+s3], $0x80, v3, vm0, $0xb8;
	[tilespmem:$0x10200] =	vst v63  }
0xca: {  	_ = 	snop  }
0xcb: {  	[tilespmem:s6], [sflag:$0x2] =	stream.indirect_vreg.gather [hbm4b:s5+s3], $0x80, v3, vm0, $0xb8;
	[tilespmem:$0x10200] =	vst v63  }
0xcc: {  	v3 =	vld [tilespmem:s19+$0xFFFFFFF0];
	_ =	sdelay $0x4  }
0xcd: {  	v62 =	vshll.u32 v3, $0x2  }
0xce: {  	v3 =	vand.u32 $0x7, v3;
	v4 =	vand.u32 $0xFFFFFFE0, v62  }
0xcf: {  	v3 =	vor.u32 v3, v4  }
0xd0: {  	v4 =	vperm.xlane v3, v0;
	_ =	sdelay $0x1  }
0xd1: {  	v4 =	vadd.s32 v1, v4;
	_ =	sdelay $0x1  }
0xd2: {  	v3 =	vperm.xlane v3, v2;
	_ =	sdelay $0x1  }
0xd3: {  	v3 =	vadd.s32 v1, v3  }
0xd4: {  	[tilespmem:s7], [sflag:$0x2] =	stream.indirect_vreg.gather [hbm4b:s1+s3], $0x80, v4, vm0, $0xb8;
	[tilespmem:$0x10200] =	vst v63  }
0xd5: {  	_ = 	snop  }
0xd6: {  	[tilespmem:s8], [sflag:$0x2] =	stream.indirect_vreg.gather [hbm4b:s5+s3], $0x80, v4, vm0, $0xb8;
	[tilespmem:$0x10200] =	vst v63  }
0xd7: {  	_ = 	snop  }
0xd8: {  	[tilespmem:s9], [sflag:$0x2] =	stream.indirect_vreg.gather [hbm4b:s1+s3], $0x80, v3, vm0, $0xb8;
	[tilespmem:$0x10200] =	vst v63  }
0xd9: {  	_ = 	snop  }
0xda: {  	[tilespmem:s12], [sflag:$0x2] =	stream.indirect_vreg.gather [hbm4b:s5+s3], $0x80, v3, vm0, $0xb8;
	[tilespmem:$0x10200] =	vst v63  }
0xdb: {  	v3 =	vld [tilespmem:s19+$0x0];
	_ =	sdelay $0x4  }
0xdc: {  	v63 =	vshll.u32 v3, $0x2  }
0xdd: {  	v3 =	vand.u32 $0x7, v3;
	v4 =	vand.u32 $0xFFFFFFE0, v63  }
0xde: {  	v3 =	vor.u32 v3, v4  }
0xdf: {  	v4 =	vperm.xlane v3, v0;
	_ =	sdelay $0x1  }
0xe0: {  	v4 =	vadd.s32 v1, v4;
	_ =	sdelay $0x1  }
0xe1: {  	v3 =	vperm.xlane v3, v2;
	_ =	sdelay $0x1  }
0xe2: {  	v3 =	vadd.s32 v1, v3  }
0xe3: {  	[tilespmem:s13], [sflag:$0x2] =	stream.indirect_vreg.gather [hbm4b:s1+s3], $0x80, v4, vm0, $0xb8;
	[tilespmem:$0x10200] =	vst v63  }
0xe4: {  	_ = 	snop  }
0xe5: {  	[tilespmem:s14], [sflag:$0x2] =	stream.indirect_vreg.gather [hbm4b:s5+s3], $0x80, v4, vm0, $0xb8;
	[tilespmem:$0x10200] =	vst v63  }
0xe6: {  	_ = 	snop  }
0xe7: {  	[tilespmem:s15], [sflag:$0x2] =	stream.indirect_vreg.gather [hbm4b:s1+s3], $0x80, v3, vm0, $0xb8;
	[tilespmem:$0x10200] =	vst v63  }
0xe8: {  	_ = 	snop  }
0xe9: {  	[tilespmem:s16], [sflag:$0x2] =	stream.indirect_vreg.gather [hbm4b:s5+s3], $0x80, v3, vm0, $0xb8;
	[tilespmem:$0x10200] =	vst v63  }
.LBB2_5:
0xea: {  	s21 =	sadd.s32 $0x1, s21  }
0xeb: {  	p0 =	sne.s32 s21, $0x6  }
.Ltmp3:
0xec: {  	_ = 	snop;
	(pc) =	sbr.rel @!p0 .LBB2_6-.Ltmp3, $2  }
0xed: {  	_ =	sdelay $0x2  }
0xee: {  	s20 =	sadd.s32 $0x1000, s20;
	s19 =	sadd.s32 $0x40, s19  }
.LBB2_2:
0xef: {  	s22 =	sand.u32 $0x1, s21  }
0xf0: {  	p0 =	seq.s32 s22, $0x1  }
.Ltmp4:
0xf1: {  	_ = 	snop;
	(pc) =	sbr.rel @p0 .LBB2_4-.Ltmp4, $1  }
0xf2: {  	_ =	sdelay $0x3  }
0xf3: {  	_ =	swait.ge [sflag:s18], $0x8000  }
0xf4: {  	[sflag:s18] =	ssyncset.done $0x0  }
0xf5: {  	[sflag:s18] =	ssyncadd.s32 $0xFFFF8000  }
0xf6: {  	[hbm4b:s20+s3] =	stream.linear.scatter [tilespmem:s11], [sflag:$0x3], $0x8000, $0x38;
	[tilespmem:$0x10200] =	vst v63  }
0xf7: {  	_ =	swait.ge [sflag:s10], $0x8000  }
0xf8: {  	[sflag:s10] =	ssyncset.done $0x0  }
0xf9: {  	[sflag:s10] =	ssyncadd.s32 $0xFFFF8000  }
0xfa: {  	v3 =	vld [tilespmem:s19+$0xFFFFFFD0];
	_ =	sdelay $0x4  }
0xfb: {  	v4 =	vshll.u32 v3, $0x2  }
0xfc: {  	v3 =	vand.u32 $0x7, v3;
	v4 =	vand.u32 $0xFFFFFFE0, v4  }
0xfd: {  	v3 =	vor.u32 v3, v4  }
0xfe: {  	v4 =	vperm.xlane v3, v0;
	_ =	sdelay $0x1  }
0xff: {  	v4 =	vadd.s32 v1, v4;
	_ =	sdelay $0x1  }
0x100: {  	v3 =	vperm.xlane v3, v2;
	_ =	sdelay $0x1  }
0x101: {  	v3 =	vadd.s32 v1, v3  }
0x102: {  	[tilespmem:s11], [sflag:$0x1] =	stream.indirect_vreg.gather [hbm4b:s1+s3], $0x80, v4, vm0, $0xb8;
	[tilespmem:$0x10200] =	vst v63  }
0x103: {  	s22 =	simm.s32 $0xA00  }
0x104: {  	[tilespmem:s22], [sflag:$0x1] =	stream.indirect_vreg.gather [hbm4b:s5+s3], $0x80, v4, vm0, $0xb8;
	[tilespmem:$0x10200] =	vst v63  }
0x105: {  	s22 =	simm.s32 $0x1200  }
0x106: {  	[tilespmem:s22], [sflag:$0x1] =	stream.indirect_vreg.gather [hbm4b:s1+s3], $0x80, v3, vm0, $0xb8;
	[tilespmem:$0x10200] =	vst v63  }
0x107: {  	s22 =	simm.s32 $0x1A00  }
0x108: {  	[tilespmem:s22], [sflag:$0x1] =	stream.indirect_vreg.gather [hbm4b:s5+s3], $0x80, v3, vm0, $0xb8;
	[tilespmem:$0x10200] =	vst v63  }
0x109: {  	v3 =	vld [tilespmem:s19+$0xFFFFFFE0];
	_ =	sdelay $0x4  }
0x10a: {  	v61 =	vshll.u32 v3, $0x2  }
0x10b: {  	v3 =	vand.u32 $0x7, v3;
	v4 =	vand.u32 $0xFFFFFFE0, v61  }
0x10c: {  	v3 =	vor.u32 v3, v4  }
0x10d: {  	v4 =	vperm.xlane v3, v0;
	_ =	sdelay $0x1  }
0x10e: {  	v4 =	vadd.s32 v1, v4;
	_ =	sdelay $0x1  }
0x10f: {  	v3 =	vperm.xlane v3, v2;
	_ =	sdelay $0x1  }
0x110: {  	s22 =	simm.s32 $0x2200;
	v3 =	vadd.s32 v1, v3  }
0x111: {  	[tilespmem:s22], [sflag:$0x1] =	stream.indirect_vreg.gather [hbm4b:s1+s3], $0x80, v4, vm0, $0xb8;
	[tilespmem:$0x10200] =	vst v63  }
0x112: {  	s22 =	simm.s32 $0x2A00  }
0x113: {  	[tilespmem:s22], [sflag:$0x1] =	stream.indirect_vreg.gather [hbm4b:s5+s3], $0x80, v4, vm0, $0xb8;
	[tilespmem:$0x10200] =	vst v63  }
0x114: {  	s22 =	simm.s32 $0x3200  }
0x115: {  	[tilespmem:s22], [sflag:$0x1] =	stream.indirect_vreg.gather [hbm4b:s1+s3], $0x80, v3, vm0, $0xb8;
	[tilespmem:$0x10200] =	vst v63  }
0x116: {  	s22 =	simm.s32 $0x3A00  }
0x117: {  	[tilespmem:s22], [sflag:$0x1] =	stream.indirect_vreg.gather [hbm4b:s5+s3], $0x80, v3, vm0, $0xb8;
	[tilespmem:$0x10200] =	vst v63  }
0x118: {  	v3 =	vld [tilespmem:s19+$0xFFFFFFF0];
	_ =	sdelay $0x4  }
0x119: {  	v62 =	vshll.u32 v3, $0x2  }
0x11a: {  	v3 =	vand.u32 $0x7, v3;
	v4 =	vand.u32 $0xFFFFFFE0, v62  }
0x11b: {  	v3 =	vor.u32 v3, v4  }
0x11c: {  	v4 =	vperm.xlane v3, v0;
	_ =	sdelay $0x1  }
0x11d: {  	v4 =	vadd.s32 v1, v4;
	_ =	sdelay $0x1  }
0x11e: {  	v3 =	vperm.xlane v3, v2;
	_ =	sdelay $0x1  }
0x11f: {  	s22 =	simm.s32 $0x4200;
	v3 =	vadd.s32 v1, v3  }
0x120: {  	[tilespmem:s22], [sflag:$0x1] =	stream.indirect_vreg.gather [hbm4b:s1+s3], $0x80, v4, vm0, $0xb8;
	[tilespmem:$0x10200] =	vst v63  }
0x121: {  	s22 =	simm.s32 $0x4A00  }
0x122: {  	[tilespmem:s22], [sflag:$0x1] =	stream.indirect_vreg.gather [hbm4b:s5+s3], $0x80, v4, vm0, $0xb8;
	[tilespmem:$0x10200] =	vst v63  }
0x123: {  	s22 =	simm.s32 $0x5200  }
0x124: {  	[tilespmem:s22], [sflag:$0x1] =	stream.indirect_vreg.gather [hbm4b:s1+s3], $0x80, v3, vm0, $0xb8;
	[tilespmem:$0x10200] =	vst v63  }
0x125: {  	s22 =	simm.s32 $0x5A00  }
0x126: {  	[tilespmem:s22], [sflag:$0x1] =	stream.indirect_vreg.gather [hbm4b:s5+s3], $0x80, v3, vm0, $0xb8;
	[tilespmem:$0x10200] =	vst v63  }
0x127: {  	v3 =	vld [tilespmem:s19+$0x0];
	_ =	sdelay $0x4  }
0x128: {  	v63 =	vshll.u32 v3, $0x2  }
0x129: {  	v3 =	vand.u32 $0x7, v3;
	v4 =	vand.u32 $0xFFFFFFE0, v63  }
0x12a: {  	v3 =	vor.u32 v3, v4  }
0x12b: {  	v4 =	vperm.xlane v3, v0;
	_ =	sdelay $0x1  }
0x12c: {  	v4 =	vadd.s32 v1, v4;
	_ =	sdelay $0x2  }
0x12d: {  	v3 =	vperm.xlane v3, v2;
	_ =	sdelay $0x1  }
0x12e: {  	v3 =	vadd.s32 v1, v3;
	[tilespmem:s23], [sflag:$0x1] =	stream.indirect_vreg.gather [hbm4b:s1+s3], $0x80, v4, vm0, $0xb8;
	[tilespmem:$0x10200] =	vst v63  }
0x12f: {  	_ = 	snop  }
0x130: {  	[tilespmem:s24], [sflag:$0x1] =	stream.indirect_vreg.gather [hbm4b:s5+s3], $0x80, v4, vm0, $0xb8;
	[tilespmem:$0x10200] =	vst v63  }
.Ltmp5:
0x131: {  	_ = 	snop;
	(pc) =	sbr.rel .LBB2_5-.Ltmp5, $4  }
0x132: {  	_ = 	snop  }
0x133: {  	[tilespmem:s25], [sflag:$0x1] =	stream.indirect_vreg.gather [hbm4b:s1+s3], $0x80, v3, vm0, $0xb8;
	[tilespmem:$0x10200] =	vst v63  }
0x134: {  	_ = 	snop  }
0x135: {  	[tilespmem:s26], [sflag:$0x1] =	stream.indirect_vreg.gather [hbm4b:s5+s3], $0x80, v3, vm0, $0xb8;
	[tilespmem:$0x10200] =	vst v63  }
.LBB2_7:
0x136: {  	_ =	sfence.sel $0x180000  }
0x137: {  	[bflag:$0x0] =	sbarrier.arrive $0xFFFF  }
0x138: {  	_ =	strace $0x9000004A  }
0x139: {  	s0 =	stileid.u32;
	[bflag:$0x2] =	sbarrier.arrive $0xFFFF  }
0x13a: {  	p0 =	sne.s32 s0, $0x0;
	s0 =	rddreg [dreg:$0x3]  }
0x13b: {  	s0 =	sadd.s32 @!p0 $0x100000, s0  }
0x13c: {  	[sflag:s0] =	ssyncadd.tile.s32 @!p0 $0x1;
	_ =	shalt  }
.Lfunc_end2:
_tile_overlayer_lowered:
.L_overlay_start_2:
0x13d: {  	(tag) =	ssettag $0x2  }
0x13e: {  	s0 =	rddreg [dreg:$0x0];
	s2 =	stileid.u32  }
0x13f: {  	s1 =	rddreg [dreg:$0x1];
	p0 =	sne.s32 s2, $0x0  }
0x140: {  	s3 =	rddreg [dreg:$0x2];
	[bflag:$0x3] =	sbarrier.arrive $0xFFFF;
	s2 =	simm.s32 @!p0 $0x1C03  }
0x141: {  	[timem:s3], [sflag:s2] =	dma.local @!p0 [hbm:s0], s1  }
0x142: {  	s0 =	simm.s32 @!p0 $0x3  }
0x143: {  	_ =	swait.ge @!p0 [sflag:s0], s1  }
0x144: {  	s1 =	ssub.s32 @!p0 $0x0, s1;
	[sflag:s0] =	ssyncset.done @!p0 $0x0  }
0x145: {  	[sflag:s0] =	ssyncadd.s32 @!p0 s1  }
0x146: {  	[bflag:$0x3] =	sbarrier.arrive $0xFFFF  }
0x147: {  	_ =	shalt  }

</sc_bundles>
